<compile_context>
chip_gen: v7x
topology: tpu7x:2x2x1
jax: 0.10.2.dev20260603
libtpu: 0.0.44.dev20260713+nightly
codegen_flags: <defaults>
</compile_context>

<pallas_src>
import functools

import jax
import jax.numpy as jnp
from jax import lax
from jax.experimental import pallas as pl
from jax.experimental.pallas import tpu as pltpu
from jax.experimental.pallas import tpu_sc as plsc

_BN = 2000
_SC_CHUNK = 128


def _softplus(x):
    return jnp.maximum(x, 0.0) + jnp.log(1.0 + jnp.exp(-jnp.abs(x)))


def _sigmoid(x):
    return 1.0 / (1.0 + jnp.exp(-x))


def _mm(a, b):
    return jnp.dot(a, b, preferred_element_type=jnp.float32)


def _layernorm(x, scale, bias, eps=1e-6):
    mu = jnp.mean(x, axis=1, keepdims=True)
    xc = x - mu
    var = jnp.mean(xc * xc, axis=1, keepdims=True)
    return xc * lax.rsqrt(var + eps) * scale + bias


def _conv_accum(af, pc, gv_ref, nbr_ref, wef, bef, wg, bg, wm, bm, tileT,
                sumT):
    pe = _mm(nbr_ref[...], wef) + bef
    pcs = _mm(pc, tileT)
    inter = pcs * gv_ref[...] * pe
    gate = _sigmoid(_mm(inter, wg) + bg)
    mag = _softplus(_mm(inter, wm) + bm)
    return af + _mm(gate * mag, sumT)




def _prep_body(x_ref, we_ref, be_ref, ls_ref, lb_ref, wc_ref, bc_ref,
               wn_ref, bn_ref, af0_ref, pc_ref, pn_ref):
    af0 = _mm(x_ref[...], we_ref[...]) + be_ref[...]
    an = _layernorm(af0, ls_ref[...], lb_ref[...])
    af0_ref[...] = af0
    pc_ref[...] = _mm(an, wc_ref[...]) + bc_ref[...]
    pn_ref[...] = _mm(an, wn_ref[...]) + bn_ref[...]


def _conv1_body(af_ref, pc_ref, gv_ref, nbr_ref, wef_ref, bef_ref, wg_ref,
                bg_ref, wm_ref, bm_ref, tt_ref, st_ref, ls_ref, lb_ref,
                wc_ref, bc_ref, wn_ref, bn_ref, af1_ref, pc2_ref, pn2_ref):
    af1 = _conv_accum(af_ref[...], pc_ref[...], gv_ref, nbr_ref,
                      wef_ref[...], bef_ref[...], wg_ref[...], bg_ref[...],
                      wm_ref[...], bm_ref[...], tt_ref[...], st_ref[...])
    an = _layernorm(af1, ls_ref[...], lb_ref[...])
    af1_ref[...] = af1
    pc2_ref[...] = _mm(an, wc_ref[...]) + bc_ref[...]
    pn2_ref[...] = _mm(an, wn_ref[...]) + bn_ref[...]


def _conv2_body(af_ref, pc_ref, gv_ref, nbr_ref, wef_ref, bef_ref,
                wg_ref, bg_ref, wm_ref, bm_ref, tt_ref, st_ref, w1_ref,
                b1_ref, w2_ref, b2_ref, w3_ref, b3_ref, ja_ref, jb_ref,
                bja_ref, aij_ref, tbl_ref, ec_ref):
    af2 = _conv_accum(af_ref[...], pc_ref[...], gv_ref, nbr_ref,
                      wef_ref[...], bef_ref[...], wg_ref[...], bg_ref[...],
                      wm_ref[...], bm_ref[...], tt_ref[...], st_ref[...])
    h = _softplus(_mm(af2, w1_ref[...]) + b1_ref[...])
    h2 = _softplus(_mm(h, w2_ref[...]) + b2_ref[...])
    ec_ref[...] = _mm(h2, w3_ref[...]) + b3_ref[...]
    aij_ref[...] = _mm(af2, ja_ref[...]) + bja_ref[...]
    tbl_ref[...] = _mm(af2, jb_ref[...])


def _edgej_body(aij_ref, gv_ref, sj_ref, nbr_ref, ec_ref, sp_ref, tai_ref,
                jcf_ref, wp_ref, wones_ref, sel0_ref, bj2_ref, out_ref):
    @pl.when(pl.program_id(0) == 0)
    def _():
        out_ref[...] = jnp.zeros_like(out_ref)

    mh = (_mm(aij_ref[...], tai_ref[...]) + gv_ref[...]
          + _mm(nbr_ref[...], jcf_ref[...]))
    jh = _softplus(mh)
    jij = _mm(jh, wp_ref[...]) + bj2_ref[...]
    maskf = (_mm(nbr_ref[...], wones_ref[...]) > 0.0).astype(jnp.float32)
    sj = _mm(sj_ref[...], sel0_ref[...])
    accm = jnp.sum(jij * sj * maskf, axis=1, keepdims=True)
    es = ec_ref[...] + sp_ref[...] * accm
    out_ref[...] += jnp.sum(es, axis=0, keepdims=True)




def _sc_gather(table, idx_flat):
    B, = idx_flat.shape
    V, W = table.shape
    info = plsc.get_sparse_core_info()
    nw = info.num_cores * info.num_subcores
    bpw = B // nw
    chunk = _SC_CHUNK
    nchunks = bpw // chunk
    tail = bpw - nchunks * chunk
    assert nchunks % 3 == 0 and nchunks >= 6
    ntri = nchunks // 3
    mesh = plsc.VectorSubcoreMesh(core_axis_name="c", subcore_axis_name="s")

    scratch = (
        [pltpu.VMEM((chunk,), jnp.int32)] * 3
        + [pltpu.VMEM((chunk, W), jnp.float32)] * 3
        + [pltpu.SemaphoreType.DMA] * 9
    )
    if tail:
        scratch += [
            pltpu.VMEM((tail,), jnp.int32),
            pltpu.VMEM((tail, W), jnp.float32),
        ]

    @functools.partial(
        pl.kernel, mesh=mesh,
        out_type=jax.ShapeDtypeStruct((B, W), jnp.float32),
        compiler_params=pltpu.CompilerParams(use_tc_tiling_on_sc=False),
        scratch_types=scratch,
    )
    def gather_k(table_hbm, idx_hbm, out_hbm, i0, i1, i2, r0, r1, r2,
                 si0, si1, si2, sg0, sg1, sg2, so0, so1, so2, *tails):
        sid = lax.axis_index("s")
        cid = lax.axis_index("c")
        wid = sid * info.num_cores + cid
        base = wid * bpw
        ib = [i0, i1, i2]
        rb = [r0, r1, r2]
        si = [si0, si1, si2]
        sg = [sg0, sg1, sg2]
        so = [so0, so1, so2]

        def idx_start(k, b):
            pltpu.async_copy(idx_hbm.at[pl.ds(base + k * chunk, chunk)],
                             ib[b], si[b])

        def idx_wait(b):
            pltpu.make_async_copy(idx_hbm.at[pl.ds(base, chunk)], ib[b],
                                  si[b]).wait()

        def gat_wait(b):
            pltpu.make_async_copy(table_hbm.at[ib[b]], rb[b], sg[b]).wait()

        def out_wait(b):
            pltpu.make_async_copy(rb[b], out_hbm.at[pl.ds(base, chunk)],
                                  so[b]).wait()

        idx_start(0, 0)

        def body(c3, carry):
            k0 = 3 * c3

            def step(b, k, first, may_prefetch):
                idx_wait(b)

                @pl.when(c3 > 0)
                def _():
                    out_wait(b)

                pltpu.async_copy(table_hbm.at[ib[b]], rb[b], sg[b])
                nb = (b + 1) % 3
                if may_prefetch:
                    idx_start(k + 1, nb)
                else:
                    @pl.when(c3 + 1 < ntri)
                    def _():
                        idx_start(k + 1, nb)
                pb = (b + 2) % 3
                if first:
                    @pl.when(c3 > 0)
                    def _():
                        gat_wait(pb)
                        pltpu.async_copy(
                            rb[pb],
                            out_hbm.at[pl.ds(base + (k - 1) * chunk, chunk)],
                            so[pb])
                else:
                    gat_wait(pb)
                    pltpu.async_copy(
                        rb[pb],
                        out_hbm.at[pl.ds(base + (k - 1) * chunk, chunk)],
                        so[pb])

            step(0, k0, True, True)
            step(1, k0 + 1, False, True)
            step(2, k0 + 2, False, False)
            return carry

        lax.fori_loop(0, ntri, body, 0)
        gat_wait(2)
        pltpu.async_copy(
            rb[2], out_hbm.at[pl.ds(base + (nchunks - 1) * chunk, chunk)],
            so[2])
        if tail:
            idx_t, rows_t = tails
            off = base + nchunks * chunk
            pltpu.sync_copy(idx_hbm.at[pl.ds(off, tail)], idx_t)
            pltpu.async_copy(table_hbm.at[idx_t], rows_t, sg[0]).wait()
            pltpu.sync_copy(rows_t, out_hbm.at[pl.ds(off, tail)])
        out_wait(0)
        out_wait(1)
        out_wait(2)

    return gather_k(table, idx_flat)




def _row_spec(d):
    return pl.BlockSpec((_BN, d), lambda i: (i, 0))


def _full_spec(arr):
    nd = arr.ndim
    return pl.BlockSpec(arr.shape, lambda i, _nd=nd: (0,) * _nd)


def _tc_call(body, grid, ins, in_row_dims, out_shapes, out_row_dims):
    in_specs = [_row_spec(d) if d is not None else _full_spec(a)
                for a, d in zip(ins, in_row_dims)]
    out_specs = [_row_spec(d) if d is not None else
                 pl.BlockSpec(s.shape, lambda i: (0, 0))
                 for s, d in zip(out_shapes, out_row_dims)]
    return pl.pallas_call(
        body,
        grid=(grid,),
        in_specs=in_specs,
        out_specs=out_specs[0] if len(out_specs) == 1 else out_specs,
        out_shape=out_shapes[0] if len(out_shapes) == 1 else out_shapes,
    )(*ins)


def kernel(atom_fea, nbr_fea, nbr_fea_idx, atom_spins, params):
    N, M = nbr_fea_idx.shape
    d_e = nbr_fea.shape[-1]
    We, be = params["embed"]
    d_a = We.shape[1]
    Wne, bne = params["nbr_embed"]
    c1, c2 = params["convs"]
    ro1w, ro1b = params["ro1"]
    ro2w, ro2b = params["ro2"]
    ro3w, ro3b = params["ro3"]
    j1w, j1b = params["J1"]
    j2w, j2b = params["J2"]
    d_o = j1w.shape[1]
    wg3 = d_o

    f32 = jnp.float32
    r2 = lambda v: v.reshape(1, -1).astype(f32)

    wef1 = Wne @ c1["phi_e"][0]
    bef1 = bne @ c1["phi_e"][0] + c1["phi_e"][1]
    wef2 = Wne @ c2["phi_e"][0]
    bef2 = bne @ c2["phi_e"][0] + c2["phi_e"][1]
    j1a = j1w[:d_a]
    j1b_w = j1w[d_a:2 * d_a]
    j1c = Wne @ j1w[2 * d_a:]
    bj1f = j1b + bne @ j1w[2 * d_a:]

    eyeM = jnp.eye(M, dtype=jnp.float32)
    onesM = jnp.ones((1, M), jnp.float32)
    bd = lambda w: jnp.kron(eyeM, w.astype(jnp.float32))
    tl = lambda b: jnp.tile(b.astype(jnp.float32).reshape(-1), M)
    wef1_bd, bef1_t = bd(wef1), tl(bef1)
    wg1_bd, bg1_t = bd(c1["gate"][0]), tl(c1["gate"][1])
    wm1_bd, bm1_t = bd(c1["mag"][0]), tl(c1["mag"][1])
    wef2_bd, bef2_t = bd(wef2), tl(bef2)
    wg2_bd, bg2_t = bd(c2["gate"][0]), tl(c2["gate"][1])
    wm2_bd, bm2_t = bd(c2["mag"][0]), tl(c2["mag"][1])
    eyeA = jnp.eye(d_a, dtype=jnp.float32)
    tileT = jnp.kron(onesM, eyeA)
    sumT = jnp.kron(onesM.T, eyeA)
    taiT = jnp.kron(onesM, jnp.eye(d_o, dtype=jnp.float32))
    jcf_bd = bd(j1c)
    wp_bd = bd(j2w)
    wones_bd = bd(jnp.ones((d_e, 1), jnp.float32))
    bj2_t = tl(j2b)

    nbr2d = nbr_fea.reshape(N, M * d_e)
    idx_flat = nbr_fea_idx.reshape(N * M).astype(jnp.int32)
    grid = N // _BN
    nodes = lambda d: jax.ShapeDtypeStruct((N, d), f32)

    sel0 = bd(jnp.eye(16, 1, dtype=jnp.float32))
    g_sj = _sc_gather(jnp.tile(atom_spins.astype(f32), (1, 16)),
                      idx_flat).reshape(N, M * 16)

    af0, pc1, pn1 = _tc_call(
        _prep_body, grid,
        [atom_fea, We, r2(be), r2(c1["ln_scale"]), r2(c1["ln_bias"]),
         c1["phi_c"][0], r2(c1["phi_c"][1]), c1["phi_n"][0], r2(c1["phi_n"][1])],
        [atom_fea.shape[1], None, None, None, None, None, None, None, None],
        [nodes(d_a), nodes(d_a), nodes(d_a)], [d_a, d_a, d_a])

    g1 = _sc_gather(pn1, idx_flat).reshape(N, M * d_a)

    af1, pc2, pn2 = _tc_call(
        _conv1_body, grid,
        [af0, pc1, g1, nbr2d, wef1_bd, r2(bef1_t),
         wg1_bd, r2(bg1_t), wm1_bd, r2(bm1_t), tileT, sumT,
         r2(c2["ln_scale"]), r2(c2["ln_bias"]),
         c2["phi_c"][0], r2(c2["phi_c"][1]), c2["phi_n"][0], r2(c2["phi_n"][1])],
        [d_a, d_a, M * d_a, M * d_e] + [None] * 14,
        [nodes(d_a), nodes(d_a), nodes(d_a)], [d_a, d_a, d_a])

    g2 = _sc_gather(pn2, idx_flat).reshape(N, M * d_a)

    aij, tbl, echem = _tc_call(
        _conv2_body, grid,
        [af1, pc2, g2, nbr2d, wef2_bd, r2(bef2_t),
         wg2_bd, r2(bg2_t), wm2_bd, r2(bm2_t), tileT, sumT,
         ro1w, r2(ro1b), ro2w, r2(ro2b), ro3w, r2(ro3b),
         j1a, j1b_w, r2(bj1f)],
        [d_a, d_a, M * d_a, M * d_e] + [None] * 17,
        [nodes(d_o), nodes(wg3), nodes(1)], [d_o, wg3, 1])

    g3 = _sc_gather(tbl, idx_flat).reshape(N, M * wg3)

    total = _tc_call(
        _edgej_body, grid,
        [aij, g3, g_sj, nbr2d, echem, atom_spins, taiT, jcf_bd, wp_bd,
         wones_bd, sel0, r2(bj2_t)],
        [d_o, M * wg3, M * 16, M * d_e, 1, 1] + [None] * 6,
        [jax.ShapeDtypeStruct((1, 1), f32)], [None])

    return total.reshape(())

# --- scband reference (transcript-rebuilt; emitter-appended) ---
"""Pipeline reference for scband-neural-ce-heisenberg-lite-28149215658681 (READ-ONLY COPY).

The authoritative reference and input builder live on the scoring server;
editing this copy changes nothing except your own understanding.
"""

import jax, jax.numpy as jnp
import numpy as np


def _dense(x, p):
    W, b = p
    return x @ W + b


def _ln(x, scale, bias, eps=1e-6):
    mu = jnp.mean(x, axis=-1, keepdims=True)
    var = jnp.var(x, axis=-1, keepdims=True)
    return (x - mu) * jax.lax.rsqrt(var + eps) * scale + bias


def _init_dense(key, din, dout):
    kw, _ = jax.random.split(key)
    W = jax.random.normal(kw, (din, dout), jnp.float32) / np.sqrt(din)
    b = jnp.zeros((dout,), jnp.float32)
    return (W, b)


def _make_params():
    key = jax.random.key(42)
    ks = jax.random.split(key, 12)
    d_in, d_a, d_e, d_h, d_o = 128, 32, 16, 64, 16
    params = {}
    params["embed"] = _init_dense(ks[0], d_in, d_a)
    params["nbr_embed"] = _init_dense(ks[1], d_e, d_e)
    convs = []
    for i in range(2):
        kk = jax.random.split(ks[2 + i], 5)
        convs.append({
            "ln_scale": jnp.ones((d_a,), jnp.float32),
            "ln_bias": jnp.zeros((d_a,), jnp.float32),
            "phi_c": _init_dense(kk[0], d_a, d_a),
            "phi_n": _init_dense(kk[1], d_a, d_a),
            "phi_e": _init_dense(kk[2], d_e, d_a),
            "gate": _init_dense(kk[3], d_a, d_a),
            "mag": _init_dense(kk[4], d_a, d_a),
        })
    params["convs"] = convs
    params["ro1"] = _init_dense(ks[4], d_a, d_h)
    params["ro2"] = _init_dense(ks[5], d_h, d_h // 2)
    params["ro3"] = _init_dense(ks[6], d_h // 2, 1)
    params["J1"] = _init_dense(ks[7], 2 * d_a + d_e, d_o)
    params["J2"] = _init_dense(ks[8], d_o, 1)
    return params


def setup_inputs(seed: int = 0) -> dict:
    key = jax.random.key(seed)
    N, M, d_in, d_e = 50000, 16, 128, 16
    k1, k2, k3, k4 = jax.random.split(key, 4)
    atom_fea = jax.random.normal(k1, (N, d_in), jnp.float32)
    nbr_fea = jax.random.uniform(k2, (N, M, d_e), dtype=jnp.float32)
    nbr_fea_idx = jax.random.randint(k3, (N, M), 0, N)
    atom_spins = jax.random.normal(k4, (N, 1), jnp.float32)
    return {
        "atom_fea": atom_fea,
        "nbr_fea": nbr_fea,
        "nbr_fea_idx": nbr_fea_idx,
        "atom_spins": atom_spins,
        "params": _make_params(),
    }


def _forward(atom_fea, nbr_fea, atom_spins, params, nbr_fea_idx):
    N, M = nbr_fea_idx.shape
    af = _dense(atom_fea, params["embed"])
    nf = _dense(nbr_fea, params["nbr_embed"])
    for c in params["convs"]:
        an = _ln(af, c["ln_scale"], c["ln_bias"])
        nbr = jnp.take(an, nbr_fea_idx, axis=0)
        center = jnp.tile(an[:, None, :], (1, M, 1))
        inter = _dense(center, c["phi_c"]) * _dense(nbr, c["phi_n"]) * _dense(nf, c["phi_e"])
        gate = jax.nn.sigmoid(_dense(inter, c["gate"]))
        mag = jax.nn.softplus(_dense(inter, c["mag"]))
        af = af + jnp.sum(gate * mag, axis=1)
    h = jax.nn.softplus(_dense(af, params["ro1"]))
    h2 = jax.nn.softplus(_dense(h, params["ro2"]))
    E_chem = _dense(h2, params["ro3"])
    ai = jnp.tile(af[:, None, :], (1, M, 1))
    aj = jnp.take(af, nbr_fea_idx, axis=0)
    ec = jnp.concatenate([ai, aj, nf], axis=-1)
    Jh = jax.nn.softplus(_dense(ec, params["J1"]))
    Jij = _dense(Jh, params["J2"])
    s = atom_spins.squeeze(-1)
    si = jnp.tile(s[:, None], (1, M))
    sj = jnp.take(s, nbr_fea_idx, axis=0)
    sisj = (si * sj)[..., None]
    nbr_mask = jnp.any(nbr_fea > 0, axis=-1, keepdims=True)
    E_mag = jnp.sum(Jij * sisj * nbr_mask, axis=1)
    E_site = E_chem + E_mag
    return jnp.sum(E_site)


def reference(atom_fea, nbr_fea, nbr_fea_idx, atom_spins, params):
    return _forward(atom_fea, nbr_fea, atom_spins, params, nbr_fea_idx)

if __name__ == "__main__":
    import jax
    _d = setup_inputs()
    print(jax.jit(kernel)(*tuple(_d.values())))

</pallas_src>

<mosaic_0001>
#map = affine_map<(d0, d1) -> (0, 0)>
#map1 = affine_map<(d0, d1) -> (0)>
module attributes {stable_mosaic.version = 14 : i64} {
  func.func @gather_k(%arg0: i32, %arg1: i32, %arg2: memref<50000x16xf32, #tpu.memory_space<hbm>>, %arg3: memref<800000xi32, #tpu.memory_space<hbm>>, %arg4: memref<800000x16xf32, #tpu.memory_space<hbm>>, %arg5: memref<128xi32, #tpu.memory_space<vmem>>, %arg6: memref<128xi32, #tpu.memory_space<vmem>>, %arg7: memref<128xi32, #tpu.memory_space<vmem>>, %arg8: memref<128x16xf32, #tpu.memory_space<vmem>>, %arg9: memref<128x16xf32, #tpu.memory_space<vmem>>, %arg10: memref<128x16xf32, #tpu.memory_space<vmem>>, %arg11: memref<!tpu.dma_semaphore, #tpu.memory_space<semaphore_mem>>, %arg12: memref<!tpu.dma_semaphore, #tpu.memory_space<semaphore_mem>>, %arg13: memref<!tpu.dma_semaphore, #tpu.memory_space<semaphore_mem>>, %arg14: memref<!tpu.dma_semaphore, #tpu.memory_space<semaphore_mem>>, %arg15: memref<!tpu.dma_semaphore, #tpu.memory_space<semaphore_mem>>, %arg16: memref<!tpu.dma_semaphore, #tpu.memory_space<semaphore_mem>>, %arg17: memref<!tpu.dma_semaphore, #tpu.memory_space<semaphore_mem>>, %arg18: memref<!tpu.dma_semaphore, #tpu.memory_space<semaphore_mem>>, %arg19: memref<!tpu.dma_semaphore, #tpu.memory_space<semaphore_mem>>, %arg20: memref<40xi32, #tpu.memory_space<vmem>>, %arg21: memref<40x16xf32, #tpu.memory_space<vmem>>) attributes {dimension_semantics = [#tpu.dimension_semantics<core_parallel>, #tpu.dimension_semantics<subcore_parallel>], iteration_bounds = array<i64: 2, 16>, scalar_prefetch = 0 : i64, scratch_operands = 17 : i64, tpu.core_type = #tpu.core_type<sc_vector_subcore>, window_params = [{transform_indices = #map}, {transform_indices = #map1}, {transform_indices = #map}]} {
    %mul3A = arith.constant 2 : i32
    %mul3A_0 = arith.muli %arg1, %mul3A : i32
    %add3A = arith.addi %mul3A_0, %arg0 : i32
    %mul3A_1 = arith.constant 25000 : i32
    %mul3A_2 = arith.muli %add3A, %mul3A_1 : i32
    %add3A_3 = arith.constant 0 : i32
    %add3A_4 = arith.addi %mul3A_2, %add3A_3 : i32
    %dma_start3A = tpu.memref_slice %arg3[%add3A_4] : memref<800000xi32, #tpu.memory_space<hbm>> -> memref<128xi32, #tpu.memory_space<hbm>>
    %dma_start3A_5 = tpu.memref_slice %arg3[%add3A_4] : memref<800000xi32, #tpu.memory_space<hbm>> -> memref<128xi32, #tpu.memory_space<hbm>>
    tpu.enqueue_dma source(%dma_start3A_5 : memref<128xi32, #tpu.memory_space<hbm>>) target(%arg5 : memref<128xi32, #tpu.memory_space<vmem>>) target_semaphore(%arg11 : memref<!tpu.dma_semaphore, #tpu.memory_space<semaphore_mem>>)
    %scan3A = arith.constant 0 : i32
    %scan3A_6 = arith.constant 0 : i32
    %scan3A_7 = arith.constant 65 : i32
    %scan3A_8 = arith.addi %scan3A_6, %scan3A_7 : i32
    %scan3A_9 = arith.constant 1 : i32
    scf.for %scan3A_39 = %scan3A_6 to %scan3A_8 step %scan3A_9  : i32 {
      %mul3A_40 = arith.constant 3 : i32
      %mul3A_41 = arith.muli %mul3A_40, %scan3A_39 : i32
      %dma_wait3A_42 = tpu.memref_slice %arg3[%mul3A_2] : memref<800000xi32, #tpu.memory_space<hbm>> -> memref<128xi32, #tpu.memory_space<hbm>>
      %dma_wait3A_43 = tpu.memref_slice %arg3[%mul3A_2] : memref<800000xi32, #tpu.memory_space<hbm>> -> memref<128xi32, #tpu.memory_space<hbm>>
      tpu.wait_dma2 semaphore(%arg11 : memref<!tpu.dma_semaphore, #tpu.memory_space<semaphore_mem>>) src(%dma_wait3A_43 : memref<128xi32, #tpu.memory_space<hbm>>) dst(%arg5 : memref<128xi32, #tpu.memory_space<vmem>>)
      %gt3A = arith.constant 0 : i32
      %gt3A_44 = arith.cmpi sgt, %scan3A_39, %gt3A : i32
      %convert_element_type3A = arith.extui %gt3A_44 : i1 to i32
      %cond3A = arith.constant 0 : i32
      %cond3A_45 = arith.cmpi ne, %convert_element_type3A, %cond3A : i32
      scf.if %cond3A_45 {
        %dma_wait3A_121 = arith.constant 0 : i32
        %dma_wait3A_122 = tpu.memref_slice %arg4[%mul3A_2, %dma_wait3A_121] : memref<800000x16xf32, #tpu.memory_space<hbm>> -> memref<128x16xf32, #tpu.memory_space<hbm>>
        %dma_wait3A_123 = arith.constant 0 : i32
        %dma_wait3A_124 = tpu.memref_slice %arg4[%mul3A_2, %dma_wait3A_123] : memref<800000x16xf32, #tpu.memory_space<hbm>> -> memref<128x16xf32, #tpu.memory_space<hbm>>
        tpu.wait_dma2 semaphore(%arg17 : memref<!tpu.dma_semaphore, #tpu.memory_space<semaphore_mem>>) src(%arg8 : memref<128x16xf32, #tpu.memory_space<vmem>>) dst(%dma_wait3A_124 : memref<128x16xf32, #tpu.memory_space<hbm>>)
      } else {
      }
      %dma_start3A_46 = arith.constant 0 : i32
      %dma_start3A_47 = arith.constant 0 : i32
      %dma_start3A_48 = tpu.memref_slice %arg2[%dma_start3A_46, %dma_start3A_47] : memref<50000x16xf32, #tpu.memory_space<hbm>> -> memref<50000x16xf32, #tpu.memory_space<hbm>>
      tpu.enqueue_indirect_dma source(%dma_start3A_48 : memref<50000x16xf32, #tpu.memory_space<hbm>>) target(%arg8 : memref<128x16xf32, #tpu.memory_space<vmem>>) offsets(%arg5 : memref<128xi32, #tpu.memory_space<vmem>>) semaphore(%arg14 : memref<!tpu.dma_semaphore, #tpu.memory_space<semaphore_mem>>)
      %add3A_49 = arith.constant 1 : i32
      %add3A_50 = arith.addi %mul3A_41, %add3A_49 : i32
      %mul3A_51 = arith.constant 128 : i32
      %mul3A_52 = arith.muli %add3A_50, %mul3A_51 : i32
      %add3A_53 = arith.addi %mul3A_2, %mul3A_52 : i32
      %dma_start3A_54 = tpu.memref_slice %arg3[%add3A_53] : memref<800000xi32, #tpu.memory_space<hbm>> -> memref<128xi32, #tpu.memory_space<hbm>>
      %dma_start3A_55 = tpu.memref_slice %arg3[%add3A_53] : memref<800000xi32, #tpu.memory_space<hbm>> -> memref<128xi32, #tpu.memory_space<hbm>>
      tpu.enqueue_dma source(%dma_start3A_55 : memref<128xi32, #tpu.memory_space<hbm>>) target(%arg6 : memref<128xi32, #tpu.memory_space<vmem>>) target_semaphore(%arg12 : memref<!tpu.dma_semaphore, #tpu.memory_space<semaphore_mem>>)
      %gt3A_56 = arith.constant 0 : i32
      %gt3A_57 = arith.cmpi sgt, %scan3A_39, %gt3A_56 : i32
      %convert_element_type3A_58 = arith.extui %gt3A_57 : i1 to i32
      %cond3A_59 = arith.constant 0 : i32
      %cond3A_60 = arith.cmpi ne, %convert_element_type3A_58, %cond3A_59 : i32
      scf.if %cond3A_60 {
        %dma_wait3A_121 = arith.constant 0 : i32
        %dma_wait3A_122 = arith.constant 0 : i32
        %dma_wait3A_123 = tpu.memref_slice %arg2[%dma_wait3A_121, %dma_wait3A_122] : memref<50000x16xf32, #tpu.memory_space<hbm>> -> memref<50000x16xf32, #tpu.memory_space<hbm>>
        tpu.wait_indirect_dma semaphore(%arg16 : memref<!tpu.dma_semaphore, #tpu.memory_space<semaphore_mem>>) src(%dma_wait3A_123 : memref<50000x16xf32, #tpu.memory_space<hbm>>) dst(%arg10 : memref<128x16xf32, #tpu.memory_space<vmem>>)
        %sub3A_124 = arith.constant 1 : i32
        %sub3A_125 = arith.subi %mul3A_41, %sub3A_124 : i32
        %mul3A_126 = arith.constant 128 : i32
        %mul3A_127 = arith.muli %sub3A_125, %mul3A_126 : i32
        %add3A_128 = arith.addi %mul3A_2, %mul3A_127 : i32
        %dma_start3A_129 = arith.constant 0 : i32
        %dma_start3A_130 = tpu.memref_slice %arg4[%add3A_128, %dma_start3A_129] : memref<800000x16xf32, #tpu.memory_space<hbm>> -> memref<128x16xf32, #tpu.memory_space<hbm>>
        %dma_start3A_131 = arith.constant 0 : i32
        %dma_start3A_132 = tpu.memref_slice %arg4[%add3A_128, %dma_start3A_131] : memref<800000x16xf32, #tpu.memory_space<hbm>> -> memref<128x16xf32, #tpu.memory_space<hbm>>
        tpu.enqueue_dma source(%arg10 : memref<128x16xf32, #tpu.memory_space<vmem>>) target(%dma_start3A_132 : memref<128x16xf32, #tpu.memory_space<hbm>>) target_semaphore(%arg19 : memref<!tpu.dma_semaphore, #tpu.memory_space<semaphore_mem>>)
      } else {
      }
      %add3A_61 = arith.constant 1 : i32
      %add3A_62 = arith.addi %mul3A_41, %add3A_61 : i32
      %dma_wait3A_63 = tpu.memref_slice %arg3[%mul3A_2] : memref<800000xi32, #tpu.memory_space<hbm>> -> memref<128xi32, #tpu.memory_space<hbm>>
      %dma_wait3A_64 = tpu.memref_slice %arg3[%mul3A_2] : memref<800000xi32, #tpu.memory_space<hbm>> -> memref<128xi32, #tpu.memory_space<hbm>>
      tpu.wait_dma2 semaphore(%arg12 : memref<!tpu.dma_semaphore, #tpu.memory_space<semaphore_mem>>) src(%dma_wait3A_64 : memref<128xi32, #tpu.memory_space<hbm>>) dst(%arg6 : memref<128xi32, #tpu.memory_space<vmem>>)
      %gt3A_65 = arith.constant 0 : i32
      %gt3A_66 = arith.cmpi sgt, %scan3A_39, %gt3A_65 : i32
      %convert_element_type3A_67 = arith.extui %gt3A_66 : i1 to i32
      %cond3A_68 = arith.constant 0 : i32
      %cond3A_69 = arith.cmpi ne, %convert_element_type3A_67, %cond3A_68 : i32
      scf.if %cond3A_69 {
        %dma_wait3A_121 = arith.constant 0 : i32
        %dma_wait3A_122 = tpu.memref_slice %arg4[%mul3A_2, %dma_wait3A_121] : memref<800000x16xf32, #tpu.memory_space<hbm>> -> memref<128x16xf32, #tpu.memory_space<hbm>>
        %dma_wait3A_123 = arith.constant 0 : i32
        %dma_wait3A_124 = tpu.memref_slice %arg4[%mul3A_2, %dma_wait3A_123] : memref<800000x16xf32, #tpu.memory_space<hbm>> -> memref<128x16xf32, #tpu.memory_space<hbm>>
        tpu.wait_dma2 semaphore(%arg18 : memref<!tpu.dma_semaphore, #tpu.memory_space<semaphore_mem>>) src(%arg9 : memref<128x16xf32, #tpu.memory_space<vmem>>) dst(%dma_wait3A_124 : memref<128x16xf32, #tpu.memory_space<hbm>>)
      } else {
      }
      %dma_start3A_70 = arith.constant 0 : i32
      %dma_start3A_71 = arith.constant 0 : i32
      %dma_start3A_72 = tpu.memref_slice %arg2[%dma_start3A_70, %dma_start3A_71] : memref<50000x16xf32, #tpu.memory_space<hbm>> -> memref<50000x16xf32, #tpu.memory_space<hbm>>
      tpu.enqueue_indirect_dma source(%dma_start3A_72 : memref<50000x16xf32, #tpu.memory_space<hbm>>) target(%arg9 : memref<128x16xf32, #tpu.memory_space<vmem>>) offsets(%arg6 : memref<128xi32, #tpu.memory_space<vmem>>) semaphore(%arg15 : memref<!tpu.dma_semaphore, #tpu.memory_space<semaphore_mem>>)
      %add3A_73 = arith.constant 1 : i32
      %add3A_74 = arith.addi %add3A_62, %add3A_73 : i32
      %mul3A_75 = arith.constant 128 : i32
      %mul3A_76 = arith.muli %add3A_74, %mul3A_75 : i32
      %add3A_77 = arith.addi %mul3A_2, %mul3A_76 : i32
      %dma_start3A_78 = tpu.memref_slice %arg3[%add3A_77] : memref<800000xi32, #tpu.memory_space<hbm>> -> memref<128xi32, #tpu.memory_space<hbm>>
      %dma_start3A_79 = tpu.memref_slice %arg3[%add3A_77] : memref<800000xi32, #tpu.memory_space<hbm>> -> memref<128xi32, #tpu.memory_space<hbm>>
      tpu.enqueue_dma source(%dma_start3A_79 : memref<128xi32, #tpu.memory_space<hbm>>) target(%arg7 : memref<128xi32, #tpu.memory_space<vmem>>) target_semaphore(%arg13 : memref<!tpu.dma_semaphore, #tpu.memory_space<semaphore_mem>>)
      %dma_wait3A_80 = arith.constant 0 : i32
      %dma_wait3A_81 = arith.constant 0 : i32
      %dma_wait3A_82 = tpu.memref_slice %arg2[%dma_wait3A_80, %dma_wait3A_81] : memref<50000x16xf32, #tpu.memory_space<hbm>> -> memref<50000x16xf32, #tpu.memory_space<hbm>>
      tpu.wait_indirect_dma semaphore(%arg14 : memref<!tpu.dma_semaphore, #tpu.memory_space<semaphore_mem>>) src(%dma_wait3A_82 : memref<50000x16xf32, #tpu.memory_space<hbm>>) dst(%arg8 : memref<128x16xf32, #tpu.memory_space<vmem>>)
      %sub3A = arith.constant 1 : i32
      %sub3A_83 = arith.subi %add3A_62, %sub3A : i32
      %mul3A_84 = arith.constant 128 : i32
      %mul3A_85 = arith.muli %sub3A_83, %mul3A_84 : i32
      %add3A_86 = arith.addi %mul3A_2, %mul3A_85 : i32
      %dma_start3A_87 = arith.constant 0 : i32
      %dma_start3A_88 = tpu.memref_slice %arg4[%add3A_86, %dma_start3A_87] : memref<800000x16xf32, #tpu.memory_space<hbm>> -> memref<128x16xf32, #tpu.memory_space<hbm>>
      %dma_start3A_89 = arith.constant 0 : i32
      %dma_start3A_90 = tpu.memref_slice %arg4[%add3A_86, %dma_start3A_89] : memref<800000x16xf32, #tpu.memory_space<hbm>> -> memref<128x16xf32, #tpu.memory_space<hbm>>
      tpu.enqueue_dma source(%arg8 : memref<128x16xf32, #tpu.memory_space<vmem>>) target(%dma_start3A_90 : memref<128x16xf32, #tpu.memory_space<hbm>>) target_semaphore(%arg17 : memref<!tpu.dma_semaphore, #tpu.memory_space<semaphore_mem>>)
      %add3A_91 = arith.constant 2 : i32
      %add3A_92 = arith.addi %mul3A_41, %add3A_91 : i32
      %dma_wait3A_93 = tpu.memref_slice %arg3[%mul3A_2] : memref<800000xi32, #tpu.memory_space<hbm>> -> memref<128xi32, #tpu.memory_space<hbm>>
      %dma_wait3A_94 = tpu.memref_slice %arg3[%mul3A_2] : memref<800000xi32, #tpu.memory_space<hbm>> -> memref<128xi32, #tpu.memory_space<hbm>>
      tpu.wait_dma2 semaphore(%arg13 : memref<!tpu.dma_semaphore, #tpu.memory_space<semaphore_mem>>) src(%dma_wait3A_94 : memref<128xi32, #tpu.memory_space<hbm>>) dst(%arg7 : memref<128xi32, #tpu.memory_space<vmem>>)
      %gt3A_95 = arith.constant 0 : i32
      %gt3A_96 = arith.cmpi sgt, %scan3A_39, %gt3A_95 : i32
      %convert_element_type3A_97 = arith.extui %gt3A_96 : i1 to i32
      %cond3A_98 = arith.constant 0 : i32
      %cond3A_99 = arith.cmpi ne, %convert_element_type3A_97, %cond3A_98 : i32
      scf.if %cond3A_99 {
        %dma_wait3A_121 = arith.constant 0 : i32
        %dma_wait3A_122 = tpu.memref_slice %arg4[%mul3A_2, %dma_wait3A_121] : memref<800000x16xf32, #tpu.memory_space<hbm>> -> memref<128x16xf32, #tpu.memory_space<hbm>>
        %dma_wait3A_123 = arith.constant 0 : i32
        %dma_wait3A_124 = tpu.memref_slice %arg4[%mul3A_2, %dma_wait3A_123] : memref<800000x16xf32, #tpu.memory_space<hbm>> -> memref<128x16xf32, #tpu.memory_space<hbm>>
        tpu.wait_dma2 semaphore(%arg19 : memref<!tpu.dma_semaphore, #tpu.memory_space<semaphore_mem>>) src(%arg10 : memref<128x16xf32, #tpu.memory_space<vmem>>) dst(%dma_wait3A_124 : memref<128x16xf32, #tpu.memory_space<hbm>>)
      } else {
      }
      %dma_start3A_100 = arith.constant 0 : i32
      %dma_start3A_101 = arith.constant 0 : i32
      %dma_start3A_102 = tpu.memref_slice %arg2[%dma_start3A_100, %dma_start3A_101] : memref<50000x16xf32, #tpu.memory_space<hbm>> -> memref<50000x16xf32, #tpu.memory_space<hbm>>
      tpu.enqueue_indirect_dma source(%dma_start3A_102 : memref<50000x16xf32, #tpu.memory_space<hbm>>) target(%arg10 : memref<128x16xf32, #tpu.memory_space<vmem>>) offsets(%arg7 : memref<128xi32, #tpu.memory_space<vmem>>) semaphore(%arg16 : memref<!tpu.dma_semaphore, #tpu.memory_space<semaphore_mem>>)
      %add3A_103 = arith.constant 1 : i32
      %add3A_104 = arith.addi %scan3A_39, %add3A_103 : i32
      %lt3A = arith.constant 65 : i32
      %lt3A_105 = arith.cmpi slt, %add3A_104, %lt3A : i32
      %convert_element_type3A_106 = arith.extui %lt3A_105 : i1 to i32
      %cond3A_107 = arith.constant 0 : i32
      %cond3A_108 = arith.cmpi ne, %convert_element_type3A_106, %cond3A_107 : i32
      scf.if %cond3A_108 {
        %add3A_121 = arith.constant 1 : i32
        %add3A_122 = arith.addi %add3A_92, %add3A_121 : i32
        %mul3A_123 = arith.constant 128 : i32
        %mul3A_124 = arith.muli %add3A_122, %mul3A_123 : i32
        %add3A_125 = arith.addi %mul3A_2, %mul3A_124 : i32
        %dma_start3A_126 = tpu.memref_slice %arg3[%add3A_125] : memref<800000xi32, #tpu.memory_space<hbm>> -> memref<128xi32, #tpu.memory_space<hbm>>
        %dma_start3A_127 = tpu.memref_slice %arg3[%add3A_125] : memref<800000xi32, #tpu.memory_space<hbm>> -> memref<128xi32, #tpu.memory_space<hbm>>
        tpu.enqueue_dma source(%dma_start3A_127 : memref<128xi32, #tpu.memory_space<hbm>>) target(%arg5 : memref<128xi32, #tpu.memory_space<vmem>>) target_semaphore(%arg11 : memref<!tpu.dma_semaphore, #tpu.memory_space<semaphore_mem>>)
      } else {
      }
      %dma_wait3A_109 = arith.constant 0 : i32
      %dma_wait3A_110 = arith.constant 0 : i32
      %dma_wait3A_111 = tpu.memref_slice %arg2[%dma_wait3A_109, %dma_wait3A_110] : memref<50000x16xf32, #tpu.memory_space<hbm>> -> memref<50000x16xf32, #tpu.memory_space<hbm>>
      tpu.wait_indirect_dma semaphore(%arg15 : memref<!tpu.dma_semaphore, #tpu.memory_space<semaphore_mem>>) src(%dma_wait3A_111 : memref<50000x16xf32, #tpu.memory_space<hbm>>) dst(%arg9 : memref<128x16xf32, #tpu.memory_space<vmem>>)
      %sub3A_112 = arith.constant 1 : i32
      %sub3A_113 = arith.subi %add3A_92, %sub3A_112 : i32
      %mul3A_114 = arith.constant 128 : i32
      %mul3A_115 = arith.muli %sub3A_113, %mul3A_114 : i32
      %add3A_116 = arith.addi %mul3A_2, %mul3A_115 : i32
      %dma_start3A_117 = arith.constant 0 : i32
      %dma_start3A_118 = tpu.memref_slice %arg4[%add3A_116, %dma_start3A_117] : memref<800000x16xf32, #tpu.memory_space<hbm>> -> memref<128x16xf32, #tpu.memory_space<hbm>>
      %dma_start3A_119 = arith.constant 0 : i32
      %dma_start3A_120 = tpu.memref_slice %arg4[%add3A_116, %dma_start3A_119] : memref<800000x16xf32, #tpu.memory_space<hbm>> -> memref<128x16xf32, #tpu.memory_space<hbm>>
      tpu.enqueue_dma source(%arg9 : memref<128x16xf32, #tpu.memory_space<vmem>>) target(%dma_start3A_120 : memref<128x16xf32, #tpu.memory_space<hbm>>) target_semaphore(%arg18 : memref<!tpu.dma_semaphore, #tpu.memory_space<semaphore_mem>>)
    }
    %scan3A_10 = arith.constant 65 : i32
    %dma_wait3A = arith.constant 0 : i32
    %dma_wait3A_11 = arith.constant 0 : i32
    %dma_wait3A_12 = tpu.memref_slice %arg2[%dma_wait3A, %dma_wait3A_11] : memref<50000x16xf32, #tpu.memory_space<hbm>> -> memref<50000x16xf32, #tpu.memory_space<hbm>>
    tpu.wait_indirect_dma semaphore(%arg16 : memref<!tpu.dma_semaphore, #tpu.memory_space<semaphore_mem>>) src(%dma_wait3A_12 : memref<50000x16xf32, #tpu.memory_space<hbm>>) dst(%arg10 : memref<128x16xf32, #tpu.memory_space<vmem>>)
    %add3A_13 = arith.constant 24832 : i32
    %add3A_14 = arith.addi %mul3A_2, %add3A_13 : i32
    %dma_start3A_15 = arith.constant 0 : i32
    %dma_start3A_16 = tpu.memref_slice %arg4[%add3A_14, %dma_start3A_15] : memref<800000x16xf32, #tpu.memory_space<hbm>> -> memref<128x16xf32, #tpu.memory_space<hbm>>
    %dma_start3A_17 = arith.constant 0 : i32
    %dma_start3A_18 = tpu.memref_slice %arg4[%add3A_14, %dma_start3A_17] : memref<800000x16xf32, #tpu.memory_space<hbm>> -> memref<128x16xf32, #tpu.memory_space<hbm>>
    tpu.enqueue_dma source(%arg10 : memref<128x16xf32, #tpu.memory_space<vmem>>) target(%dma_start3A_18 : memref<128x16xf32, #tpu.memory_space<hbm>>) target_semaphore(%arg19 : memref<!tpu.dma_semaphore, #tpu.memory_space<semaphore_mem>>)
    %add3A_19 = arith.constant 24960 : i32
    %add3A_20 = arith.addi %mul3A_2, %add3A_19 : i32
    "tpu.region"() ({
      %run_scoped3A = tpu.sem_alloc : memref<!tpu.dma_semaphore, #tpu.memory_space<semaphore_mem>>
      %dma_start3A_39 = tpu.memref_slice %arg3[%add3A_20] : memref<800000xi32, #tpu.memory_space<hbm>> -> memref<40xi32, #tpu.memory_space<hbm>>
      %dma_start3A_40 = tpu.memref_slice %arg3[%add3A_20] : memref<800000xi32, #tpu.memory_space<hbm>> -> memref<40xi32, #tpu.memory_space<hbm>>
      tpu.enqueue_dma source(%dma_start3A_40 : memref<40xi32, #tpu.memory_space<hbm>>) target(%arg20 : memref<40xi32, #tpu.memory_space<vmem>>) target_semaphore(%run_scoped3A : memref<!tpu.dma_semaphore, #tpu.memory_space<semaphore_mem>>)
      %dma_wait3A_41 = tpu.memref_slice %arg3[%add3A_20] : memref<800000xi32, #tpu.memory_space<hbm>> -> memref<40xi32, #tpu.memory_space<hbm>>
      %dma_wait3A_42 = tpu.memref_slice %arg3[%add3A_20] : memref<800000xi32, #tpu.memory_space<hbm>> -> memref<40xi32, #tpu.memory_space<hbm>>
      tpu.wait_dma2 semaphore(%run_scoped3A : memref<!tpu.dma_semaphore, #tpu.memory_space<semaphore_mem>>) src(%dma_wait3A_42 : memref<40xi32, #tpu.memory_space<hbm>>) dst(%arg20 : memref<40xi32, #tpu.memory_space<vmem>>)
      tpu.yield
    }) : () -> ()
    %dma_start3A_21 = arith.constant 0 : i32
    %dma_start3A_22 = arith.constant 0 : i32
    %dma_start3A_23 = tpu.memref_slice %arg2[%dma_start3A_21, %dma_start3A_22] : memref<50000x16xf32, #tpu.memory_space<hbm>> -> memref<50000x16xf32, #tpu.memory_space<hbm>>
    tpu.enqueue_indirect_dma source(%dma_start3A_23 : memref<50000x16xf32, #tpu.memory_space<hbm>>) target(%arg21 : memref<40x16xf32, #tpu.memory_space<vmem>>) offsets(%arg20 : memref<40xi32, #tpu.memory_space<vmem>>) semaphore(%arg14 : memref<!tpu.dma_semaphore, #tpu.memory_space<semaphore_mem>>)
    %dma_wait3A_24 = arith.constant 0 : i32
    %dma_wait3A_25 = arith.constant 0 : i32
    %dma_wait3A_26 = tpu.memref_slice %arg2[%dma_wait3A_24, %dma_wait3A_25] : memref<50000x16xf32, #tpu.memory_space<hbm>> -> memref<50000x16xf32, #tpu.memory_space<hbm>>
    tpu.wait_indirect_dma semaphore(%arg14 : memref<!tpu.dma_semaphore, #tpu.memory_space<semaphore_mem>>) src(%dma_wait3A_26 : memref<50000x16xf32, #tpu.memory_space<hbm>>) dst(%arg21 : memref<40x16xf32, #tpu.memory_space<vmem>>)
    "tpu.region"() ({
      %run_scoped3A = tpu.sem_alloc : memref<!tpu.dma_semaphore, #tpu.memory_space<semaphore_mem>>
      %dma_start3A_39 = arith.constant 0 : i32
      %dma_start3A_40 = tpu.memref_slice %arg4[%add3A_20, %dma_start3A_39] : memref<800000x16xf32, #tpu.memory_space<hbm>> -> memref<40x16xf32, #tpu.memory_space<hbm>>
      %dma_start3A_41 = arith.constant 0 : i32
      %dma_start3A_42 = tpu.memref_slice %arg4[%add3A_20, %dma_start3A_41] : memref<800000x16xf32, #tpu.memory_space<hbm>> -> memref<40x16xf32, #tpu.memory_space<hbm>>
      tpu.enqueue_dma source(%arg21 : memref<40x16xf32, #tpu.memory_space<vmem>>) target(%dma_start3A_42 : memref<40x16xf32, #tpu.memory_space<hbm>>) target_semaphore(%run_scoped3A : memref<!tpu.dma_semaphore, #tpu.memory_space<semaphore_mem>>)
      %dma_wait3A_43 = arith.constant 0 : i32
      %dma_wait3A_44 = tpu.memref_slice %arg4[%add3A_20, %dma_wait3A_43] : memref<800000x16xf32, #tpu.memory_space<hbm>> -> memref<40x16xf32, #tpu.memory_space<hbm>>
      %dma_wait3A_45 = arith.constant 0 : i32
      %dma_wait3A_46 = tpu.memref_slice %arg4[%add3A_20, %dma_wait3A_45] : memref<800000x16xf32, #tpu.memory_space<hbm>> -> memref<40x16xf32, #tpu.memory_space<hbm>>
      tpu.wait_dma2 semaphore(%run_scoped3A : memref<!tpu.dma_semaphore, #tpu.memory_space<semaphore_mem>>) src(%arg21 : memref<40x16xf32, #tpu.memory_space<vmem>>) dst(%dma_wait3A_46 : memref<40x16xf32, #tpu.memory_space<hbm>>)
      tpu.yield
    }) : () -> ()
    %dma_wait3A_27 = arith.constant 0 : i32
    %dma_wait3A_28 = tpu.memref_slice %arg4[%mul3A_2, %dma_wait3A_27] : memref<800000x16xf32, #tpu.memory_space<hbm>> -> memref<128x16xf32, #tpu.memory_space<hbm>>
    %dma_wait3A_29 = arith.constant 0 : i32
    %dma_wait3A_30 = tpu.memref_slice %arg4[%mul3A_2, %dma_wait3A_29] : memref<800000x16xf32, #tpu.memory_space<hbm>> -> memref<128x16xf32, #tpu.memory_space<hbm>>
    tpu.wait_dma2 semaphore(%arg17 : memref<!tpu.dma_semaphore, #tpu.memory_space<semaphore_mem>>) src(%arg8 : memref<128x16xf32, #tpu.memory_space<vmem>>) dst(%dma_wait3A_30 : memref<128x16xf32, #tpu.memory_space<hbm>>)
    %dma_wait3A_31 = arith.constant 0 : i32
    %dma_wait3A_32 = tpu.memref_slice %arg4[%mul3A_2, %dma_wait3A_31] : memref<800000x16xf32, #tpu.memory_space<hbm>> -> memref<128x16xf32, #tpu.memory_space<hbm>>
    %dma_wait3A_33 = arith.constant 0 : i32
    %dma_wait3A_34 = tpu.memref_slice %arg4[%mul3A_2, %dma_wait3A_33] : memref<800000x16xf32, #tpu.memory_space<hbm>> -> memref<128x16xf32, #tpu.memory_space<hbm>>
    tpu.wait_dma2 semaphore(%arg18 : memref<!tpu.dma_semaphore, #tpu.memory_space<semaphore_mem>>) src(%arg9 : memref<128x16xf32, #tpu.memory_space<vmem>>) dst(%dma_wait3A_34 : memref<128x16xf32, #tpu.memory_space<hbm>>)
    %dma_wait3A_35 = arith.constant 0 : i32
    %dma_wait3A_36 = tpu.memref_slice %arg4[%mul3A_2, %dma_wait3A_35] : memref<800000x16xf32, #tpu.memory_space<hbm>> -> memref<128x16xf32, #tpu.memory_space<hbm>>
    %dma_wait3A_37 = arith.constant 0 : i32
    %dma_wait3A_38 = tpu.memref_slice %arg4[%mul3A_2, %dma_wait3A_37] : memref<800000x16xf32, #tpu.memory_space<hbm>> -> memref<128x16xf32, #tpu.memory_space<hbm>>
    tpu.wait_dma2 semaphore(%arg19 : memref<!tpu.dma_semaphore, #tpu.memory_space<semaphore_mem>>) src(%arg10 : memref<128x16xf32, #tpu.memory_space<vmem>>) dst(%dma_wait3A_38 : memref<128x16xf32, #tpu.memory_space<hbm>>)
    return
  }
}

#map = affine_map<(d0, d1) -> (0, 0)>
#map1 = affine_map<(d0, d1) -> (0)>
module attributes {stable_mosaic.version = 14 : i64} {
  func.func @gather_k(%arg0: i32, %arg1: i32, %arg2: memref<50000x32xf32, #tpu.memory_space<hbm>>, %arg3: memref<800000xi32, #tpu.memory_space<hbm>>, %arg4: memref<800000x32xf32, #tpu.memory_space<hbm>>, %arg5: memref<128xi32, #tpu.memory_space<vmem>>, %arg6: memref<128xi32, #tpu.memory_space<vmem>>, %arg7: memref<128xi32, #tpu.memory_space<vmem>>, %arg8: memref<128x32xf32, #tpu.memory_space<vmem>>, %arg9: memref<128x32xf32, #tpu.memory_space<vmem>>, %arg10: memref<128x32xf32, #tpu.memory_space<vmem>>, %arg11: memref<!tpu.dma_semaphore, #tpu.memory_space<semaphore_mem>>, %arg12: memref<!tpu.dma_semaphore, #tpu.memory_space<semaphore_mem>>, %arg13: memref<!tpu.dma_semaphore, #tpu.memory_space<semaphore_mem>>, %arg14: memref<!tpu.dma_semaphore, #tpu.memory_space<semaphore_mem>>, %arg15: memref<!tpu.dma_semaphore, #tpu.memory_space<semaphore_mem>>, %arg16: memref<!tpu.dma_semaphore, #tpu.memory_space<semaphore_mem>>, %arg17: memref<!tpu.dma_semaphore, #tpu.memory_space<semaphore_mem>>, %arg18: memref<!tpu.dma_semaphore, #tpu.memory_space<semaphore_mem>>, %arg19: memref<!tpu.dma_semaphore, #tpu.memory_space<semaphore_mem>>, %arg20: memref<40xi32, #tpu.memory_space<vmem>>, %arg21: memref<40x32xf32, #tpu.memory_space<vmem>>) attributes {dimension_semantics = [#tpu.dimension_semantics<core_parallel>, #tpu.dimension_semantics<subcore_parallel>], iteration_bounds = array<i64: 2, 16>, scalar_prefetch = 0 : i64, scratch_operands = 17 : i64, tpu.core_type = #tpu.core_type<sc_vector_subcore>, window_params = [{transform_indices = #map}, {transform_indices = #map1}, {transform_indices = #map}]} {
    %mul3A = arith.constant 2 : i32
    %mul3A_0 = arith.muli %arg1, %mul3A : i32
    %add3A = arith.addi %mul3A_0, %arg0 : i32
    %mul3A_1 = arith.constant 25000 : i32
    %mul3A_2 = arith.muli %add3A, %mul3A_1 : i32
    %add3A_3 = arith.constant 0 : i32
    %add3A_4 = arith.addi %mul3A_2, %add3A_3 : i32
    %dma_start3A = tpu.memref_slice %arg3[%add3A_4] : memref<800000xi32, #tpu.memory_space<hbm>> -> memref<128xi32, #tpu.memory_space<hbm>>
    %dma_start3A_5 = tpu.memref_slice %arg3[%add3A_4] : memref<800000xi32, #tpu.memory_space<hbm>> -> memref<128xi32, #tpu.memory_space<hbm>>
    tpu.enqueue_dma source(%dma_start3A_5 : memref<128xi32, #tpu.memory_space<hbm>>) target(%arg5 : memref<128xi32, #tpu.memory_space<vmem>>) target_semaphore(%arg11 : memref<!tpu.dma_semaphore, #tpu.memory_space<semaphore_mem>>)
    %scan3A = arith.constant 0 : i32
    %scan3A_6 = arith.constant 0 : i32
    %scan3A_7 = arith.constant 65 : i32
    %scan3A_8 = arith.addi %scan3A_6, %scan3A_7 : i32
    %scan3A_9 = arith.constant 1 : i32
    scf.for %scan3A_39 = %scan3A_6 to %scan3A_8 step %scan3A_9  : i32 {
      %mul3A_40 = arith.constant 3 : i32
      %mul3A_41 = arith.muli %mul3A_40, %scan3A_39 : i32
      %dma_wait3A_42 = tpu.memref_slice %arg3[%mul3A_2] : memref<800000xi32, #tpu.memory_space<hbm>> -> memref<128xi32, #tpu.memory_space<hbm>>
      %dma_wait3A_43 = tpu.memref_slice %arg3[%mul3A_2] : memref<800000xi32, #tpu.memory_space<hbm>> -> memref<128xi32, #tpu.memory_space<hbm>>
      tpu.wait_dma2 semaphore(%arg11 : memref<!tpu.dma_semaphore, #tpu.memory_space<semaphore_mem>>) src(%dma_wait3A_43 : memref<128xi32, #tpu.memory_space<hbm>>) dst(%arg5 : memref<128xi32, #tpu.memory_space<vmem>>)
      %gt3A = arith.constant 0 : i32
      %gt3A_44 = arith.cmpi sgt, %scan3A_39, %gt3A : i32
      %convert_element_type3A = arith.extui %gt3A_44 : i1 to i32
      %cond3A = arith.constant 0 : i32
      %cond3A_45 = arith.cmpi ne, %convert_element_type3A, %cond3A : i32
      scf.if %cond3A_45 {
        %dma_wait3A_121 = arith.constant 0 : i32
        %dma_wait3A_122 = tpu.memref_slice %arg4[%mul3A_2, %dma_wait3A_121] : memref<800000x32xf32, #tpu.memory_space<hbm>> -> memref<128x32xf32, #tpu.memory_space<hbm>>
        %dma_wait3A_123 = arith.constant 0 : i32
        %dma_wait3A_124 = tpu.memref_slice %arg4[%mul3A_2, %dma_wait3A_123] : memref<800000x32xf32, #tpu.memory_space<hbm>> -> memref<128x32xf32, #tpu.memory_space<hbm>>
        tpu.wait_dma2 semaphore(%arg17 : memref<!tpu.dma_semaphore, #tpu.memory_space<semaphore_mem>>) src(%arg8 : memref<128x32xf32, #tpu.memory_space<vmem>>) dst(%dma_wait3A_124 : memref<128x32xf32, #tpu.memory_space<hbm>>)
      } else {
      }
      %dma_start3A_46 = arith.constant 0 : i32
      %dma_start3A_47 = arith.constant 0 : i32
      %dma_start3A_48 = tpu.memref_slice %arg2[%dma_start3A_46, %dma_start3A_47] : memref<50000x32xf32, #tpu.memory_space<hbm>> -> memref<50000x32xf32, #tpu.memory_space<hbm>>
      tpu.enqueue_indirect_dma source(%dma_start3A_48 : memref<50000x32xf32, #tpu.memory_space<hbm>>) target(%arg8 : memref<128x32xf32, #tpu.memory_space<vmem>>) offsets(%arg5 : memref<128xi32, #tpu.memory_space<vmem>>) semaphore(%arg14 : memref<!tpu.dma_semaphore, #tpu.memory_space<semaphore_mem>>)
      %add3A_49 = arith.constant 1 : i32
      %add3A_50 = arith.addi %mul3A_41, %add3A_49 : i32
      %mul3A_51 = arith.constant 128 : i32
      %mul3A_52 = arith.muli %add3A_50, %mul3A_51 : i32
      %add3A_53 = arith.addi %mul3A_2, %mul3A_52 : i32
      %dma_start3A_54 = tpu.memref_slice %arg3[%add3A_53] : memref<800000xi32, #tpu.memory_space<hbm>> -> memref<128xi32, #tpu.memory_space<hbm>>
      %dma_start3A_55 = tpu.memref_slice %arg3[%add3A_53] : memref<800000xi32, #tpu.memory_space<hbm>> -> memref<128xi32, #tpu.memory_space<hbm>>
      tpu.enqueue_dma source(%dma_start3A_55 : memref<128xi32, #tpu.memory_space<hbm>>) target(%arg6 : memref<128xi32, #tpu.memory_space<vmem>>) target_semaphore(%arg12 : memref<!tpu.dma_semaphore, #tpu.memory_space<semaphore_mem>>)
      %gt3A_56 = arith.constant 0 : i32
      %gt3A_57 = arith.cmpi sgt, %scan3A_39, %gt3A_56 : i32
      %convert_element_type3A_58 = arith.extui %gt3A_57 : i1 to i32
      %cond3A_59 = arith.constant 0 : i32
      %cond3A_60 = arith.cmpi ne, %convert_element_type3A_58, %cond3A_59 : i32
      scf.if %cond3A_60 {
        %dma_wait3A_121 = arith.constant 0 : i32
        %dma_wait3A_122 = arith.constant 0 : i32
        %dma_wait3A_123 = tpu.memref_slice %arg2[%dma_wait3A_121, %dma_wait3A_122] : memref<50000x32xf32, #tpu.memory_space<hbm>> -> memref<50000x32xf32, #tpu.memory_space<hbm>>
        tpu.wait_indirect_dma semaphore(%arg16 : memref<!tpu.dma_semaphore, #tpu.memory_space<semaphore_mem>>) src(%dma_wait3A_123 : memref<50000x32xf32, #tpu.memory_space<hbm>>) dst(%arg10 : memref<128x32xf32, #tpu.memory_space<vmem>>)
        %sub3A_124 = arith.constant 1 : i32
        %sub3A_125 = arith.subi %mul3A_41, %sub3A_124 : i32
        %mul3A_126 = arith.constant 128 : i32
        %mul3A_127 = arith.muli %sub3A_125, %mul3A_126 : i32
        %add3A_128 = arith.addi %mul3A_2, %mul3A_127 : i32
        %dma_start3A_129 = arith.constant 0 : i32
        %dma_start3A_130 = tpu.memref_slice %arg4[%add3A_128, %dma_start3A_129] : memref<800000x32xf32, #tpu.memory_space<hbm>> -> memref<128x32xf32, #tpu.memory_space<hbm>>
        %dma_start3A_131 = arith.constant 0 : i32
        %dma_start3A_132 = tpu.memref_slice %arg4[%add3A_128, %dma_start3A_131] : memref<800000x32xf32, #tpu.memory_space<hbm>> -> memref<128x32xf32, #tpu.memory_space<hbm>>
        tpu.enqueue_dma source(%arg10 : memref<128x32xf32, #tpu.memory_space<vmem>>) target(%dma_start3A_132 : memref<128x32xf32, #tpu.memory_space<hbm>>) target_semaphore(%arg19 : memref<!tpu.dma_semaphore, #tpu.memory_space<semaphore_mem>>)
      } else {
      }
      %add3A_61 = arith.constant 1 : i32
      %add3A_62 = arith.addi %mul3A_41, %add3A_61 : i32
      %dma_wait3A_63 = tpu.memref_slice %arg3[%mul3A_2] : memref<800000xi32, #tpu.memory_space<hbm>> -> memref<128xi32, #tpu.memory_space<hbm>>
      %dma_wait3A_64 = tpu.memref_slice %arg3[%mul3A_2] : memref<800000xi32, #tpu.memory_space<hbm>> -> memref<128xi32, #tpu.memory_space<hbm>>
      tpu.wait_dma2 semaphore(%arg12 : memref<!tpu.dma_semaphore, #tpu.memory_space<semaphore_mem>>) src(%dma_wait3A_64 : memref<128xi32, #tpu.memory_space<hbm>>) dst(%arg6 : memref<128xi32, #tpu.memory_space<vmem>>)
      %gt3A_65 = arith.constant 0 : i32
      %gt3A_66 = arith.cmpi sgt, %scan3A_39, %gt3A_65 : i32
      %convert_element_type3A_67 = arith.extui %gt3A_66 : i1 to i32
      %cond3A_68 = arith.constant 0 : i32
      %cond3A_69 = arith.cmpi ne, %convert_element_type3A_67, %cond3A_68 : i32
      scf.if %cond3A_69 {
        %dma_wait3A_121 = arith.constant 0 : i32
        %dma_wait3A_122 = tpu.memref_slice %arg4[%mul3A_2, %dma_wait3A_121] : memref<800000x32xf32, #tpu.memory_space<hbm>> -> memref<128x32xf32, #tpu.memory_space<hbm>>
        %dma_wait3A_123 = arith.constant 0 : i32
        %dma_wait3A_124 = tpu.memref_slice %arg4[%mul3A_2, %dma_wait3A_123] : memref<800000x32xf32, #tpu.memory_space<hbm>> -> memref<128x32xf32, #tpu.memory_space<hbm>>
        tpu.wait_dma2 semaphore(%arg18 : memref<!tpu.dma_semaphore, #tpu.memory_space<semaphore_mem>>) src(%arg9 : memref<128x32xf32, #tpu.memory_space<vmem>>) dst(%dma_wait3A_124 : memref<128x32xf32, #tpu.memory_space<hbm>>)
      } else {
      }
      %dma_start3A_70 = arith.constant 0 : i32
      %dma_start3A_71 = arith.constant 0 : i32
      %dma_start3A_72 = tpu.memref_slice %arg2[%dma_start3A_70, %dma_start3A_71] : memref<50000x32xf32, #tpu.memory_space<hbm>> -> memref<50000x32xf32, #tpu.memory_space<hbm>>
      tpu.enqueue_indirect_dma source(%dma_start3A_72 : memref<50000x32xf32, #tpu.memory_space<hbm>>) target(%arg9 : memref<128x32xf32, #tpu.memory_space<vmem>>) offsets(%arg6 : memref<128xi32, #tpu.memory_space<vmem>>) semaphore(%arg15 : memref<!tpu.dma_semaphore, #tpu.memory_space<semaphore_mem>>)
      %add3A_73 = arith.constant 1 : i32
      %add3A_74 = arith.addi %add3A_62, %add3A_73 : i32
      %mul3A_75 = arith.constant 128 : i32
      %mul3A_76 = arith.muli %add3A_74, %mul3A_75 : i32
      %add3A_77 = arith.addi %mul3A_2, %mul3A_76 : i32
      %dma_start3A_78 = tpu.memref_slice %arg3[%add3A_77] : memref<800000xi32, #tpu.memory_space<hbm>> -> memref<128xi32, #tpu.memory_space<hbm>>
      %dma_start3A_79 = tpu.memref_slice %arg3[%add3A_77] : memref<800000xi32, #tpu.memory_space<hbm>> -> memref<128xi32, #tpu.memory_space<hbm>>
      tpu.enqueue_dma source(%dma_start3A_79 : memref<128xi32, #tpu.memory_space<hbm>>) target(%arg7 : memref<128xi32, #tpu.memory_space<vmem>>) target_semaphore(%arg13 : memref<!tpu.dma_semaphore, #tpu.memory_space<semaphore_mem>>)
      %dma_wait3A_80 = arith.constant 0 : i32
      %dma_wait3A_81 = arith.constant 0 : i32
      %dma_wait3A_82 = tpu.memref_slice %arg2[%dma_wait3A_80, %dma_wait3A_81] : memref<50000x32xf32, #tpu.memory_space<hbm>> -> memref<50000x32xf32, #tpu.memory_space<hbm>>
      tpu.wait_indirect_dma semaphore(%arg14 : memref<!tpu.dma_semaphore, #tpu.memory_space<semaphore_mem>>) src(%dma_wait3A_82 : memref<50000x32xf32, #tpu.memory_space<hbm>>) dst(%arg8 : memref<128x32xf32, #tpu.memory_space<vmem>>)
      %sub3A = arith.constant 1 : i32
      %sub3A_83 = arith.subi %add3A_62, %sub3A : i32
      %mul3A_84 = arith.constant 128 : i32
      %mul3A_85 = arith.muli %sub3A_83, %mul3A_84 : i32
      %add3A_86 = arith.addi %mul3A_2, %mul3A_85 : i32
      %dma_start3A_87 = arith.constant 0 : i32
      %dma_start3A_88 = tpu.memref_slice %arg4[%add3A_86, %dma_start3A_87] : memref<800000x32xf32, #tpu.memory_space<hbm>> -> memref<128x32xf32, #tpu.memory_space<hbm>>
      %dma_start3A_89 = arith.constant 0 : i32
      %dma_start3A_90 = tpu.memref_slice %arg4[%add3A_86, %dma_start3A_89] : memref<800000x32xf32, #tpu.memory_space<hbm>> -> memref<128x32xf32, #tpu.memory_space<hbm>>
      tpu.enqueue_dma source(%arg8 : memref<128x32xf32, #tpu.memory_space<vmem>>) target(%dma_start3A_90 : memref<128x32xf32, #tpu.memory_space<hbm>>) target_semaphore(%arg17 : memref<!tpu.dma_semaphore, #tpu.memory_space<semaphore_mem>>)
      %add3A_91 = arith.constant 2 : i32
      %add3A_92 = arith.addi %mul3A_41, %add3A_91 : i32
      %dma_wait3A_93 = tpu.memref_slice %arg3[%mul3A_2] : memref<800000xi32, #tpu.memory_space<hbm>> -> memref<128xi32, #tpu.memory_space<hbm>>
      %dma_wait3A_94 = tpu.memref_slice %arg3[%mul3A_2] : memref<800000xi32, #tpu.memory_space<hbm>> -> memref<128xi32, #tpu.memory_space<hbm>>
      tpu.wait_dma2 semaphore(%arg13 : memref<!tpu.dma_semaphore, #tpu.memory_space<semaphore_mem>>) src(%dma_wait3A_94 : memref<128xi32, #tpu.memory_space<hbm>>) dst(%arg7 : memref<128xi32, #tpu.memory_space<vmem>>)
      %gt3A_95 = arith.constant 0 : i32
      %gt3A_96 = arith.cmpi sgt, %scan3A_39, %gt3A_95 : i32
      %convert_element_type3A_97 = arith.extui %gt3A_96 : i1 to i32
      %cond3A_98 = arith.constant 0 : i32
      %cond3A_99 = arith.cmpi ne, %convert_element_type3A_97, %cond3A_98 : i32
      scf.if %cond3A_99 {
        %dma_wait3A_121 = arith.constant 0 : i32
        %dma_wait3A_122 = tpu.memref_slice %arg4[%mul3A_2, %dma_wait3A_121] : memref<800000x32xf32, #tpu.memory_space<hbm>> -> memref<128x32xf32, #tpu.memory_space<hbm>>
        %dma_wait3A_123 = arith.constant 0 : i32
        %dma_wait3A_124 = tpu.memref_slice %arg4[%mul3A_2, %dma_wait3A_123] : memref<800000x32xf32, #tpu.memory_space<hbm>> -> memref<128x32xf32, #tpu.memory_space<hbm>>
        tpu.wait_dma2 semaphore(%arg19 : memref<!tpu.dma_semaphore, #tpu.memory_space<semaphore_mem>>) src(%arg10 : memref<128x32xf32, #tpu.memory_space<vmem>>) dst(%dma_wait3A_124 : memref<128x32xf32, #tpu.memory_space<hbm>>)
      } else {
      }
      %dma_start3A_100 = arith.constant 0 : i32
      %dma_start3A_101 = arith.constant 0 : i32
      %dma_start3A_102 = tpu.memref_slice %arg2[%dma_start3A_100, %dma_start3A_101] : memref<50000x32xf32, #tpu.memory_space<hbm>> -> memref<50000x32xf32, #tpu.memory_space<hbm>>
      tpu.enqueue_indirect_dma source(%dma_start3A_102 : memref<50000x32xf32, #tpu.memory_space<hbm>>) target(%arg10 : memref<128x32xf32, #tpu.memory_space<vmem>>) offsets(%arg7 : memref<128xi32, #tpu.memory_space<vmem>>) semaphore(%arg16 : memref<!tpu.dma_semaphore, #tpu.memory_space<semaphore_mem>>)
      %add3A_103 = arith.constant 1 : i32
      %add3A_104 = arith.addi %scan3A_39, %add3A_103 : i32
      %lt3A = arith.constant 65 : i32
      %lt3A_105 = arith.cmpi slt, %add3A_104, %lt3A : i32
      %convert_element_type3A_106 = arith.extui %lt3A_105 : i1 to i32
      %cond3A_107 = arith.constant 0 : i32
      %cond3A_108 = arith.cmpi ne, %convert_element_type3A_106, %cond3A_107 : i32
      scf.if %cond3A_108 {
        %add3A_121 = arith.constant 1 : i32
        %add3A_122 = arith.addi %add3A_92, %add3A_121 : i32
        %mul3A_123 = arith.constant 128 : i32
        %mul3A_124 = arith.muli %add3A_122, %mul3A_123 : i32
        %add3A_125 = arith.addi %mul3A_2, %mul3A_124 : i32
        %dma_start3A_126 = tpu.memref_slice %arg3[%add3A_125] : memref<800000xi32, #tpu.memory_space<hbm>> -> memref<128xi32, #tpu.memory_space<hbm>>
        %dma_start3A_127 = tpu.memref_slice %arg3[%add3A_125] : memref<800000xi32, #tpu.memory_space<hbm>> -> memref<128xi32, #tpu.memory_space<hbm>>
        tpu.enqueue_dma source(%dma_start3A_127 : memref<128xi32, #tpu.memory_space<hbm>>) target(%arg5 : memref<128xi32, #tpu.memory_space<vmem>>) target_semaphore(%arg11 : memref<!tpu.dma_semaphore, #tpu.memory_space<semaphore_mem>>)
      } else {
      }
      %dma_wait3A_109 = arith.constant 0 : i32
      %dma_wait3A_110 = arith.constant 0 : i32
      %dma_wait3A_111 = tpu.memref_slice %arg2[%dma_wait3A_109, %dma_wait3A_110] : memref<50000x32xf32, #tpu.memory_space<hbm>> -> memref<50000x32xf32, #tpu.memory_space<hbm>>
      tpu.wait_indirect_dma semaphore(%arg15 : memref<!tpu.dma_semaphore, #tpu.memory_space<semaphore_mem>>) src(%dma_wait3A_111 : memref<50000x32xf32, #tpu.memory_space<hbm>>) dst(%arg9 : memref<128x32xf32, #tpu.memory_space<vmem>>)
      %sub3A_112 = arith.constant 1 : i32
      %sub3A_113 = arith.subi %add3A_92, %sub3A_112 : i32
      %mul3A_114 = arith.constant 128 : i32
      %mul3A_115 = arith.muli %sub3A_113, %mul3A_114 : i32
      %add3A_116 = arith.addi %mul3A_2, %mul3A_115 : i32
      %dma_start3A_117 = arith.constant 0 : i32
      %dma_start3A_118 = tpu.memref_slice %arg4[%add3A_116, %dma_start3A_117] : memref<800000x32xf32, #tpu.memory_space<hbm>> -> memref<128x32xf32, #tpu.memory_space<hbm>>
      %dma_start3A_119 = arith.constant 0 : i32
      %dma_start3A_120 = tpu.memref_slice %arg4[%add3A_116, %dma_start3A_119] : memref<800000x32xf32, #tpu.memory_space<hbm>> -> memref<128x32xf32, #tpu.memory_space<hbm>>
      tpu.enqueue_dma source(%arg9 : memref<128x32xf32, #tpu.memory_space<vmem>>) target(%dma_start3A_120 : memref<128x32xf32, #tpu.memory_space<hbm>>) target_semaphore(%arg18 : memref<!tpu.dma_semaphore, #tpu.memory_space<semaphore_mem>>)
    }
    %scan3A_10 = arith.constant 65 : i32
    %dma_wait3A = arith.constant 0 : i32
    %dma_wait3A_11 = arith.constant 0 : i32
    %dma_wait3A_12 = tpu.memref_slice %arg2[%dma_wait3A, %dma_wait3A_11] : memref<50000x32xf32, #tpu.memory_space<hbm>> -> memref<50000x32xf32, #tpu.memory_space<hbm>>
    tpu.wait_indirect_dma semaphore(%arg16 : memref<!tpu.dma_semaphore, #tpu.memory_space<semaphore_mem>>) src(%dma_wait3A_12 : memref<50000x32xf32, #tpu.memory_space<hbm>>) dst(%arg10 : memref<128x32xf32, #tpu.memory_space<vmem>>)
    %add3A_13 = arith.constant 24832 : i32
    %add3A_14 = arith.addi %mul3A_2, %add3A_13 : i32
    %dma_start3A_15 = arith.constant 0 : i32
    %dma_start3A_16 = tpu.memref_slice %arg4[%add3A_14, %dma_start3A_15] : memref<800000x32xf32, #tpu.memory_space<hbm>> -> memref<128x32xf32, #tpu.memory_space<hbm>>
    %dma_start3A_17 = arith.constant 0 : i32
    %dma_start3A_18 = tpu.memref_slice %arg4[%add3A_14, %dma_start3A_17] : memref<800000x32xf32, #tpu.memory_space<hbm>> -> memref<128x32xf32, #tpu.memory_space<hbm>>
    tpu.enqueue_dma source(%arg10 : memref<128x32xf32, #tpu.memory_space<vmem>>) target(%dma_start3A_18 : memref<128x32xf32, #tpu.memory_space<hbm>>) target_semaphore(%arg19 : memref<!tpu.dma_semaphore, #tpu.memory_space<semaphore_mem>>)
    %add3A_19 = arith.constant 24960 : i32
    %add3A_20 = arith.addi %mul3A_2, %add3A_19 : i32
    "tpu.region"() ({
      %run_scoped3A = tpu.sem_alloc : memref<!tpu.dma_semaphore, #tpu.memory_space<semaphore_mem>>
      %dma_start3A_39 = tpu.memref_slice %arg3[%add3A_20] : memref<800000xi32, #tpu.memory_space<hbm>> -> memref<40xi32, #tpu.memory_space<hbm>>
      %dma_start3A_40 = tpu.memref_slice %arg3[%add3A_20] : memref<800000xi32, #tpu.memory_space<hbm>> -> memref<40xi32, #tpu.memory_space<hbm>>
      tpu.enqueue_dma source(%dma_start3A_40 : memref<40xi32, #tpu.memory_space<hbm>>) target(%arg20 : memref<40xi32, #tpu.memory_space<vmem>>) target_semaphore(%run_scoped3A : memref<!tpu.dma_semaphore, #tpu.memory_space<semaphore_mem>>)
      %dma_wait3A_41 = tpu.memref_slice %arg3[%add3A_20] : memref<800000xi32, #tpu.memory_space<hbm>> -> memref<40xi32, #tpu.memory_space<hbm>>
      %dma_wait3A_42 = tpu.memref_slice %arg3[%add3A_20] : memref<800000xi32, #tpu.memory_space<hbm>> -> memref<40xi32, #tpu.memory_space<hbm>>
      tpu.wait_dma2 semaphore(%run_scoped3A : memref<!tpu.dma_semaphore, #tpu.memory_space<semaphore_mem>>) src(%dma_wait3A_42 : memref<40xi32, #tpu.memory_space<hbm>>) dst(%arg20 : memref<40xi32, #tpu.memory_space<vmem>>)
      tpu.yield
    }) : () -> ()
    %dma_start3A_21 = arith.constant 0 : i32
    %dma_start3A_22 = arith.constant 0 : i32
    %dma_start3A_23 = tpu.memref_slice %arg2[%dma_start3A_21, %dma_start3A_22] : memref<50000x32xf32, #tpu.memory_space<hbm>> -> memref<50000x32xf32, #tpu.memory_space<hbm>>
    tpu.enqueue_indirect_dma source(%dma_start3A_23 : memref<50000x32xf32, #tpu.memory_space<hbm>>) target(%arg21 : memref<40x32xf32, #tpu.memory_space<vmem>>) offsets(%arg20 : memref<40xi32, #tpu.memory_space<vmem>>) semaphore(%arg14 : memref<!tpu.dma_semaphore, #tpu.memory_space<semaphore_mem>>)
    %dma_wait3A_24 = arith.constant 0 : i32
    %dma_wait3A_25 = arith.constant 0 : i32
    %dma_wait3A_26 = tpu.memref_slice %arg2[%dma_wait3A_24, %dma_wait3A_25] : memref<50000x32xf32, #tpu.memory_space<hbm>> -> memref<50000x32xf32, #tpu.memory_space<hbm>>
    tpu.wait_indirect_dma semaphore(%arg14 : memref<!tpu.dma_semaphore, #tpu.memory_space<semaphore_mem>>) src(%dma_wait3A_26 : memref<50000x32xf32, #tpu.memory_space<hbm>>) dst(%arg21 : memref<40x32xf32, #tpu.memory_space<vmem>>)
    "tpu.region"() ({
      %run_scoped3A = tpu.sem_alloc : memref<!tpu.dma_semaphore, #tpu.memory_space<semaphore_mem>>
      %dma_start3A_39 = arith.constant 0 : i32
      %dma_start3A_40 = tpu.memref_slice %arg4[%add3A_20, %dma_start3A_39] : memref<800000x32xf32, #tpu.memory_space<hbm>> -> memref<40x32xf32, #tpu.memory_space<hbm>>
      %dma_start3A_41 = arith.constant 0 : i32
      %dma_start3A_42 = tpu.memref_slice %arg4[%add3A_20, %dma_start3A_41] : memref<800000x32xf32, #tpu.memory_space<hbm>> -> memref<40x32xf32, #tpu.memory_space<hbm>>
      tpu.enqueue_dma source(%arg21 : memref<40x32xf32, #tpu.memory_space<vmem>>) target(%dma_start3A_42 : memref<40x32xf32, #tpu.memory_space<hbm>>) target_semaphore(%run_scoped3A : memref<!tpu.dma_semaphore, #tpu.memory_space<semaphore_mem>>)
      %dma_wait3A_43 = arith.constant 0 : i32
      %dma_wait3A_44 = tpu.memref_slice %arg4[%add3A_20, %dma_wait3A_43] : memref<800000x32xf32, #tpu.memory_space<hbm>> -> memref<40x32xf32, #tpu.memory_space<hbm>>
      %dma_wait3A_45 = arith.constant 0 : i32
      %dma_wait3A_46 = tpu.memref_slice %arg4[%add3A_20, %dma_wait3A_45] : memref<800000x32xf32, #tpu.memory_space<hbm>> -> memref<40x32xf32, #tpu.memory_space<hbm>>
      tpu.wait_dma2 semaphore(%run_scoped3A : memref<!tpu.dma_semaphore, #tpu.memory_space<semaphore_mem>>) src(%arg21 : memref<40x32xf32, #tpu.memory_space<vmem>>) dst(%dma_wait3A_46 : memref<40x32xf32, #tpu.memory_space<hbm>>)
      tpu.yield
    }) : () -> ()
    %dma_wait3A_27 = arith.constant 0 : i32
    %dma_wait3A_28 = tpu.memref_slice %arg4[%mul3A_2, %dma_wait3A_27] : memref<800000x32xf32, #tpu.memory_space<hbm>> -> memref<128x32xf32, #tpu.memory_space<hbm>>
    %dma_wait3A_29 = arith.constant 0 : i32
    %dma_wait3A_30 = tpu.memref_slice %arg4[%mul3A_2, %dma_wait3A_29] : memref<800000x32xf32, #tpu.memory_space<hbm>> -> memref<128x32xf32, #tpu.memory_space<hbm>>
    tpu.wait_dma2 semaphore(%arg17 : memref<!tpu.dma_semaphore, #tpu.memory_space<semaphore_mem>>) src(%arg8 : memref<128x32xf32, #tpu.memory_space<vmem>>) dst(%dma_wait3A_30 : memref<128x32xf32, #tpu.memory_space<hbm>>)
    %dma_wait3A_31 = arith.constant 0 : i32
    %dma_wait3A_32 = tpu.memref_slice %arg4[%mul3A_2, %dma_wait3A_31] : memref<800000x32xf32, #tpu.memory_space<hbm>> -> memref<128x32xf32, #tpu.memory_space<hbm>>
    %dma_wait3A_33 = arith.constant 0 : i32
    %dma_wait3A_34 = tpu.memref_slice %arg4[%mul3A_2, %dma_wait3A_33] : memref<800000x32xf32, #tpu.memory_space<hbm>> -> memref<128x32xf32, #tpu.memory_space<hbm>>
    tpu.wait_dma2 semaphore(%arg18 : memref<!tpu.dma_semaphore, #tpu.memory_space<semaphore_mem>>) src(%arg9 : memref<128x32xf32, #tpu.memory_space<vmem>>) dst(%dma_wait3A_34 : memref<128x32xf32, #tpu.memory_space<hbm>>)
    %dma_wait3A_35 = arith.constant 0 : i32
    %dma_wait3A_36 = tpu.memref_slice %arg4[%mul3A_2, %dma_wait3A_35] : memref<800000x32xf32, #tpu.memory_space<hbm>> -> memref<128x32xf32, #tpu.memory_space<hbm>>
    %dma_wait3A_37 = arith.constant 0 : i32
    %dma_wait3A_38 = tpu.memref_slice %arg4[%mul3A_2, %dma_wait3A_37] : memref<800000x32xf32, #tpu.memory_space<hbm>> -> memref<128x32xf32, #tpu.memory_space<hbm>>
    tpu.wait_dma2 semaphore(%arg19 : memref<!tpu.dma_semaphore, #tpu.memory_space<semaphore_mem>>) src(%arg10 : memref<128x32xf32, #tpu.memory_space<vmem>>) dst(%dma_wait3A_38 : memref<128x32xf32, #tpu.memory_space<hbm>>)
    return
  }
}

#map = affine_map<(d0, d1) -> (0, 0)>
#map1 = affine_map<(d0, d1) -> (0)>
module attributes {stable_mosaic.version = 14 : i64} {
  func.func @gather_k(%arg0: i32, %arg1: i32, %arg2: memref<50000x16xf32, #tpu.memory_space<hbm>>, %arg3: memref<800000xi32, #tpu.memory_space<hbm>>, %arg4: memref<800000x16xf32, #tpu.memory_space<hbm>>, %arg5: memref<128xi32, #tpu.memory_space<vmem>>, %arg6: memref<128xi32, #tpu.memory_space<vmem>>, %arg7: memref<128xi32, #tpu.memory_space<vmem>>, %arg8: memref<128x16xf32, #tpu.memory_space<vmem>>, %arg9: memref<128x16xf32, #tpu.memory_space<vmem>>, %arg10: memref<128x16xf32, #tpu.memory_space<vmem>>, %arg11: memref<!tpu.dma_semaphore, #tpu.memory_space<semaphore_mem>>, %arg12: memref<!tpu.dma_semaphore, #tpu.memory_space<semaphore_mem>>, %arg13: memref<!tpu.dma_semaphore, #tpu.memory_space<semaphore_mem>>, %arg14: memref<!tpu.dma_semaphore, #tpu.memory_space<semaphore_mem>>, %arg15: memref<!tpu.dma_semaphore, #tpu.memory_space<semaphore_mem>>, %arg16: memref<!tpu.dma_semaphore, #tpu.memory_space<semaphore_mem>>, %arg17: memref<!tpu.dma_semaphore, #tpu.memory_space<semaphore_mem>>, %arg18: memref<!tpu.dma_semaphore, #tpu.memory_space<semaphore_mem>>, %arg19: memref<!tpu.dma_semaphore, #tpu.memory_space<semaphore_mem>>, %arg20: memref<40xi32, #tpu.memory_space<vmem>>, %arg21: memref<40x16xf32, #tpu.memory_space<vmem>>) attributes {dimension_semantics = [#tpu.dimension_semantics<core_parallel>, #tpu.dimension_semantics<subcore_parallel>], iteration_bounds = array<i64: 2, 16>, scalar_prefetch = 0 : i64, scratch_operands = 17 : i64, tpu.core_type = #tpu.core_type<sc_vector_subcore>, window_params = [{transform_indices = #map}, {transform_indices = #map1}, {transform_indices = #map}]} {
    %mul3A = arith.constant 2 : i32
    %mul3A_0 = arith.muli %arg1, %mul3A : i32
    %add3A = arith.addi %mul3A_0, %arg0 : i32
    %mul3A_1 = arith.constant 25000 : i32
    %mul3A_2 = arith.muli %add3A, %mul3A_1 : i32
    %add3A_3 = arith.constant 0 : i32
    %add3A_4 = arith.addi %mul3A_2, %add3A_3 : i32
    %dma_start3A = tpu.memref_slice %arg3[%add3A_4] : memref<800000xi32, #tpu.memory_space<hbm>> -> memref<128xi32, #tpu.memory_space<hbm>>
    %dma_start3A_5 = tpu.memref_slice %arg3[%add3A_4] : memref<800000xi32, #tpu.memory_space<hbm>> -> memref<128xi32, #tpu.memory_space<hbm>>
    tpu.enqueue_dma source(%dma_start3A_5 : memref<128xi32, #tpu.memory_space<hbm>>) target(%arg5 : memref<128xi32, #tpu.memory_space<vmem>>) target_semaphore(%arg11 : memref<!tpu.dma_semaphore, #tpu.memory_space<semaphore_mem>>)
    %scan3A = arith.constant 0 : i32
    %scan3A_6 = arith.constant 0 : i32
    %scan3A_7 = arith.constant 65 : i32
    %scan3A_8 = arith.addi %scan3A_6, %scan3A_7 : i32
    %scan3A_9 = arith.constant 1 : i32
    scf.for %scan3A_39 = %scan3A_6 to %scan3A_8 step %scan3A_9  : i32 {
      %mul3A_40 = arith.constant 3 : i32
      %mul3A_41 = arith.muli %mul3A_40, %scan3A_39 : i32
      %dma_wait3A_42 = tpu.memref_slice %arg3[%mul3A_2] : memref<800000xi32, #tpu.memory_space<hbm>> -> memref<128xi32, #tpu.memory_space<hbm>>
      %dma_wait3A_43 = tpu.memref_slice %arg3[%mul3A_2] : memref<800000xi32, #tpu.memory_space<hbm>> -> memref<128xi32, #tpu.memory_space<hbm>>
      tpu.wait_dma2 semaphore(%arg11 : memref<!tpu.dma_semaphore, #tpu.memory_space<semaphore_mem>>) src(%dma_wait3A_43 : memref<128xi32, #tpu.memory_space<hbm>>) dst(%arg5 : memref<128xi32, #tpu.memory_space<vmem>>)
      %gt3A = arith.constant 0 : i32
      %gt3A_44 = arith.cmpi sgt, %scan3A_39, %gt3A : i32
      %convert_element_type3A = arith.extui %gt3A_44 : i1 to i32
      %cond3A = arith.constant 0 : i32
      %cond3A_45 = arith.cmpi ne, %convert_element_type3A, %cond3A : i32
      scf.if %cond3A_45 {
        %dma_wait3A_121 = arith.constant 0 : i32
        %dma_wait3A_122 = tpu.memref_slice %arg4[%mul3A_2, %dma_wait3A_121] : memref<800000x16xf32, #tpu.memory_space<hbm>> -> memref<128x16xf32, #tpu.memory_space<hbm>>
        %dma_wait3A_123 = arith.constant 0 : i32
        %dma_wait3A_124 = tpu.memref_slice %arg4[%mul3A_2, %dma_wait3A_123] : memref<800000x16xf32, #tpu.memory_space<hbm>> -> memref<128x16xf32, #tpu.memory_space<hbm>>
        tpu.wait_dma2 semaphore(%arg17 : memref<!tpu.dma_semaphore, #tpu.memory_space<semaphore_mem>>) src(%arg8 : memref<128x16xf32, #tpu.memory_space<vmem>>) dst(%dma_wait3A_124 : memref<128x16xf32, #tpu.memory_space<hbm>>)
      } else {
      }
      %dma_start3A_46 = arith.constant 0 : i32
      %dma_start3A_47 = arith.constant 0 : i32
      %dma_start3A_48 = tpu.memref_slice %arg2[%dma_start3A_46, %dma_start3A_47] : memref<50000x16xf32, #tpu.memory_space<hbm>> -> memref<50000x16xf32, #tpu.memory_space<hbm>>
      tpu.enqueue_indirect_dma source(%dma_start3A_48 : memref<50000x16xf32, #tpu.memory_space<hbm>>) target(%arg8 : memref<128x16xf32, #tpu.memory_space<vmem>>) offsets(%arg5 : memref<128xi32, #tpu.memory_space<vmem>>) semaphore(%arg14 : memref<!tpu.dma_semaphore, #tpu.memory_space<semaphore_mem>>)
      %add3A_49 = arith.constant 1 : i32
      %add3A_50 = arith.addi %mul3A_41, %add3A_49 : i32
      %mul3A_51 = arith.constant 128 : i32
      %mul3A_52 = arith.muli %add3A_50, %mul3A_51 : i32
      %add3A_53 = arith.addi %mul3A_2, %mul3A_52 : i32
      %dma_start3A_54 = tpu.memref_slice %arg3[%add3A_53] : memref<800000xi32, #tpu.memory_space<hbm>> -> memref<128xi32, #tpu.memory_space<hbm>>
      %dma_start3A_55 = tpu.memref_slice %arg3[%add3A_53] : memref<800000xi32, #tpu.memory_space<hbm>> -> memref<128xi32, #tpu.memory_space<hbm>>
      tpu.enqueue_dma source(%dma_start3A_55 : memref<128xi32, #tpu.memory_space<hbm>>) target(%arg6 : memref<128xi32, #tpu.memory_space<vmem>>) target_semaphore(%arg12 : memref<!tpu.dma_semaphore, #tpu.memory_space<semaphore_mem>>)
      %gt3A_56 = arith.constant 0 : i32
      %gt3A_57 = arith.cmpi sgt, %scan3A_39, %gt3A_56 : i32
      %convert_element_type3A_58 = arith.extui %gt3A_57 : i1 to i32
      %cond3A_59 = arith.constant 0 : i32
      %cond3A_60 = arith.cmpi ne, %convert_element_type3A_58, %cond3A_59 : i32
      scf.if %cond3A_60 {
        %dma_wait3A_121 = arith.constant 0 : i32
        %dma_wait3A_122 = arith.constant 0 : i32
        %dma_wait3A_123 = tpu.memref_slice %arg2[%dma_wait3A_121, %dma_wait3A_122] : memref<50000x16xf32, #tpu.memory_space<hbm>> -> memref<50000x16xf32, #tpu.memory_space<hbm>>
        tpu.wait_indirect_dma semaphore(%arg16 : memref<!tpu.dma_semaphore, #tpu.memory_space<semaphore_mem>>) src(%dma_wait3A_123 : memref<50000x16xf32, #tpu.memory_space<hbm>>) dst(%arg10 : memref<128x16xf32, #tpu.memory_space<vmem>>)
        %sub3A_124 = arith.constant 1 : i32
        %sub3A_125 = arith.subi %mul3A_41, %sub3A_124 : i32
        %mul3A_126 = arith.constant 128 : i32
        %mul3A_127 = arith.muli %sub3A_125, %mul3A_126 : i32
        %add3A_128 = arith.addi %mul3A_2, %mul3A_127 : i32
        %dma_start3A_129 = arith.constant 0 : i32
        %dma_start3A_130 = tpu.memref_slice %arg4[%add3A_128, %dma_start3A_129] : memref<800000x16xf32, #tpu.memory_space<hbm>> -> memref<128x16xf32, #tpu.memory_space<hbm>>
        %dma_start3A_131 = arith.constant 0 : i32
        %dma_start3A_132 = tpu.memref_slice %arg4[%add3A_128, %dma_start3A_131] : memref<800000x16xf32, #tpu.memory_space<hbm>> -> memref<128x16xf32, #tpu.memory_space<hbm>>
        tpu.enqueue_dma source(%arg10 : memref<128x16xf32, #tpu.memory_space<vmem>>) target(%dma_start3A_132 : memref<128x16xf32, #tpu.memory_space<hbm>>) target_semaphore(%arg19 : memref<!tpu.dma_semaphore, #tpu.memory_space<semaphore_mem>>)
      } else {
      }
      %add3A_61 = arith.constant 1 : i32
      %add3A_62 = arith.addi %mul3A_41, %add3A_61 : i32
      %dma_wait3A_63 = tpu.memref_slice %arg3[%mul3A_2] : memref<800000xi32, #tpu.memory_space<hbm>> -> memref<128xi32, #tpu.memory_space<hbm>>
      %dma_wait3A_64 = tpu.memref_slice %arg3[%mul3A_2] : memref<800000xi32, #tpu.memory_space<hbm>> -> memref<128xi32, #tpu.memory_space<hbm>>
      tpu.wait_dma2 semaphore(%arg12 : memref<!tpu.dma_semaphore, #tpu.memory_space<semaphore_mem>>) src(%dma_wait3A_64 : memref<128xi32, #tpu.memory_space<hbm>>) dst(%arg6 : memref<128xi32, #tpu.memory_space<vmem>>)
      %gt3A_65 = arith.constant 0 : i32
      %gt3A_66 = arith.cmpi sgt, %scan3A_39, %gt3A_65 : i32
      %convert_element_type3A_67 = arith.extui %gt3A_66 : i1 to i32
      %cond3A_68 = arith.constant 0 : i32
      %cond3A_69 = arith.cmpi ne, %convert_element_type3A_67, %cond3A_68 : i32
      scf.if %cond3A_69 {
        %dma_wait3A_121 = arith.constant 0 : i32
        %dma_wait3A_122 = tpu.memref_slice %arg4[%mul3A_2, %dma_wait3A_121] : memref<800000x16xf32, #tpu.memory_space<hbm>> -> memref<128x16xf32, #tpu.memory_space<hbm>>
        %dma_wait3A_123 = arith.constant 0 : i32
        %dma_wait3A_124 = tpu.memref_slice %arg4[%mul3A_2, %dma_wait3A_123] : memref<800000x16xf32, #tpu.memory_space<hbm>> -> memref<128x16xf32, #tpu.memory_space<hbm>>
        tpu.wait_dma2 semaphore(%arg18 : memref<!tpu.dma_semaphore, #tpu.memory_space<semaphore_mem>>) src(%arg9 : memref<128x16xf32, #tpu.memory_space<vmem>>) dst(%dma_wait3A_124 : memref<128x16xf32, #tpu.memory_space<hbm>>)
      } else {
      }
      %dma_start3A_70 = arith.constant 0 : i32
      %dma_start3A_71 = arith.constant 0 : i32
      %dma_start3A_72 = tpu.memref_slice %arg2[%dma_start3A_70, %dma_start3A_71] : memref<50000x16xf32, #tpu.memory_space<hbm>> -> memref<50000x16xf32, #tpu.memory_space<hbm>>
      tpu.enqueue_indirect_dma source(%dma_start3A_72 : memref<50000x16xf32, #tpu.memory_space<hbm>>) target(%arg9 : memref<128x16xf32, #tpu.memory_space<vmem>>) offsets(%arg6 : memref<128xi32, #tpu.memory_space<vmem>>) semaphore(%arg15 : memref<!tpu.dma_semaphore, #tpu.memory_space<semaphore_mem>>)
      %add3A_73 = arith.constant 1 : i32
      %add3A_74 = arith.addi %add3A_62, %add3A_73 : i32
      %mul3A_75 = arith.constant 128 : i32
      %mul3A_76 = arith.muli %add3A_74, %mul3A_75 : i32
      %add3A_77 = arith.addi %mul3A_2, %mul3A_76 : i32
      %dma_start3A_78 = tpu.memref_slice %arg3[%add3A_77] : memref<800000xi32, #tpu.memory_space<hbm>> -> memref<128xi32, #tpu.memory_space<hbm>>
      %dma_start3A_79 = tpu.memref_slice %arg3[%add3A_77] : memref<800000xi32, #tpu.memory_space<hbm>> -> memref<128xi32, #tpu.memory_space<hbm>>
      tpu.enqueue_dma source(%dma_start3A_79 : memref<128xi32, #tpu.memory_space<hbm>>) target(%arg7 : memref<128xi32, #tpu.memory_space<vmem>>) target_semaphore(%arg13 : memref<!tpu.dma_semaphore, #tpu.memory_space<semaphore_mem>>)
      %dma_wait3A_80 = arith.constant 0 : i32
      %dma_wait3A_81 = arith.constant 0 : i32
      %dma_wait3A_82 = tpu.memref_slice %arg2[%dma_wait3A_80, %dma_wait3A_81] : memref<50000x16xf32, #tpu.memory_space<hbm>> -> memref<50000x16xf32, #tpu.memory_space<hbm>>
      tpu.wait_indirect_dma semaphore(%arg14 : memref<!tpu.dma_semaphore, #tpu.memory_space<semaphore_mem>>) src(%dma_wait3A_82 : memref<50000x16xf32, #tpu.memory_space<hbm>>) dst(%arg8 : memref<128x16xf32, #tpu.memory_space<vmem>>)
      %sub3A = arith.constant 1 : i32
      %sub3A_83 = arith.subi %add3A_62, %sub3A : i32
      %mul3A_84 = arith.constant 128 : i32
      %mul3A_85 = arith.muli %sub3A_83, %mul3A_84 : i32
      %add3A_86 = arith.addi %mul3A_2, %mul3A_85 : i32
      %dma_start3A_87 = arith.constant 0 : i32
      %dma_start3A_88 = tpu.memref_slice %arg4[%add3A_86, %dma_start3A_87] : memref<800000x16xf32, #tpu.memory_space<hbm>> -> memref<128x16xf32, #tpu.memory_space<hbm>>
      %dma_start3A_89 = arith.constant 0 : i32
      %dma_start3A_90 = tpu.memref_slice %arg4[%add3A_86, %dma_start3A_89] : memref<800000x16xf32, #tpu.memory_space<hbm>> -> memref<128x16xf32, #tpu.memory_space<hbm>>
      tpu.enqueue_dma source(%arg8 : memref<128x16xf32, #tpu.memory_space<vmem>>) target(%dma_start3A_90 : memref<128x16xf32, #tpu.memory_space<hbm>>) target_semaphore(%arg17 : memref<!tpu.dma_semaphore, #tpu.memory_space<semaphore_mem>>)
      %add3A_91 = arith.constant 2 : i32
      %add3A_92 = arith.addi %mul3A_41, %add3A_91 : i32
      %dma_wait3A_93 = tpu.memref_slice %arg3[%mul3A_2] : memref<800000xi32, #tpu.memory_space<hbm>> -> memref<128xi32, #tpu.memory_space<hbm>>
      %dma_wait3A_94 = tpu.memref_slice %arg3[%mul3A_2] : memref<800000xi32, #tpu.memory_space<hbm>> -> memref<128xi32, #tpu.memory_space<hbm>>
      tpu.wait_dma2 semaphore(%arg13 : memref<!tpu.dma_semaphore, #tpu.memory_space<semaphore_mem>>) src(%dma_wait3A_94 : memref<128xi32, #tpu.memory_space<hbm>>) dst(%arg7 : memref<128xi32, #tpu.memory_space<vmem>>)
      %gt3A_95 = arith.constant 0 : i32
      %gt3A_96 = arith.cmpi sgt, %scan3A_39, %gt3A_95 : i32
      %convert_element_type3A_97 = arith.extui %gt3A_96 : i1 to i32
      %cond3A_98 = arith.constant 0 : i32
      %cond3A_99 = arith.cmpi ne, %convert_element_type3A_97, %cond3A_98 : i32
      scf.if %cond3A_99 {
        %dma_wait3A_121 = arith.constant 0 : i32
        %dma_wait3A_122 = tpu.memref_slice %arg4[%mul3A_2, %dma_wait3A_121] : memref<800000x16xf32, #tpu.memory_space<hbm>> -> memref<128x16xf32, #tpu.memory_space<hbm>>
        %dma_wait3A_123 = arith.constant 0 : i32
        %dma_wait3A_124 = tpu.memref_slice %arg4[%mul3A_2, %dma_wait3A_123] : memref<800000x16xf32, #tpu.memory_space<hbm>> -> memref<128x16xf32, #tpu.memory_space<hbm>>
        tpu.wait_dma2 semaphore(%arg19 : memref<!tpu.dma_semaphore, #tpu.memory_space<semaphore_mem>>) src(%arg10 : memref<128x16xf32, #tpu.memory_space<vmem>>) dst(%dma_wait3A_124 : memref<128x16xf32, #tpu.memory_space<hbm>>)
      } else {
      }
      %dma_start3A_100 = arith.constant 0 : i32
      %dma_start3A_101 = arith.constant 0 : i32
      %dma_start3A_102 = tpu.memref_slice %arg2[%dma_start3A_100, %dma_start3A_101] : memref<50000x16xf32, #tpu.memory_space<hbm>> -> memref<50000x16xf32, #tpu.memory_space<hbm>>
      tpu.enqueue_indirect_dma source(%dma_start3A_102 : memref<50000x16xf32, #tpu.memory_space<hbm>>) target(%arg10 : memref<128x16xf32, #tpu.memory_space<vmem>>) offsets(%arg7 : memref<128xi32, #tpu.memory_space<vmem>>) semaphore(%arg16 : memref<!tpu.dma_semaphore, #tpu.memory_space<semaphore_mem>>)
      %add3A_103 = arith.constant 1 : i32
      %add3A_104 = arith.addi %scan3A_39, %add3A_103 : i32
      %lt3A = arith.constant 65 : i32
      %lt3A_105 = arith.cmpi slt, %add3A_104, %lt3A : i32
      %convert_element_type3A_106 = arith.extui %lt3A_105 : i1 to i32
      %cond3A_107 = arith.constant 0 : i32
      %cond3A_108 = arith.cmpi ne, %convert_element_type3A_106, %cond3A_107 : i32
      scf.if %cond3A_108 {
        %add3A_121 = arith.constant 1 : i32
        %add3A_122 = arith.addi %add3A_92, %add3A_121 : i32
        %mul3A_123 = arith.constant 128 : i32
        %mul3A_124 = arith.muli %add3A_122, %mul3A_123 : i32
        %add3A_125 = arith.addi %mul3A_2, %mul3A_124 : i32
        %dma_start3A_126 = tpu.memref_slice %arg3[%add3A_125] : memref<800000xi32, #tpu.memory_space<hbm>> -> memref<128xi32, #tpu.memory_space<hbm>>
        %dma_start3A_127 = tpu.memref_slice %arg3[%add3A_125] : memref<800000xi32, #tpu.memory_space<hbm>> -> memref<128xi32, #tpu.memory_space<hbm>>
        tpu.enqueue_dma source(%dma_start3A_127 : memref<128xi32, #tpu.memory_space<hbm>>) target(%arg5 : memref<128xi32, #tpu.memory_space<vmem>>) target_semaphore(%arg11 : memref<!tpu.dma_semaphore, #tpu.memory_space<semaphore_mem>>)
      } else {
      }
      %dma_wait3A_109 = arith.constant 0 : i32
      %dma_wait3A_110 = arith.constant 0 : i32
      %dma_wait3A_111 = tpu.memref_slice %arg2[%dma_wait3A_109, %dma_wait3A_110] : memref<50000x16xf32, #tpu.memory_space<hbm>> -> memref<50000x16xf32, #tpu.memory_space<hbm>>
      tpu.wait_indirect_dma semaphore(%arg15 : memref<!tpu.dma_semaphore, #tpu.memory_space<semaphore_mem>>) src(%dma_wait3A_111 : memref<50000x16xf32, #tpu.memory_space<hbm>>) dst(%arg9 : memref<128x16xf32, #tpu.memory_space<vmem>>)
      %sub3A_112 = arith.constant 1 : i32
      %sub3A_113 = arith.subi %add3A_92, %sub3A_112 : i32
      %mul3A_114 = arith.constant 128 : i32
      %mul3A_115 = arith.muli %sub3A_113, %mul3A_114 : i32
      %add3A_116 = arith.addi %mul3A_2, %mul3A_115 : i32
      %dma_start3A_117 = arith.constant 0 : i32
      %dma_start3A_118 = tpu.memref_slice %arg4[%add3A_116, %dma_start3A_117] : memref<800000x16xf32, #tpu.memory_space<hbm>> -> memref<128x16xf32, #tpu.memory_space<hbm>>
      %dma_start3A_119 = arith.constant 0 : i32
      %dma_start3A_120 = tpu.memref_slice %arg4[%add3A_116, %dma_start3A_119] : memref<800000x16xf32, #tpu.memory_space<hbm>> -> memref<128x16xf32, #tpu.memory_space<hbm>>
      tpu.enqueue_dma source(%arg9 : memref<128x16xf32, #tpu.memory_space<vmem>>) target(%dma_start3A_120 : memref<128x16xf32, #tpu.memory_space<hbm>>) target_semaphore(%arg18 : memref<!tpu.dma_semaphore, #tpu.memory_space<semaphore_mem>>)
    }
    %scan3A_10 = arith.constant 65 : i32
    %dma_wait3A = arith.constant 0 : i32
    %dma_wait3A_11 = arith.constant 0 : i32
    %dma_wait3A_12 = tpu.memref_slice %arg2[%dma_wait3A, %dma_wait3A_11] : memref<50000x16xf32, #tpu.memory_space<hbm>> -> memref<50000x16xf32, #tpu.memory_space<hbm>>
    tpu.wait_indirect_dma semaphore(%arg16 : memref<!tpu.dma_semaphore, #tpu.memory_space<semaphore_mem>>) src(%dma_wait3A_12 : memref<50000x16xf32, #tpu.memory_space<hbm>>) dst(%arg10 : memref<128x16xf32, #tpu.memory_space<vmem>>)
    %add3A_13 = arith.constant 24832 : i32
    %add3A_14 = arith.addi %mul3A_2, %add3A_13 : i32
    %dma_start3A_15 = arith.constant 0 : i32
    %dma_start3A_16 = tpu.memref_slice %arg4[%add3A_14, %dma_start3A_15] : memref<800000x16xf32, #tpu.memory_space<hbm>> -> memref<128x16xf32, #tpu.memory_space<hbm>>
    %dma_start3A_17 = arith.constant 0 : i32
    %dma_start3A_18 = tpu.memref_slice %arg4[%add3A_14, %dma_start3A_17] : memref<800000x16xf32, #tpu.memory_space<hbm>> -> memref<128x16xf32, #tpu.memory_space<hbm>>
    tpu.enqueue_dma source(%arg10 : memref<128x16xf32, #tpu.memory_space<vmem>>) target(%dma_start3A_18 : memref<128x16xf32, #tpu.memory_space<hbm>>) target_semaphore(%arg19 : memref<!tpu.dma_semaphore, #tpu.memory_space<semaphore_mem>>)
    %add3A_19 = arith.constant 24960 : i32
    %add3A_20 = arith.addi %mul3A_2, %add3A_19 : i32
    "tpu.region"() ({
      %run_scoped3A = tpu.sem_alloc : memref<!tpu.dma_semaphore, #tpu.memory_space<semaphore_mem>>
      %dma_start3A_39 = tpu.memref_slice %arg3[%add3A_20] : memref<800000xi32, #tpu.memory_space<hbm>> -> memref<40xi32, #tpu.memory_space<hbm>>
      %dma_start3A_40 = tpu.memref_slice %arg3[%add3A_20] : memref<800000xi32, #tpu.memory_space<hbm>> -> memref<40xi32, #tpu.memory_space<hbm>>
      tpu.enqueue_dma source(%dma_start3A_40 : memref<40xi32, #tpu.memory_space<hbm>>) target(%arg20 : memref<40xi32, #tpu.memory_space<vmem>>) target_semaphore(%run_scoped3A : memref<!tpu.dma_semaphore, #tpu.memory_space<semaphore_mem>>)
      %dma_wait3A_41 = tpu.memref_slice %arg3[%add3A_20] : memref<800000xi32, #tpu.memory_space<hbm>> -> memref<40xi32, #tpu.memory_space<hbm>>
      %dma_wait3A_42 = tpu.memref_slice %arg3[%add3A_20] : memref<800000xi32, #tpu.memory_space<hbm>> -> memref<40xi32, #tpu.memory_space<hbm>>
      tpu.wait_dma2 semaphore(%run_scoped3A : memref<!tpu.dma_semaphore, #tpu.memory_space<semaphore_mem>>) src(%dma_wait3A_42 : memref<40xi32, #tpu.memory_space<hbm>>) dst(%arg20 : memref<40xi32, #tpu.memory_space<vmem>>)
      tpu.yield
    }) : () -> ()
    %dma_start3A_21 = arith.constant 0 : i32
    %dma_start3A_22 = arith.constant 0 : i32
    %dma_start3A_23 = tpu.memref_slice %arg2[%dma_start3A_21, %dma_start3A_22] : memref<50000x16xf32, #tpu.memory_space<hbm>> -> memref<50000x16xf32, #tpu.memory_space<hbm>>
    tpu.enqueue_indirect_dma source(%dma_start3A_23 : memref<50000x16xf32, #tpu.memory_space<hbm>>) target(%arg21 : memref<40x16xf32, #tpu.memory_space<vmem>>) offsets(%arg20 : memref<40xi32, #tpu.memory_space<vmem>>) semaphore(%arg14 : memref<!tpu.dma_semaphore, #tpu.memory_space<semaphore_mem>>)
    %dma_wait3A_24 = arith.constant 0 : i32
    %dma_wait3A_25 = arith.constant 0 : i32
    %dma_wait3A_26 = tpu.memref_slice %arg2[%dma_wait3A_24, %dma_wait3A_25] : memref<50000x16xf32, #tpu.memory_space<hbm>> -> memref<50000x16xf32, #tpu.memory_space<hbm>>
    tpu.wait_indirect_dma semaphore(%arg14 : memref<!tpu.dma_semaphore, #tpu.memory_space<semaphore_mem>>) src(%dma_wait3A_26 : memref<50000x16xf32, #tpu.memory_space<hbm>>) dst(%arg21 : memref<40x16xf32, #tpu.memory_space<vmem>>)
    "tpu.region"() ({
      %run_scoped3A = tpu.sem_alloc : memref<!tpu.dma_semaphore, #tpu.memory_space<semaphore_mem>>
      %dma_start3A_39 = arith.constant 0 : i32
      %dma_start3A_40 = tpu.memref_slice %arg4[%add3A_20, %dma_start3A_39] : memref<800000x16xf32, #tpu.memory_space<hbm>> -> memref<40x16xf32, #tpu.memory_space<hbm>>
      %dma_start3A_41 = arith.constant 0 : i32
      %dma_start3A_42 = tpu.memref_slice %arg4[%add3A_20, %dma_start3A_41] : memref<800000x16xf32, #tpu.memory_space<hbm>> -> memref<40x16xf32, #tpu.memory_space<hbm>>
      tpu.enqueue_dma source(%arg21 : memref<40x16xf32, #tpu.memory_space<vmem>>) target(%dma_start3A_42 : memref<40x16xf32, #tpu.memory_space<hbm>>) target_semaphore(%run_scoped3A : memref<!tpu.dma_semaphore, #tpu.memory_space<semaphore_mem>>)
      %dma_wait3A_43 = arith.constant 0 : i32
      %dma_wait3A_44 = tpu.memref_slice %arg4[%add3A_20, %dma_wait3A_43] : memref<800000x16xf32, #tpu.memory_space<hbm>> -> memref<40x16xf32, #tpu.memory_space<hbm>>
      %dma_wait3A_45 = arith.constant 0 : i32
      %dma_wait3A_46 = tpu.memref_slice %arg4[%add3A_20, %dma_wait3A_45] : memref<800000x16xf32, #tpu.memory_space<hbm>> -> memref<40x16xf32, #tpu.memory_space<hbm>>
      tpu.wait_dma2 semaphore(%run_scoped3A : memref<!tpu.dma_semaphore, #tpu.memory_space<semaphore_mem>>) src(%arg21 : memref<40x16xf32, #tpu.memory_space<vmem>>) dst(%dma_wait3A_46 : memref<40x16xf32, #tpu.memory_space<hbm>>)
      tpu.yield
    }) : () -> ()
    %dma_wait3A_27 = arith.constant 0 : i32
    %dma_wait3A_28 = tpu.memref_slice %arg4[%mul3A_2, %dma_wait3A_27] : memref<800000x16xf32, #tpu.memory_space<hbm>> -> memref<128x16xf32, #tpu.memory_space<hbm>>
    %dma_wait3A_29 = arith.constant 0 : i32
    %dma_wait3A_30 = tpu.memref_slice %arg4[%mul3A_2, %dma_wait3A_29] : memref<800000x16xf32, #tpu.memory_space<hbm>> -> memref<128x16xf32, #tpu.memory_space<hbm>>
    tpu.wait_dma2 semaphore(%arg17 : memref<!tpu.dma_semaphore, #tpu.memory_space<semaphore_mem>>) src(%arg8 : memref<128x16xf32, #tpu.memory_space<vmem>>) dst(%dma_wait3A_30 : memref<128x16xf32, #tpu.memory_space<hbm>>)
    %dma_wait3A_31 = arith.constant 0 : i32
    %dma_wait3A_32 = tpu.memref_slice %arg4[%mul3A_2, %dma_wait3A_31] : memref<800000x16xf32, #tpu.memory_space<hbm>> -> memref<128x16xf32, #tpu.memory_space<hbm>>
    %dma_wait3A_33 = arith.constant 0 : i32
    %dma_wait3A_34 = tpu.memref_slice %arg4[%mul3A_2, %dma_wait3A_33] : memref<800000x16xf32, #tpu.memory_space<hbm>> -> memref<128x16xf32, #tpu.memory_space<hbm>>
    tpu.wait_dma2 semaphore(%arg18 : memref<!tpu.dma_semaphore, #tpu.memory_space<semaphore_mem>>) src(%arg9 : memref<128x16xf32, #tpu.memory_space<vmem>>) dst(%dma_wait3A_34 : memref<128x16xf32, #tpu.memory_space<hbm>>)
    %dma_wait3A_35 = arith.constant 0 : i32
    %dma_wait3A_36 = tpu.memref_slice %arg4[%mul3A_2, %dma_wait3A_35] : memref<800000x16xf32, #tpu.memory_space<hbm>> -> memref<128x16xf32, #tpu.memory_space<hbm>>
    %dma_wait3A_37 = arith.constant 0 : i32
    %dma_wait3A_38 = tpu.memref_slice %arg4[%mul3A_2, %dma_wait3A_37] : memref<800000x16xf32, #tpu.memory_space<hbm>> -> memref<128x16xf32, #tpu.memory_space<hbm>>
    tpu.wait_dma2 semaphore(%arg19 : memref<!tpu.dma_semaphore, #tpu.memory_space<semaphore_mem>>) src(%arg10 : memref<128x16xf32, #tpu.memory_space<vmem>>) dst(%dma_wait3A_38 : memref<128x16xf32, #tpu.memory_space<hbm>>)
    return
  }
}

#map = affine_map<(d0, d1) -> (0, 0)>
#map1 = affine_map<(d0, d1) -> (0)>
module attributes {stable_mosaic.version = 14 : i64} {
  func.func @gather_k(%arg0: i32, %arg1: i32, %arg2: memref<50000x32xf32, #tpu.memory_space<hbm>>, %arg3: memref<800000xi32, #tpu.memory_space<hbm>>, %arg4: memref<800000x32xf32, #tpu.memory_space<hbm>>, %arg5: memref<128xi32, #tpu.memory_space<vmem>>, %arg6: memref<128xi32, #tpu.memory_space<vmem>>, %arg7: memref<128xi32, #tpu.memory_space<vmem>>, %arg8: memref<128x32xf32, #tpu.memory_space<vmem>>, %arg9: memref<128x32xf32, #tpu.memory_space<vmem>>, %arg10: memref<128x32xf32, #tpu.memory_space<vmem>>, %arg11: memref<!tpu.dma_semaphore, #tpu.memory_space<semaphore_mem>>, %arg12: memref<!tpu.dma_semaphore, #tpu.memory_space<semaphore_mem>>, %arg13: memref<!tpu.dma_semaphore, #tpu.memory_space<semaphore_mem>>, %arg14: memref<!tpu.dma_semaphore, #tpu.memory_space<semaphore_mem>>, %arg15: memref<!tpu.dma_semaphore, #tpu.memory_space<semaphore_mem>>, %arg16: memref<!tpu.dma_semaphore, #tpu.memory_space<semaphore_mem>>, %arg17: memref<!tpu.dma_semaphore, #tpu.memory_space<semaphore_mem>>, %arg18: memref<!tpu.dma_semaphore, #tpu.memory_space<semaphore_mem>>, %arg19: memref<!tpu.dma_semaphore, #tpu.memory_space<semaphore_mem>>, %arg20: memref<40xi32, #tpu.memory_space<vmem>>, %arg21: memref<40x32xf32, #tpu.memory_space<vmem>>) attributes {dimension_semantics = [#tpu.dimension_semantics<core_parallel>, #tpu.dimension_semantics<subcore_parallel>], iteration_bounds = array<i64: 2, 16>, scalar_prefetch = 0 : i64, scratch_operands = 17 : i64, tpu.core_type = #tpu.core_type<sc_vector_subcore>, window_params = [{transform_indices = #map}, {transform_indices = #map1}, {transform_indices = #map}]} {
    %mul3A = arith.constant 2 : i32
    %mul3A_0 = arith.muli %arg1, %mul3A : i32
    %add3A = arith.addi %mul3A_0, %arg0 : i32
    %mul3A_1 = arith.constant 25000 : i32
    %mul3A_2 = arith.muli %add3A, %mul3A_1 : i32
    %add3A_3 = arith.constant 0 : i32
    %add3A_4 = arith.addi %mul3A_2, %add3A_3 : i32
    %dma_start3A = tpu.memref_slice %arg3[%add3A_4] : memref<800000xi32, #tpu.memory_space<hbm>> -> memref<128xi32, #tpu.memory_space<hbm>>
    %dma_start3A_5 = tpu.memref_slice %arg3[%add3A_4] : memref<800000xi32, #tpu.memory_space<hbm>> -> memref<128xi32, #tpu.memory_space<hbm>>
    tpu.enqueue_dma source(%dma_start3A_5 : memref<128xi32, #tpu.memory_space<hbm>>) target(%arg5 : memref<128xi32, #tpu.memory_space<vmem>>) target_semaphore(%arg11 : memref<!tpu.dma_semaphore, #tpu.memory_space<semaphore_mem>>)
    %scan3A = arith.constant 0 : i32
    %scan3A_6 = arith.constant 0 : i32
    %scan3A_7 = arith.constant 65 : i32
    %scan3A_8 = arith.addi %scan3A_6, %scan3A_7 : i32
    %scan3A_9 = arith.constant 1 : i32
    scf.for %scan3A_39 = %scan3A_6 to %scan3A_8 step %scan3A_9  : i32 {
      %mul3A_40 = arith.constant 3 : i32
      %mul3A_41 = arith.muli %mul3A_40, %scan3A_39 : i32
      %dma_wait3A_42 = tpu.memref_slice %arg3[%mul3A_2] : memref<800000xi32, #tpu.memory_space<hbm>> -> memref<128xi32, #tpu.memory_space<hbm>>
      %dma_wait3A_43 = tpu.memref_slice %arg3[%mul3A_2] : memref<800000xi32, #tpu.memory_space<hbm>> -> memref<128xi32, #tpu.memory_space<hbm>>
      tpu.wait_dma2 semaphore(%arg11 : memref<!tpu.dma_semaphore, #tpu.memory_space<semaphore_mem>>) src(%dma_wait3A_43 : memref<128xi32, #tpu.memory_space<hbm>>) dst(%arg5 : memref<128xi32, #tpu.memory_space<vmem>>)
      %gt3A = arith.constant 0 : i32
      %gt3A_44 = arith.cmpi sgt, %scan3A_39, %gt3A : i32
      %convert_element_type3A = arith.extui %gt3A_44 : i1 to i32
      %cond3A = arith.constant 0 : i32
      %cond3A_45 = arith.cmpi ne, %convert_element_type3A, %cond3A : i32
      scf.if %cond3A_45 {
        %dma_wait3A_121 = arith.constant 0 : i32
        %dma_wait3A_122 = tpu.memref_slice %arg4[%mul3A_2, %dma_wait3A_121] : memref<800000x32xf32, #tpu.memory_space<hbm>> -> memref<128x32xf32, #tpu.memory_space<hbm>>
        %dma_wait3A_123 = arith.constant 0 : i32
        %dma_wait3A_124 = tpu.memref_slice %arg4[%mul3A_2, %dma_wait3A_123] : memref<800000x32xf32, #tpu.memory_space<hbm>> -> memref<128x32xf32, #tpu.memory_space<hbm>>
        tpu.wait_dma2 semaphore(%arg17 : memref<!tpu.dma_semaphore, #tpu.memory_space<semaphore_mem>>) src(%arg8 : memref<128x32xf32, #tpu.memory_space<vmem>>) dst(%dma_wait3A_124 : memref<128x32xf32, #tpu.memory_space<hbm>>)
      } else {
      }
      %dma_start3A_46 = arith.constant 0 : i32
      %dma_start3A_47 = arith.constant 0 : i32
      %dma_start3A_48 = tpu.memref_slice %arg2[%dma_start3A_46, %dma_start3A_47] : memref<50000x32xf32, #tpu.memory_space<hbm>> -> memref<50000x32xf32, #tpu.memory_space<hbm>>
      tpu.enqueue_indirect_dma source(%dma_start3A_48 : memref<50000x32xf32, #tpu.memory_space<hbm>>) target(%arg8 : memref<128x32xf32, #tpu.memory_space<vmem>>) offsets(%arg5 : memref<128xi32, #tpu.memory_space<vmem>>) semaphore(%arg14 : memref<!tpu.dma_semaphore, #tpu.memory_space<semaphore_mem>>)
      %add3A_49 = arith.constant 1 : i32
      %add3A_50 = arith.addi %mul3A_41, %add3A_49 : i32
      %mul3A_51 = arith.constant 128 : i32
      %mul3A_52 = arith.muli %add3A_50, %mul3A_51 : i32
      %add3A_53 = arith.addi %mul3A_2, %mul3A_52 : i32
      %dma_start3A_54 = tpu.memref_slice %arg3[%add3A_53] : memref<800000xi32, #tpu.memory_space<hbm>> -> memref<128xi32, #tpu.memory_space<hbm>>
      %dma_start3A_55 = tpu.memref_slice %arg3[%add3A_53] : memref<800000xi32, #tpu.memory_space<hbm>> -> memref<128xi32, #tpu.memory_space<hbm>>
      tpu.enqueue_dma source(%dma_start3A_55 : memref<128xi32, #tpu.memory_space<hbm>>) target(%arg6 : memref<128xi32, #tpu.memory_space<vmem>>) target_semaphore(%arg12 : memref<!tpu.dma_semaphore, #tpu.memory_space<semaphore_mem>>)
      %gt3A_56 = arith.constant 0 : i32
      %gt3A_57 = arith.cmpi sgt, %scan3A_39, %gt3A_56 : i32
      %convert_element_type3A_58 = arith.extui %gt3A_57 : i1 to i32
      %cond3A_59 = arith.constant 0 : i32
      %cond3A_60 = arith.cmpi ne, %convert_element_type3A_58, %cond3A_59 : i32
      scf.if %cond3A_60 {
        %dma_wait3A_121 = arith.constant 0 : i32
        %dma_wait3A_122 = arith.constant 0 : i32
        %dma_wait3A_123 = tpu.memref_slice %arg2[%dma_wait3A_121, %dma_wait3A_122] : memref<50000x32xf32, #tpu.memory_space<hbm>> -> memref<50000x32xf32, #tpu.memory_space<hbm>>
        tpu.wait_indirect_dma semaphore(%arg16 : memref<!tpu.dma_semaphore, #tpu.memory_space<semaphore_mem>>) src(%dma_wait3A_123 : memref<50000x32xf32, #tpu.memory_space<hbm>>) dst(%arg10 : memref<128x32xf32, #tpu.memory_space<vmem>>)
        %sub3A_124 = arith.constant 1 : i32
        %sub3A_125 = arith.subi %mul3A_41, %sub3A_124 : i32
        %mul3A_126 = arith.constant 128 : i32
        %mul3A_127 = arith.muli %sub3A_125, %mul3A_126 : i32
        %add3A_128 = arith.addi %mul3A_2, %mul3A_127 : i32
        %dma_start3A_129 = arith.constant 0 : i32
        %dma_start3A_130 = tpu.memref_slice %arg4[%add3A_128, %dma_start3A_129] : memref<800000x32xf32, #tpu.memory_space<hbm>> -> memref<128x32xf32, #tpu.memory_space<hbm>>
        %dma_start3A_131 = arith.constant 0 : i32
        %dma_start3A_132 = tpu.memref_slice %arg4[%add3A_128, %dma_start3A_131] : memref<800000x32xf32, #tpu.memory_space<hbm>> -> memref<128x32xf32, #tpu.memory_space<hbm>>
        tpu.enqueue_dma source(%arg10 : memref<128x32xf32, #tpu.memory_space<vmem>>) target(%dma_start3A_132 : memref<128x32xf32, #tpu.memory_space<hbm>>) target_semaphore(%arg19 : memref<!tpu.dma_semaphore, #tpu.memory_space<semaphore_mem>>)
      } else {
      }
      %add3A_61 = arith.constant 1 : i32
      %add3A_62 = arith.addi %mul3A_41, %add3A_61 : i32
      %dma_wait3A_63 = tpu.memref_slice %arg3[%mul3A_2] : memref<800000xi32, #tpu.memory_space<hbm>> -> memref<128xi32, #tpu.memory_space<hbm>>
      %dma_wait3A_64 = tpu.memref_slice %arg3[%mul3A_2] : memref<800000xi32, #tpu.memory_space<hbm>> -> memref<128xi32, #tpu.memory_space<hbm>>
      tpu.wait_dma2 semaphore(%arg12 : memref<!tpu.dma_semaphore, #tpu.memory_space<semaphore_mem>>) src(%dma_wait3A_64 : memref<128xi32, #tpu.memory_space<hbm>>) dst(%arg6 : memref<128xi32, #tpu.memory_space<vmem>>)
      %gt3A_65 = arith.constant 0 : i32
      %gt3A_66 = arith.cmpi sgt, %scan3A_39, %gt3A_65 : i32
      %convert_element_type3A_67 = arith.extui %gt3A_66 : i1 to i32
      %cond3A_68 = arith.constant 0 : i32
      %cond3A_69 = arith.cmpi ne, %convert_element_type3A_67, %cond3A_68 : i32
      scf.if %cond3A_69 {
        %dma_wait3A_121 = arith.constant 0 : i32
        %dma_wait3A_122 = tpu.memref_slice %arg4[%mul3A_2, %dma_wait3A_121] : memref<800000x32xf32, #tpu.memory_space<hbm>> -> memref<128x32xf32, #tpu.memory_space<hbm>>
        %dma_wait3A_123 = arith.constant 0 : i32
        %dma_wait3A_124 = tpu.memref_slice %arg4[%mul3A_2, %dma_wait3A_123] : memref<800000x32xf32, #tpu.memory_space<hbm>> -> memref<128x32xf32, #tpu.memory_space<hbm>>
        tpu.wait_dma2 semaphore(%arg18 : memref<!tpu.dma_semaphore, #tpu.memory_space<semaphore_mem>>) src(%arg9 : memref<128x32xf32, #tpu.memory_space<vmem>>) dst(%dma_wait3A_124 : memref<128x32xf32, #tpu.memory_space<hbm>>)
      } else {
      }
      %dma_start3A_70 = arith.constant 0 : i32
      %dma_start3A_71 = arith.constant 0 : i32
      %dma_start3A_72 = tpu.memref_slice %arg2[%dma_start3A_70, %dma_start3A_71] : memref<50000x32xf32, #tpu.memory_space<hbm>> -> memref<50000x32xf32, #tpu.memory_space<hbm>>
      tpu.enqueue_indirect_dma source(%dma_start3A_72 : memref<50000x32xf32, #tpu.memory_space<hbm>>) target(%arg9 : memref<128x32xf32, #tpu.memory_space<vmem>>) offsets(%arg6 : memref<128xi32, #tpu.memory_space<vmem>>) semaphore(%arg15 : memref<!tpu.dma_semaphore, #tpu.memory_space<semaphore_mem>>)
      %add3A_73 = arith.constant 1 : i32
      %add3A_74 = arith.addi %add3A_62, %add3A_73 : i32
      %mul3A_75 = arith.constant 128 : i32
      %mul3A_76 = arith.muli %add3A_74, %mul3A_75 : i32
      %add3A_77 = arith.addi %mul3A_2, %mul3A_76 : i32
      %dma_start3A_78 = tpu.memref_slice %arg3[%add3A_77] : memref<800000xi32, #tpu.memory_space<hbm>> -> memref<128xi32, #tpu.memory_space<hbm>>
      %dma_start3A_79 = tpu.memref_slice %arg3[%add3A_77] : memref<800000xi32, #tpu.memory_space<hbm>> -> memref<128xi32, #tpu.memory_space<hbm>>
      tpu.enqueue_dma source(%dma_start3A_79 : memref<128xi32, #tpu.memory_space<hbm>>) target(%arg7 : memref<128xi32, #tpu.memory_space<vmem>>) target_semaphore(%arg13 : memref<!tpu.dma_semaphore, #tpu.memory_space<semaphore_mem>>)
      %dma_wait3A_80 = arith.constant 0 : i32
      %dma_wait3A_81 = arith.constant 0 : i32
      %dma_wait3A_82 = tpu.memref_slice %arg2[%dma_wait3A_80, %dma_wait3A_81] : memref<50000x32xf32, #tpu.memory_space<hbm>> -> memref<50000x32xf32, #tpu.memory_space<hbm>>
      tpu.wait_indirect_dma semaphore(%arg14 : memref<!tpu.dma_semaphore, #tpu.memory_space<semaphore_mem>>) src(%dma_wait3A_82 : memref<50000x32xf32, #tpu.memory_space<hbm>>) dst(%arg8 : memref<128x32xf32, #tpu.memory_space<vmem>>)
      %sub3A = arith.constant 1 : i32
      %sub3A_83 = arith.subi %add3A_62, %sub3A : i32
      %mul3A_84 = arith.constant 128 : i32
      %mul3A_85 = arith.muli %sub3A_83, %mul3A_84 : i32
      %add3A_86 = arith.addi %mul3A_2, %mul3A_85 : i32
      %dma_start3A_87 = arith.constant 0 : i32
      %dma_start3A_88 = tpu.memref_slice %arg4[%add3A_86, %dma_start3A_87] : memref<800000x32xf32, #tpu.memory_space<hbm>> -> memref<128x32xf32, #tpu.memory_space<hbm>>
      %dma_start3A_89 = arith.constant 0 : i32
      %dma_start3A_90 = tpu.memref_slice %arg4[%add3A_86, %dma_start3A_89] : memref<800000x32xf32, #tpu.memory_space<hbm>> -> memref<128x32xf32, #tpu.memory_space<hbm>>
      tpu.enqueue_dma source(%arg8 : memref<128x32xf32, #tpu.memory_space<vmem>>) target(%dma_start3A_90 : memref<128x32xf32, #tpu.memory_space<hbm>>) target_semaphore(%arg17 : memref<!tpu.dma_semaphore, #tpu.memory_space<semaphore_mem>>)
      %add3A_91 = arith.constant 2 : i32
      %add3A_92 = arith.addi %mul3A_41, %add3A_91 : i32
      %dma_wait3A_93 = tpu.memref_slice %arg3[%mul3A_2] : memref<800000xi32, #tpu.memory_space<hbm>> -> memref<128xi32, #tpu.memory_space<hbm>>
      %dma_wait3A_94 = tpu.memref_slice %arg3[%mul3A_2] : memref<800000xi32, #tpu.memory_space<hbm>> -> memref<128xi32, #tpu.memory_space<hbm>>
      tpu.wait_dma2 semaphore(%arg13 : memref<!tpu.dma_semaphore, #tpu.memory_space<semaphore_mem>>) src(%dma_wait3A_94 : memref<128xi32, #tpu.memory_space<hbm>>) dst(%arg7 : memref<128xi32, #tpu.memory_space<vmem>>)
      %gt3A_95 = arith.constant 0 : i32
      %gt3A_96 = arith.cmpi sgt, %scan3A_39, %gt3A_95 : i32
      %convert_element_type3A_97 = arith.extui %gt3A_96 : i1 to i32
      %cond3A_98 = arith.constant 0 : i32
      %cond3A_99 = arith.cmpi ne, %convert_element_type3A_97, %cond3A_98 : i32
      scf.if %cond3A_99 {
        %dma_wait3A_121 = arith.constant 0 : i32
        %dma_wait3A_122 = tpu.memref_slice %arg4[%mul3A_2, %dma_wait3A_121] : memref<800000x32xf32, #tpu.memory_space<hbm>> -> memref<128x32xf32, #tpu.memory_space<hbm>>
        %dma_wait3A_123 = arith.constant 0 : i32
        %dma_wait3A_124 = tpu.memref_slice %arg4[%mul3A_2, %dma_wait3A_123] : memref<800000x32xf32, #tpu.memory_space<hbm>> -> memref<128x32xf32, #tpu.memory_space<hbm>>
        tpu.wait_dma2 semaphore(%arg19 : memref<!tpu.dma_semaphore, #tpu.memory_space<semaphore_mem>>) src(%arg10 : memref<128x32xf32, #tpu.memory_space<vmem>>) dst(%dma_wait3A_124 : memref<128x32xf32, #tpu.memory_space<hbm>>)
      } else {
      }
      %dma_start3A_100 = arith.constant 0 : i32
      %dma_start3A_101 = arith.constant 0 : i32
      %dma_start3A_102 = tpu.memref_slice %arg2[%dma_start3A_100, %dma_start3A_101] : memref<50000x32xf32, #tpu.memory_space<hbm>> -> memref<50000x32xf32, #tpu.memory_space<hbm>>
      tpu.enqueue_indirect_dma source(%dma_start3A_102 : memref<50000x32xf32, #tpu.memory_space<hbm>>) target(%arg10 : memref<128x32xf32, #tpu.memory_space<vmem>>) offsets(%arg7 : memref<128xi32, #tpu.memory_space<vmem>>) semaphore(%arg16 : memref<!tpu.dma_semaphore, #tpu.memory_space<semaphore_mem>>)
      %add3A_103 = arith.constant 1 : i32
      %add3A_104 = arith.addi %scan3A_39, %add3A_103 : i32
      %lt3A = arith.constant 65 : i32
      %lt3A_105 = arith.cmpi slt, %add3A_104, %lt3A : i32
      %convert_element_type3A_106 = arith.extui %lt3A_105 : i1 to i32
      %cond3A_107 = arith.constant 0 : i32
      %cond3A_108 = arith.cmpi ne, %convert_element_type3A_106, %cond3A_107 : i32
      scf.if %cond3A_108 {
        %add3A_121 = arith.constant 1 : i32
        %add3A_122 = arith.addi %add3A_92, %add3A_121 : i32
        %mul3A_123 = arith.constant 128 : i32
        %mul3A_124 = arith.muli %add3A_122, %mul3A_123 : i32
        %add3A_125 = arith.addi %mul3A_2, %mul3A_124 : i32
        %dma_start3A_126 = tpu.memref_slice %arg3[%add3A_125] : memref<800000xi32, #tpu.memory_space<hbm>> -> memref<128xi32, #tpu.memory_space<hbm>>
        %dma_start3A_127 = tpu.memref_slice %arg3[%add3A_125] : memref<800000xi32, #tpu.memory_space<hbm>> -> memref<128xi32, #tpu.memory_space<hbm>>
        tpu.enqueue_dma source(%dma_start3A_127 : memref<128xi32, #tpu.memory_space<hbm>>) target(%arg5 : memref<128xi32, #tpu.memory_space<vmem>>) target_semaphore(%arg11 : memref<!tpu.dma_semaphore, #tpu.memory_space<semaphore_mem>>)
      } else {
      }
      %dma_wait3A_109 = arith.constant 0 : i32
      %dma_wait3A_110 = arith.constant 0 : i32
      %dma_wait3A_111 = tpu.memref_slice %arg2[%dma_wait3A_109, %dma_wait3A_110] : memref<50000x32xf32, #tpu.memory_space<hbm>> -> memref<50000x32xf32, #tpu.memory_space<hbm>>
      tpu.wait_indirect_dma semaphore(%arg15 : memref<!tpu.dma_semaphore, #tpu.memory_space<semaphore_mem>>) src(%dma_wait3A_111 : memref<50000x32xf32, #tpu.memory_space<hbm>>) dst(%arg9 : memref<128x32xf32, #tpu.memory_space<vmem>>)
      %sub3A_112 = arith.constant 1 : i32
      %sub3A_113 = arith.subi %add3A_92, %sub3A_112 : i32
      %mul3A_114 = arith.constant 128 : i32
      %mul3A_115 = arith.muli %sub3A_113, %mul3A_114 : i32
      %add3A_116 = arith.addi %mul3A_2, %mul3A_115 : i32
      %dma_start3A_117 = arith.constant 0 : i32
      %dma_start3A_118 = tpu.memref_slice %arg4[%add3A_116, %dma_start3A_117] : memref<800000x32xf32, #tpu.memory_space<hbm>> -> memref<128x32xf32, #tpu.memory_space<hbm>>
      %dma_start3A_119 = arith.constant 0 : i32
      %dma_start3A_120 = tpu.memref_slice %arg4[%add3A_116, %dma_start3A_119] : memref<800000x32xf32, #tpu.memory_space<hbm>> -> memref<128x32xf32, #tpu.memory_space<hbm>>
      tpu.enqueue_dma source(%arg9 : memref<128x32xf32, #tpu.memory_space<vmem>>) target(%dma_start3A_120 : memref<128x32xf32, #tpu.memory_space<hbm>>) target_semaphore(%arg18 : memref<!tpu.dma_semaphore, #tpu.memory_space<semaphore_mem>>)
    }
    %scan3A_10 = arith.constant 65 : i32
    %dma_wait3A = arith.constant 0 : i32
    %dma_wait3A_11 = arith.constant 0 : i32
    %dma_wait3A_12 = tpu.memref_slice %arg2[%dma_wait3A, %dma_wait3A_11] : memref<50000x32xf32, #tpu.memory_space<hbm>> -> memref<50000x32xf32, #tpu.memory_space<hbm>>
    tpu.wait_indirect_dma semaphore(%arg16 : memref<!tpu.dma_semaphore, #tpu.memory_space<semaphore_mem>>) src(%dma_wait3A_12 : memref<50000x32xf32, #tpu.memory_space<hbm>>) dst(%arg10 : memref<128x32xf32, #tpu.memory_space<vmem>>)
    %add3A_13 = arith.constant 24832 : i32
    %add3A_14 = arith.addi %mul3A_2, %add3A_13 : i32
    %dma_start3A_15 = arith.constant 0 : i32
    %dma_start3A_16 = tpu.memref_slice %arg4[%add3A_14, %dma_start3A_15] : memref<800000x32xf32, #tpu.memory_space<hbm>> -> memref<128x32xf32, #tpu.memory_space<hbm>>
    %dma_start3A_17 = arith.constant 0 : i32
    %dma_start3A_18 = tpu.memref_slice %arg4[%add3A_14, %dma_start3A_17] : memref<800000x32xf32, #tpu.memory_space<hbm>> -> memref<128x32xf32, #tpu.memory_space<hbm>>
    tpu.enqueue_dma source(%arg10 : memref<128x32xf32, #tpu.memory_space<vmem>>) target(%dma_start3A_18 : memref<128x32xf32, #tpu.memory_space<hbm>>) target_semaphore(%arg19 : memref<!tpu.dma_semaphore, #tpu.memory_space<semaphore_mem>>)
    %add3A_19 = arith.constant 24960 : i32
    %add3A_20 = arith.addi %mul3A_2, %add3A_19 : i32
    "tpu.region"() ({
      %run_scoped3A = tpu.sem_alloc : memref<!tpu.dma_semaphore, #tpu.memory_space<semaphore_mem>>
      %dma_start3A_39 = tpu.memref_slice %arg3[%add3A_20] : memref<800000xi32, #tpu.memory_space<hbm>> -> memref<40xi32, #tpu.memory_space<hbm>>
      %dma_start3A_40 = tpu.memref_slice %arg3[%add3A_20] : memref<800000xi32, #tpu.memory_space<hbm>> -> memref<40xi32, #tpu.memory_space<hbm>>
      tpu.enqueue_dma source(%dma_start3A_40 : memref<40xi32, #tpu.memory_space<hbm>>) target(%arg20 : memref<40xi32, #tpu.memory_space<vmem>>) target_semaphore(%run_scoped3A : memref<!tpu.dma_semaphore, #tpu.memory_space<semaphore_mem>>)
      %dma_wait3A_41 = tpu.memref_slice %arg3[%add3A_20] : memref<800000xi32, #tpu.memory_space<hbm>> -> memref<40xi32, #tpu.memory_space<hbm>>
      %dma_wait3A_42 = tpu.memref_slice %arg3[%add3A_20] : memref<800000xi32, #tpu.memory_space<hbm>> -> memref<40xi32, #tpu.memory_space<hbm>>
      tpu.wait_dma2 semaphore(%run_scoped3A : memref<!tpu.dma_semaphore, #tpu.memory_space<semaphore_mem>>) src(%dma_wait3A_42 : memref<40xi32, #tpu.memory_space<hbm>>) dst(%arg20 : memref<40xi32, #tpu.memory_space<vmem>>)
      tpu.yield
    }) : () -> ()
    %dma_start3A_21 = arith.constant 0 : i32
    %dma_start3A_22 = arith.constant 0 : i32
    %dma_start3A_23 = tpu.memref_slice %arg2[%dma_start3A_21, %dma_start3A_22] : memref<50000x32xf32, #tpu.memory_space<hbm>> -> memref<50000x32xf32, #tpu.memory_space<hbm>>
    tpu.enqueue_indirect_dma source(%dma_start3A_23 : memref<50000x32xf32, #tpu.memory_space<hbm>>) target(%arg21 : memref<40x32xf32, #tpu.memory_space<vmem>>) offsets(%arg20 : memref<40xi32, #tpu.memory_space<vmem>>) semaphore(%arg14 : memref<!tpu.dma_semaphore, #tpu.memory_space<semaphore_mem>>)
    %dma_wait3A_24 = arith.constant 0 : i32
    %dma_wait3A_25 = arith.constant 0 : i32
    %dma_wait3A_26 = tpu.memref_slice %arg2[%dma_wait3A_24, %dma_wait3A_25] : memref<50000x32xf32, #tpu.memory_space<hbm>> -> memref<50000x32xf32, #tpu.memory_space<hbm>>
    tpu.wait_indirect_dma semaphore(%arg14 : memref<!tpu.dma_semaphore, #tpu.memory_space<semaphore_mem>>) src(%dma_wait3A_26 : memref<50000x32xf32, #tpu.memory_space<hbm>>) dst(%arg21 : memref<40x32xf32, #tpu.memory_space<vmem>>)
    "tpu.region"() ({
      %run_scoped3A = tpu.sem_alloc : memref<!tpu.dma_semaphore, #tpu.memory_space<semaphore_mem>>
      %dma_start3A_39 = arith.constant 0 : i32
      %dma_start3A_40 = tpu.memref_slice %arg4[%add3A_20, %dma_start3A_39] : memref<800000x32xf32, #tpu.memory_space<hbm>> -> memref<40x32xf32, #tpu.memory_space<hbm>>
      %dma_start3A_41 = arith.constant 0 : i32
      %dma_start3A_42 = tpu.memref_slice %arg4[%add3A_20, %dma_start3A_41] : memref<800000x32xf32, #tpu.memory_space<hbm>> -> memref<40x32xf32, #tpu.memory_space<hbm>>
      tpu.enqueue_dma source(%arg21 : memref<40x32xf32, #tpu.memory_space<vmem>>) target(%dma_start3A_42 : memref<40x32xf32, #tpu.memory_space<hbm>>) target_semaphore(%run_scoped3A : memref<!tpu.dma_semaphore, #tpu.memory_space<semaphore_mem>>)
      %dma_wait3A_43 = arith.constant 0 : i32
      %dma_wait3A_44 = tpu.memref_slice %arg4[%add3A_20, %dma_wait3A_43] : memref<800000x32xf32, #tpu.memory_space<hbm>> -> memref<40x32xf32, #tpu.memory_space<hbm>>
      %dma_wait3A_45 = arith.constant 0 : i32
      %dma_wait3A_46 = tpu.memref_slice %arg4[%add3A_20, %dma_wait3A_45] : memref<800000x32xf32, #tpu.memory_space<hbm>> -> memref<40x32xf32, #tpu.memory_space<hbm>>
      tpu.wait_dma2 semaphore(%run_scoped3A : memref<!tpu.dma_semaphore, #tpu.memory_space<semaphore_mem>>) src(%arg21 : memref<40x32xf32, #tpu.memory_space<vmem>>) dst(%dma_wait3A_46 : memref<40x32xf32, #tpu.memory_space<hbm>>)
      tpu.yield
    }) : () -> ()
    %dma_wait3A_27 = arith.constant 0 : i32
    %dma_wait3A_28 = tpu.memref_slice %arg4[%mul3A_2, %dma_wait3A_27] : memref<800000x32xf32, #tpu.memory_space<hbm>> -> memref<128x32xf32, #tpu.memory_space<hbm>>
    %dma_wait3A_29 = arith.constant 0 : i32
    %dma_wait3A_30 = tpu.memref_slice %arg4[%mul3A_2, %dma_wait3A_29] : memref<800000x32xf32, #tpu.memory_space<hbm>> -> memref<128x32xf32, #tpu.memory_space<hbm>>
    tpu.wait_dma2 semaphore(%arg17 : memref<!tpu.dma_semaphore, #tpu.memory_space<semaphore_mem>>) src(%arg8 : memref<128x32xf32, #tpu.memory_space<vmem>>) dst(%dma_wait3A_30 : memref<128x32xf32, #tpu.memory_space<hbm>>)
    %dma_wait3A_31 = arith.constant 0 : i32
    %dma_wait3A_32 = tpu.memref_slice %arg4[%mul3A_2, %dma_wait3A_31] : memref<800000x32xf32, #tpu.memory_space<hbm>> -> memref<128x32xf32, #tpu.memory_space<hbm>>
    %dma_wait3A_33 = arith.constant 0 : i32
    %dma_wait3A_34 = tpu.memref_slice %arg4[%mul3A_2, %dma_wait3A_33] : memref<800000x32xf32, #tpu.memory_space<hbm>> -> memref<128x32xf32, #tpu.memory_space<hbm>>
    tpu.wait_dma2 semaphore(%arg18 : memref<!tpu.dma_semaphore, #tpu.memory_space<semaphore_mem>>) src(%arg9 : memref<128x32xf32, #tpu.memory_space<vmem>>) dst(%dma_wait3A_34 : memref<128x32xf32, #tpu.memory_space<hbm>>)
    %dma_wait3A_35 = arith.constant 0 : i32
    %dma_wait3A_36 = tpu.memref_slice %arg4[%mul3A_2, %dma_wait3A_35] : memref<800000x32xf32, #tpu.memory_space<hbm>> -> memref<128x32xf32, #tpu.memory_space<hbm>>
    %dma_wait3A_37 = arith.constant 0 : i32
    %dma_wait3A_38 = tpu.memref_slice %arg4[%mul3A_2, %dma_wait3A_37] : memref<800000x32xf32, #tpu.memory_space<hbm>> -> memref<128x32xf32, #tpu.memory_space<hbm>>
    tpu.wait_dma2 semaphore(%arg19 : memref<!tpu.dma_semaphore, #tpu.memory_space<semaphore_mem>>) src(%arg10 : memref<128x32xf32, #tpu.memory_space<vmem>>) dst(%dma_wait3A_38 : memref<128x32xf32, #tpu.memory_space<hbm>>)
    return
  }
}

module attributes {stable_mosaic.version = 14 : i64} {
  func.func @_prep_body(%arg0: i32, %arg1: memref<2000x128xf32, #tpu.memory_space<vmem>>, %arg2: memref<128x32xf32, #tpu.memory_space<vmem>>, %arg3: memref<1x32xf32, #tpu.memory_space<vmem>>, %arg4: memref<1x32xf32, #tpu.memory_space<vmem>>, %arg5: memref<1x32xf32, #tpu.memory_space<vmem>>, %arg6: memref<32x32xf32, #tpu.memory_space<vmem>>, %arg7: memref<1x32xf32, #tpu.memory_space<vmem>>, %arg8: memref<32x32xf32, #tpu.memory_space<vmem>>, %arg9: memref<1x32xf32, #tpu.memory_space<vmem>>, %arg10: memref<2000x32xf32, #tpu.memory_space<vmem>>, %arg11: memref<2000x32xf32, #tpu.memory_space<vmem>>, %arg12: memref<2000x32xf32, #tpu.memory_space<vmem>>) attributes {dimension_semantics = [#tpu.dimension_semantics<arbitrary>], iteration_bounds = array<i64: 25>, scalar_prefetch = 0 : i64, scratch_operands = 0 : i64, tpu.core_type = #tpu.core_type<tc>, window_params = [{transform_indices = @transform_0, window_bounds = array<i64: 2000, 128>}, {pipeline_mode = #tpu.pipeline_mode<synchronous>, transform_indices = @transform_1, window_bounds = array<i64: 128, 32>}, {pipeline_mode = #tpu.pipeline_mode<synchronous>, transform_indices = @transform_2, window_bounds = array<i64: 1, 32>}, {pipeline_mode = #tpu.pipeline_mode<synchronous>, transform_indices = @transform_3, window_bounds = array<i64: 1, 32>}, {pipeline_mode = #tpu.pipeline_mode<synchronous>, transform_indices = @transform_4, window_bounds = array<i64: 1, 32>}, {pipeline_mode = #tpu.pipeline_mode<synchronous>, transform_indices = @transform_5, window_bounds = array<i64: 32, 32>}, {pipeline_mode = #tpu.pipeline_mode<synchronous>, transform_indices = @transform_6, window_bounds = array<i64: 1, 32>}, {pipeline_mode = #tpu.pipeline_mode<synchronous>, transform_indices = @transform_7, window_bounds = array<i64: 32, 32>}, {pipeline_mode = #tpu.pipeline_mode<synchronous>, transform_indices = @transform_8, window_bounds = array<i64: 1, 32>}, {transform_indices = @transform_9, window_bounds = array<i64: 2000, 32>}, {transform_indices = @transform_10, window_bounds = array<i64: 2000, 32>}, {transform_indices = @transform_11, window_bounds = array<i64: 2000, 32>}]} {
    %get3A = arith.constant 0 : index
    %get3A_0 = arith.constant 0 : index
    %get3A_1 = vector.load %arg1[%get3A, %get3A_0] : memref<2000x128xf32, #tpu.memory_space<vmem>>, vector<2000x128xf32>
    %get3A_2 = arith.constant 0 : index
    %get3A_3 = arith.constant 0 : index
    %get3A_4 = vector.load %arg2[%get3A_2, %get3A_3] : memref<128x32xf32, #tpu.memory_space<vmem>>, vector<128x32xf32>
    %dot_general3A = arith.constant dense<0.000000e+00> : vector<2000x32xf32>
    %dot_general3A_5 = tpu.matmul %get3A_1, %get3A_4, %dot_general3A {dimension_numbers = #tpu.dot_dimension_numbers<[1], [0], [0], [1], [0, 0, 1, 1], [], []>, transpose_lhs_hint = false} : vector<2000x128xf32>, vector<128x32xf32>, vector<2000x32xf32> -> vector<2000x32xf32>
    %get3A_6 = arith.constant 0 : index
    %get3A_7 = arith.constant 0 : index
    %get3A_8 = vector.load %arg3[%get3A_6, %get3A_7] : memref<1x32xf32, #tpu.memory_space<vmem>>, vector<1x32xf32>
    %add3A = vector.broadcast %get3A_8 : vector<1x32xf32> to vector<2000x32xf32>
    %add3A_9 = arith.addf %dot_general3A_5, %add3A : vector<2000x32xf32>
    %get3A_10 = arith.constant 0 : index
    %get3A_11 = arith.constant 0 : index
    %get3A_12 = vector.load %arg4[%get3A_10, %get3A_11] : memref<1x32xf32, #tpu.memory_space<vmem>>, vector<1x32xf32>
    %get3A_13 = arith.constant 0 : index
    %get3A_14 = arith.constant 0 : index
    %get3A_15 = vector.load %arg5[%get3A_13, %get3A_14] : memref<1x32xf32, #tpu.memory_space<vmem>>, vector<1x32xf32>
    %reduce_sum3A = arith.constant dense<0.000000e+00> : vector<2000xf32>
    %reduce_sum3A_16 = vector.multi_reduction <add>, %add3A_9, %reduce_sum3A [1] : vector<2000x32xf32> to vector<2000xf32>
    %broadcast_in_dim3A = vector.shape_cast %reduce_sum3A_16 : vector<2000xf32> to vector<2000x1xf32>
    %div3A = arith.constant 3.200000e+01 : f32
    %div3A_17 = vector.broadcast %div3A : f32 to vector<2000x1xf32>
    %div3A_18 = arith.divf %broadcast_in_dim3A, %div3A_17 : vector<2000x1xf32>
    %sub3A = vector.broadcast %div3A_18 : vector<2000x1xf32> to vector<2000x32xf32>
    %sub3A_19 = arith.subf %add3A_9, %sub3A : vector<2000x32xf32>
    %mul3A = arith.mulf %sub3A_19, %sub3A_19 : vector<2000x32xf32>
    %reduce_sum3A_20 = arith.constant dense<0.000000e+00> : vector<2000xf32>
    %reduce_sum3A_21 = vector.multi_reduction <add>, %mul3A, %reduce_sum3A_20 [1] : vector<2000x32xf32> to vector<2000xf32>
    %broadcast_in_dim3A_22 = vector.shape_cast %reduce_sum3A_21 : vector<2000xf32> to vector<2000x1xf32>
    %div3A_23 = arith.constant 3.200000e+01 : f32
    %div3A_24 = vector.broadcast %div3A_23 : f32 to vector<2000x1xf32>
    %div3A_25 = arith.divf %broadcast_in_dim3A_22, %div3A_24 : vector<2000x1xf32>
    %add3A_26 = arith.constant 9.99999997E-7 : f32
    %add3A_27 = vector.broadcast %add3A_26 : f32 to vector<2000x1xf32>
    %add3A_28 = arith.addf %div3A_25, %add3A_27 : vector<2000x1xf32>
    %rsqrt3A = math.rsqrt %add3A_28 : vector<2000x1xf32>
    %mul3A_29 = vector.broadcast %rsqrt3A : vector<2000x1xf32> to vector<2000x32xf32>
    %mul3A_30 = arith.mulf %sub3A_19, %mul3A_29 : vector<2000x32xf32>
    %mul3A_31 = vector.broadcast %get3A_12 : vector<1x32xf32> to vector<2000x32xf32>
    %mul3A_32 = arith.mulf %mul3A_30, %mul3A_31 : vector<2000x32xf32>
    %add3A_33 = vector.broadcast %get3A_15 : vector<1x32xf32> to vector<2000x32xf32>
    %add3A_34 = arith.addf %mul3A_32, %add3A_33 : vector<2000x32xf32>
    %swap3A = arith.constant 0 : index
    %swap3A_35 = arith.constant 0 : index
    %swap3A_36 = vector.load %arg10[%swap3A, %swap3A_35] : memref<2000x32xf32, #tpu.memory_space<vmem>>, vector<2000x32xf32>
    tpu.vector_store %arg10[%swap3A, %swap3A_35], %add3A_9 {strides = array<i32>} : memref<2000x32xf32, #tpu.memory_space<vmem>>, vector<2000x32xf32>,
    %get3A_37 = arith.constant 0 : index
    %get3A_38 = arith.constant 0 : index
    %get3A_39 = vector.load %arg6[%get3A_37, %get3A_38] : memref<32x32xf32, #tpu.memory_space<vmem>>, vector<32x32xf32>
    %dot_general3A_40 = arith.constant dense<0.000000e+00> : vector<2000x32xf32>
    %dot_general3A_41 = tpu.matmul %add3A_34, %get3A_39, %dot_general3A_40 {dimension_numbers = #tpu.dot_dimension_numbers<[1], [0], [0], [1], [0, 0, 1, 1], [], []>, transpose_lhs_hint = false} : vector<2000x32xf32>, vector<32x32xf32>, vector<2000x32xf32> -> vector<2000x32xf32>
    %get3A_42 = arith.constant 0 : index
    %get3A_43 = arith.constant 0 : index
    %get3A_44 = vector.load %arg7[%get3A_42, %get3A_43] : memref<1x32xf32, #tpu.memory_space<vmem>>, vector<1x32xf32>
    %add3A_45 = vector.broadcast %get3A_44 : vector<1x32xf32> to vector<2000x32xf32>
    %add3A_46 = arith.addf %dot_general3A_41, %add3A_45 : vector<2000x32xf32>
    %swap3A_47 = arith.constant 0 : index
    %swap3A_48 = arith.constant 0 : index
    %swap3A_49 = vector.load %arg11[%swap3A_47, %swap3A_48] : memref<2000x32xf32, #tpu.memory_space<vmem>>, vector<2000x32xf32>
    tpu.vector_store %arg11[%swap3A_47, %swap3A_48], %add3A_46 {strides = array<i32>} : memref<2000x32xf32, #tpu.memory_space<vmem>>, vector<2000x32xf32>,
    %get3A_50 = arith.constant 0 : index
    %get3A_51 = arith.constant 0 : index
    %get3A_52 = vector.load %arg8[%get3A_50, %get3A_51] : memref<32x32xf32, #tpu.memory_space<vmem>>, vector<32x32xf32>
    %dot_general3A_53 = arith.constant dense<0.000000e+00> : vector<2000x32xf32>
    %dot_general3A_54 = tpu.matmul %add3A_34, %get3A_52, %dot_general3A_53 {dimension_numbers = #tpu.dot_dimension_numbers<[1], [0], [0], [1], [0, 0, 1, 1], [], []>, transpose_lhs_hint = false} : vector<2000x32xf32>, vector<32x32xf32>, vector<2000x32xf32> -> vector<2000x32xf32>
    %get3A_55 = arith.constant 0 : index
    %get3A_56 = arith.constant 0 : index
    %get3A_57 = vector.load %arg9[%get3A_55, %get3A_56] : memref<1x32xf32, #tpu.memory_space<vmem>>, vector<1x32xf32>
    %add3A_58 = vector.broadcast %get3A_57 : vector<1x32xf32> to vector<2000x32xf32>
    %add3A_59 = arith.addf %dot_general3A_54, %add3A_58 : vector<2000x32xf32>
    %swap3A_60 = arith.constant 0 : index
    %swap3A_61 = arith.constant 0 : index
    %swap3A_62 = vector.load %arg12[%swap3A_60, %swap3A_61] : memref<2000x32xf32, #tpu.memory_space<vmem>>, vector<2000x32xf32>
    tpu.vector_store %arg12[%swap3A_60, %swap3A_61], %add3A_59 {strides = array<i32>} : memref<2000x32xf32, #tpu.memory_space<vmem>>, vector<2000x32xf32>,
    return
  }
  func.func @transform_0(%arg0: i32) -> (i32, i32) {
    %c0_i32 = arith.constant 0 : i32
    %c0_i32_0 = arith.constant 0 : i32
    return %arg0, %c0_i32 : i32, i32
  }
  func.func @transform_1(%arg0: i32) -> (i32, i32) {
    %c0_i32 = arith.constant 0 : i32
    %c0_i32_0 = arith.constant 0 : i32
    %c0_i32_1 = arith.constant 0 : i32
    return %c0_i32, %c0_i32_0 : i32, i32
  }
  func.func @transform_2(%arg0: i32) -> (i32, i32) {
    %c0_i32 = arith.constant 0 : i32
    %c0_i32_0 = arith.constant 0 : i32
    %c0_i32_1 = arith.constant 0 : i32
    return %c0_i32, %c0_i32_0 : i32, i32
  }
  func.func @transform_3(%arg0: i32) -> (i32, i32) {
    %c0_i32 = arith.constant 0 : i32
    %c0_i32_0 = arith.constant 0 : i32
    %c0_i32_1 = arith.constant 0 : i32
    return %c0_i32, %c0_i32_0 : i32, i32
  }
  func.func @transform_4(%arg0: i32) -> (i32, i32) {
    %c0_i32 = arith.constant 0 : i32
    %c0_i32_0 = arith.constant 0 : i32
    %c0_i32_1 = arith.constant 0 : i32
    return %c0_i32, %c0_i32_0 : i32, i32
  }
  func.func @transform_5(%arg0: i32) -> (i32, i32) {
    %c0_i32 = arith.constant 0 : i32
    %c0_i32_0 = arith.constant 0 : i32
    %c0_i32_1 = arith.constant 0 : i32
    return %c0_i32, %c0_i32_0 : i32, i32
  }
  func.func @transform_6(%arg0: i32) -> (i32, i32) {
    %c0_i32 = arith.constant 0 : i32
    %c0_i32_0 = arith.constant 0 : i32
    %c0_i32_1 = arith.constant 0 : i32
    return %c0_i32, %c0_i32_0 : i32, i32
  }
  func.func @transform_7(%arg0: i32) -> (i32, i32) {
    %c0_i32 = arith.constant 0 : i32
    %c0_i32_0 = arith.constant 0 : i32
    %c0_i32_1 = arith.constant 0 : i32
    return %c0_i32, %c0_i32_0 : i32, i32
  }
  func.func @transform_8(%arg0: i32) -> (i32, i32) {
    %c0_i32 = arith.constant 0 : i32
    %c0_i32_0 = arith.constant 0 : i32
    %c0_i32_1 = arith.constant 0 : i32
    return %c0_i32, %c0_i32_0 : i32, i32
  }
  func.func @transform_9(%arg0: i32) -> (i32, i32) {
    %c0_i32 = arith.constant 0 : i32
    %c0_i32_0 = arith.constant 0 : i32
    return %arg0, %c0_i32 : i32, i32
  }
  func.func @transform_10(%arg0: i32) -> (i32, i32) {
    %c0_i32 = arith.constant 0 : i32
    %c0_i32_0 = arith.constant 0 : i32
    return %arg0, %c0_i32 : i32, i32
  }
  func.func @transform_11(%arg0: i32) -> (i32, i32) {
    %c0_i32 = arith.constant 0 : i32
    %c0_i32_0 = arith.constant 0 : i32
    return %arg0, %c0_i32 : i32, i32
  }
}

module attributes {stable_mosaic.version = 14 : i64} {
  func.func @_conv1_body(%arg0: i32, %arg1: memref<2000x32xf32, #tpu.memory_space<vmem>>, %arg2: memref<2000x32xf32, #tpu.memory_space<vmem>>, %arg3: memref<2000x512xf32, #tpu.memory_space<vmem>>, %arg4: memref<2000x256xf32, #tpu.memory_space<vmem>>, %arg5: memref<256x512xf32, #tpu.memory_space<vmem>>, %arg6: memref<1x512xf32, #tpu.memory_space<vmem>>, %arg7: memref<512x512xf32, #tpu.memory_space<vmem>>, %arg8: memref<1x512xf32, #tpu.memory_space<vmem>>, %arg9: memref<512x512xf32, #tpu.memory_space<vmem>>, %arg10: memref<1x512xf32, #tpu.memory_space<vmem>>, %arg11: memref<32x512xf32, #tpu.memory_space<vmem>>, %arg12: memref<512x32xf32, #tpu.memory_space<vmem>>, %arg13: memref<1x32xf32, #tpu.memory_space<vmem>>, %arg14: memref<1x32xf32, #tpu.memory_space<vmem>>, %arg15: memref<32x32xf32, #tpu.memory_space<vmem>>, %arg16: memref<1x32xf32, #tpu.memory_space<vmem>>, %arg17: memref<32x32xf32, #tpu.memory_space<vmem>>, %arg18: memref<1x32xf32, #tpu.memory_space<vmem>>, %arg19: memref<2000x32xf32, #tpu.memory_space<vmem>>, %arg20: memref<2000x32xf32, #tpu.memory_space<vmem>>, %arg21: memref<2000x32xf32, #tpu.memory_space<vmem>>) attributes {dimension_semantics = [#tpu.dimension_semantics<arbitrary>], iteration_bounds = array<i64: 25>, scalar_prefetch = 0 : i64, scratch_operands = 0 : i64, tpu.core_type = #tpu.core_type<tc>, window_params = [{transform_indices = @transform_0, window_bounds = array<i64: 2000, 32>}, {transform_indices = @transform_1, window_bounds = array<i64: 2000, 32>}, {transform_indices = @transform_2, window_bounds = array<i64: 2000, 512>}, {transform_indices = @transform_3, window_bounds = array<i64: 2000, 256>}, {pipeline_mode = #tpu.pipeline_mode<synchronous>, transform_indices = @transform_4, window_bounds = array<i64: 256, 512>}, {pipeline_mode = #tpu.pipeline_mode<synchronous>, transform_indices = @transform_5, window_bounds = array<i64: 1, 512>}, {pipeline_mode = #tpu.pipeline_mode<synchronous>, transform_indices = @transform_6, window_bounds = array<i64: 512, 512>}, {pipeline_mode = #tpu.pipeline_mode<synchronous>, transform_indices = @transform_7, window_bounds = array<i64: 1, 512>}, {pipeline_mode = #tpu.pipeline_mode<synchronous>, transform_indices = @transform_8, window_bounds = array<i64: 512, 512>}, {pipeline_mode = #tpu.pipeline_mode<synchronous>, transform_indices = @transform_9, window_bounds = array<i64: 1, 512>}, {pipeline_mode = #tpu.pipeline_mode<synchronous>, transform_indices = @transform_10, window_bounds = array<i64: 32, 512>}, {pipeline_mode = #tpu.pipeline_mode<synchronous>, transform_indices = @transform_11, window_bounds = array<i64: 512, 32>}, {pipeline_mode = #tpu.pipeline_mode<synchronous>, transform_indices = @transform_12, window_bounds = array<i64: 1, 32>}, {pipeline_mode = #tpu.pipeline_mode<synchronous>, transform_indices = @transform_13, window_bounds = array<i64: 1, 32>}, {pipeline_mode = #tpu.pipeline_mode<synchronous>, transform_indices = @transform_14, window_bounds = array<i64: 32, 32>}, {pipeline_mode = #tpu.pipeline_mode<synchronous>, transform_indices = @transform_15, window_bounds = array<i64: 1, 32>}, {pipeline_mode = #tpu.pipeline_mode<synchronous>, transform_indices = @transform_16, window_bounds = array<i64: 32, 32>}, {pipeline_mode = #tpu.pipeline_mode<synchronous>, transform_indices = @transform_17, window_bounds = array<i64: 1, 32>}, {transform_indices = @transform_18, window_bounds = array<i64: 2000, 32>}, {transform_indices = @transform_19, window_bounds = array<i64: 2000, 32>}, {transform_indices = @transform_20, window_bounds = array<i64: 2000, 32>}]} {
    %get3A = arith.constant 0 : index
    %get3A_0 = arith.constant 0 : index
    %get3A_1 = vector.load %arg1[%get3A, %get3A_0] : memref<2000x32xf32, #tpu.memory_space<vmem>>, vector<2000x32xf32>
    %get3A_2 = arith.constant 0 : index
    %get3A_3 = arith.constant 0 : index
    %get3A_4 = vector.load %arg2[%get3A_2, %get3A_3] : memref<2000x32xf32, #tpu.memory_space<vmem>>, vector<2000x32xf32>
    %get3A_5 = arith.constant 0 : index
    %get3A_6 = arith.constant 0 : index
    %get3A_7 = vector.load %arg5[%get3A_5, %get3A_6] : memref<256x512xf32, #tpu.memory_space<vmem>>, vector<256x512xf32>
    %get3A_8 = arith.constant 0 : index
    %get3A_9 = arith.constant 0 : index
    %get3A_10 = vector.load %arg6[%get3A_8, %get3A_9] : memref<1x512xf32, #tpu.memory_space<vmem>>, vector<1x512xf32>
    %get3A_11 = arith.constant 0 : index
    %get3A_12 = arith.constant 0 : index
    %get3A_13 = vector.load %arg7[%get3A_11, %get3A_12] : memref<512x512xf32, #tpu.memory_space<vmem>>, vector<512x512xf32>
    %get3A_14 = arith.constant 0 : index
    %get3A_15 = arith.constant 0 : index
    %get3A_16 = vector.load %arg8[%get3A_14, %get3A_15] : memref<1x512xf32, #tpu.memory_space<vmem>>, vector<1x512xf32>
    %get3A_17 = arith.constant 0 : index
    %get3A_18 = arith.constant 0 : index
    %get3A_19 = vector.load %arg9[%get3A_17, %get3A_18] : memref<512x512xf32, #tpu.memory_space<vmem>>, vector<512x512xf32>
    %get3A_20 = arith.constant 0 : index
    %get3A_21 = arith.constant 0 : index
    %get3A_22 = vector.load %arg10[%get3A_20, %get3A_21] : memref<1x512xf32, #tpu.memory_space<vmem>>, vector<1x512xf32>
    %get3A_23 = arith.constant 0 : index
    %get3A_24 = arith.constant 0 : index
    %get3A_25 = vector.load %arg11[%get3A_23, %get3A_24] : memref<32x512xf32, #tpu.memory_space<vmem>>, vector<32x512xf32>
    %get3A_26 = arith.constant 0 : index
    %get3A_27 = arith.constant 0 : index
    %get3A_28 = vector.load %arg12[%get3A_26, %get3A_27] : memref<512x32xf32, #tpu.memory_space<vmem>>, vector<512x32xf32>
    %get3A_29 = arith.constant 0 : index
    %get3A_30 = arith.constant 0 : index
    %get3A_31 = vector.load %arg4[%get3A_29, %get3A_30] : memref<2000x256xf32, #tpu.memory_space<vmem>>, vector<2000x256xf32>
    %dot_general3A = arith.constant dense<0.000000e+00> : vector<2000x512xf32>
    %dot_general3A_32 = tpu.matmul %get3A_31, %get3A_7, %dot_general3A {dimension_numbers = #tpu.dot_dimension_numbers<[1], [0], [0], [1], [0, 0, 1, 1], [], []>, transpose_lhs_hint = false} : vector<2000x256xf32>, vector<256x512xf32>, vector<2000x512xf32> -> vector<2000x512xf32>
    %add3A = vector.broadcast %get3A_10 : vector<1x512xf32> to vector<2000x512xf32>
    %add3A_33 = arith.addf %dot_general3A_32, %add3A : vector<2000x512xf32>
    %dot_general3A_34 = arith.constant dense<0.000000e+00> : vector<2000x512xf32>
    %dot_general3A_35 = tpu.matmul %get3A_4, %get3A_25, %dot_general3A_34 {dimension_numbers = #tpu.dot_dimension_numbers<[1], [0], [0], [1], [0, 0, 1, 1], [], []>, transpose_lhs_hint = false} : vector<2000x32xf32>, vector<32x512xf32>, vector<2000x512xf32> -> vector<2000x512xf32>
    %get3A_36 = arith.constant 0 : index
    %get3A_37 = arith.constant 0 : index
    %get3A_38 = vector.load %arg3[%get3A_36, %get3A_37] : memref<2000x512xf32, #tpu.memory_space<vmem>>, vector<2000x512xf32>
    %mul3A = arith.mulf %dot_general3A_35, %get3A_38 : vector<2000x512xf32>
    %mul3A_39 = arith.mulf %mul3A, %add3A_33 : vector<2000x512xf32>
    %dot_general3A_40 = arith.constant dense<0.000000e+00> : vector<2000x512xf32>
    %dot_general3A_41 = tpu.matmul %mul3A_39, %get3A_13, %dot_general3A_40 {dimension_numbers = #tpu.dot_dimension_numbers<[1], [0], [0], [1], [0, 0, 1, 1], [], []>, transpose_lhs_hint = false} : vector<2000x512xf32>, vector<512x512xf32>, vector<2000x512xf32> -> vector<2000x512xf32>
    %add3A_42 = vector.broadcast %get3A_16 : vector<1x512xf32> to vector<2000x512xf32>
    %add3A_43 = arith.addf %dot_general3A_41, %add3A_42 : vector<2000x512xf32>
    %neg3A = arith.constant 0.000000e+00 : f32
    %neg3A_44 = vector.broadcast %neg3A : f32 to vector<2000x512xf32>
    %neg3A_45 = arith.subf %neg3A_44, %add3A_43 : vector<2000x512xf32>
    %exp3A = math.exp %neg3A_45 : vector<2000x512xf32>
    %add3A_46 = arith.constant 1.000000e+00 : f32
    %add3A_47 = vector.broadcast %add3A_46 : f32 to vector<2000x512xf32>
    %add3A_48 = arith.addf %add3A_47, %exp3A : vector<2000x512xf32>
    %div3A = arith.constant 1.000000e+00 : f32
    %div3A_49 = vector.broadcast %div3A : f32 to vector<2000x512xf32>
    %div3A_50 = arith.divf %div3A_49, %add3A_48 : vector<2000x512xf32>
    %dot_general3A_51 = arith.constant dense<0.000000e+00> : vector<2000x512xf32>
    %dot_general3A_52 = tpu.matmul %mul3A_39, %get3A_19, %dot_general3A_51 {dimension_numbers = #tpu.dot_dimension_numbers<[1], [0], [0], [1], [0, 0, 1, 1], [], []>, transpose_lhs_hint = false} : vector<2000x512xf32>, vector<512x512xf32>, vector<2000x512xf32> -> vector<2000x512xf32>
    %add3A_53 = vector.broadcast %get3A_22 : vector<1x512xf32> to vector<2000x512xf32>
    %add3A_54 = arith.addf %dot_general3A_52, %add3A_53 : vector<2000x512xf32>
    %max3A = arith.constant 0.000000e+00 : f32
    %max3A_55 = vector.broadcast %max3A : f32 to vector<2000x512xf32>
    %max3A_56 = arith.maximumf %add3A_54, %max3A_55 : vector<2000x512xf32>
    %abs3A = math.absf %add3A_54 : vector<2000x512xf32>
    %neg3A_57 = arith.constant 0.000000e+00 : f32
    %neg3A_58 = vector.broadcast %neg3A_57 : f32 to vector<2000x512xf32>
    %neg3A_59 = arith.subf %neg3A_58, %abs3A : vector<2000x512xf32>
    %exp3A_60 = math.exp %neg3A_59 : vector<2000x512xf32>
    %add3A_61 = arith.constant 1.000000e+00 : f32
    %add3A_62 = vector.broadcast %add3A_61 : f32 to vector<2000x512xf32>
    %add3A_63 = arith.addf %add3A_62, %exp3A_60 : vector<2000x512xf32>
    %log3A = math.log %add3A_63 : vector<2000x512xf32>
    %add3A_64 = arith.addf %max3A_56, %log3A : vector<2000x512xf32>
    %mul3A_65 = arith.mulf %div3A_50, %add3A_64 : vector<2000x512xf32>
    %dot_general3A_66 = arith.constant dense<0.000000e+00> : vector<2000x32xf32>
    %dot_general3A_67 = tpu.matmul %mul3A_65, %get3A_28, %dot_general3A_66 {dimension_numbers = #tpu.dot_dimension_numbers<[1], [0], [0], [1], [0, 0, 1, 1], [], []>, transpose_lhs_hint = false} : vector<2000x512xf32>, vector<512x32xf32>, vector<2000x32xf32> -> vector<2000x32xf32>
    %add3A_68 = arith.addf %get3A_1, %dot_general3A_67 : vector<2000x32xf32>
    %get3A_69 = arith.constant 0 : index
    %get3A_70 = arith.constant 0 : index
    %get3A_71 = vector.load %arg13[%get3A_69, %get3A_70] : memref<1x32xf32, #tpu.memory_space<vmem>>, vector<1x32xf32>
    %get3A_72 = arith.constant 0 : index
    %get3A_73 = arith.constant 0 : index
    %get3A_74 = vector.load %arg14[%get3A_72, %get3A_73] : memref<1x32xf32, #tpu.memory_space<vmem>>, vector<1x32xf32>
    %reduce_sum3A = arith.constant dense<0.000000e+00> : vector<2000xf32>
    %reduce_sum3A_75 = vector.multi_reduction <add>, %add3A_68, %reduce_sum3A [1] : vector<2000x32xf32> to vector<2000xf32>
    %broadcast_in_dim3A = vector.shape_cast %reduce_sum3A_75 : vector<2000xf32> to vector<2000x1xf32>
    %div3A_76 = arith.constant 3.200000e+01 : f32
    %div3A_77 = vector.broadcast %div3A_76 : f32 to vector<2000x1xf32>
    %div3A_78 = arith.divf %broadcast_in_dim3A, %div3A_77 : vector<2000x1xf32>
    %sub3A = vector.broadcast %div3A_78 : vector<2000x1xf32> to vector<2000x32xf32>
    %sub3A_79 = arith.subf %add3A_68, %sub3A : vector<2000x32xf32>
    %mul3A_80 = arith.mulf %sub3A_79, %sub3A_79 : vector<2000x32xf32>
    %reduce_sum3A_81 = arith.constant dense<0.000000e+00> : vector<2000xf32>
    %reduce_sum3A_82 = vector.multi_reduction <add>, %mul3A_80, %reduce_sum3A_81 [1] : vector<2000x32xf32> to vector<2000xf32>
    %broadcast_in_dim3A_83 = vector.shape_cast %reduce_sum3A_82 : vector<2000xf32> to vector<2000x1xf32>
    %div3A_84 = arith.constant 3.200000e+01 : f32
    %div3A_85 = vector.broadcast %div3A_84 : f32 to vector<2000x1xf32>
    %div3A_86 = arith.divf %broadcast_in_dim3A_83, %div3A_85 : vector<2000x1xf32>
    %add3A_87 = arith.constant 9.99999997E-7 : f32
    %add3A_88 = vector.broadcast %add3A_87 : f32 to vector<2000x1xf32>
    %add3A_89 = arith.addf %div3A_86, %add3A_88 : vector<2000x1xf32>
    %rsqrt3A = math.rsqrt %add3A_89 : vector<2000x1xf32>
    %mul3A_90 = vector.broadcast %rsqrt3A : vector<2000x1xf32> to vector<2000x32xf32>
    %mul3A_91 = arith.mulf %sub3A_79, %mul3A_90 : vector<2000x32xf32>
    %mul3A_92 = vector.broadcast %get3A_71 : vector<1x32xf32> to vector<2000x32xf32>
    %mul3A_93 = arith.mulf %mul3A_91, %mul3A_92 : vector<2000x32xf32>
    %add3A_94 = vector.broadcast %get3A_74 : vector<1x32xf32> to vector<2000x32xf32>
    %add3A_95 = arith.addf %mul3A_93, %add3A_94 : vector<2000x32xf32>
    %swap3A = arith.constant 0 : index
    %swap3A_96 = arith.constant 0 : index
    %swap3A_97 = vector.load %arg19[%swap3A, %swap3A_96] : memref<2000x32xf32, #tpu.memory_space<vmem>>, vector<2000x32xf32>
    tpu.vector_store %arg19[%swap3A, %swap3A_96], %add3A_68 {strides = array<i32>} : memref<2000x32xf32, #tpu.memory_space<vmem>>, vector<2000x32xf32>,
    %get3A_98 = arith.constant 0 : index
    %get3A_99 = arith.constant 0 : index
    %get3A_100 = vector.load %arg15[%get3A_98, %get3A_99] : memref<32x32xf32, #tpu.memory_space<vmem>>, vector<32x32xf32>
    %dot_general3A_101 = arith.constant dense<0.000000e+00> : vector<2000x32xf32>
    %dot_general3A_102 = tpu.matmul %add3A_95, %get3A_100, %dot_general3A_101 {dimension_numbers = #tpu.dot_dimension_numbers<[1], [0], [0], [1], [0, 0, 1, 1], [], []>, transpose_lhs_hint = false} : vector<2000x32xf32>, vector<32x32xf32>, vector<2000x32xf32> -> vector<2000x32xf32>
    %get3A_103 = arith.constant 0 : index
    %get3A_104 = arith.constant 0 : index
    %get3A_105 = vector.load %arg16[%get3A_103, %get3A_104] : memref<1x32xf32, #tpu.memory_space<vmem>>, vector<1x32xf32>
    %add3A_106 = vector.broadcast %get3A_105 : vector<1x32xf32> to vector<2000x32xf32>
    %add3A_107 = arith.addf %dot_general3A_102, %add3A_106 : vector<2000x32xf32>
    %swap3A_108 = arith.constant 0 : index
    %swap3A_109 = arith.constant 0 : index
    %swap3A_110 = vector.load %arg20[%swap3A_108, %swap3A_109] : memref<2000x32xf32, #tpu.memory_space<vmem>>, vector<2000x32xf32>
    tpu.vector_store %arg20[%swap3A_108, %swap3A_109], %add3A_107 {strides = array<i32>} : memref<2000x32xf32, #tpu.memory_space<vmem>>, vector<2000x32xf32>,
    %get3A_111 = arith.constant 0 : index
    %get3A_112 = arith.constant 0 : index
    %get3A_113 = vector.load %arg17[%get3A_111, %get3A_112] : memref<32x32xf32, #tpu.memory_space<vmem>>, vector<32x32xf32>
    %dot_general3A_114 = arith.constant dense<0.000000e+00> : vector<2000x32xf32>
    %dot_general3A_115 = tpu.matmul %add3A_95, %get3A_113, %dot_general3A_114 {dimension_numbers = #tpu.dot_dimension_numbers<[1], [0], [0], [1], [0, 0, 1, 1], [], []>, transpose_lhs_hint = false} : vector<2000x32xf32>, vector<32x32xf32>, vector<2000x32xf32> -> vector<2000x32xf32>
    %get3A_116 = arith.constant 0 : index
    %get3A_117 = arith.constant 0 : index
    %get3A_118 = vector.load %arg18[%get3A_116, %get3A_117] : memref<1x32xf32, #tpu.memory_space<vmem>>, vector<1x32xf32>
    %add3A_119 = vector.broadcast %get3A_118 : vector<1x32xf32> to vector<2000x32xf32>
    %add3A_120 = arith.addf %dot_general3A_115, %add3A_119 : vector<2000x32xf32>
    %swap3A_121 = arith.constant 0 : index
    %swap3A_122 = arith.constant 0 : index
    %swap3A_123 = vector.load %arg21[%swap3A_121, %swap3A_122] : memref<2000x32xf32, #tpu.memory_space<vmem>>, vector<2000x32xf32>
    tpu.vector_store %arg21[%swap3A_121, %swap3A_122], %add3A_120 {strides = array<i32>} : memref<2000x32xf32, #tpu.memory_space<vmem>>, vector<2000x32xf32>,
    return
  }
  func.func @transform_0(%arg0: i32) -> (i32, i32) {
    %c0_i32 = arith.constant 0 : i32
    %c0_i32_0 = arith.constant 0 : i32
    return %arg0, %c0_i32 : i32, i32
  }
  func.func @transform_1(%arg0: i32) -> (i32, i32) {
    %c0_i32 = arith.constant 0 : i32
    %c0_i32_0 = arith.constant 0 : i32
    return %arg0, %c0_i32 : i32, i32
  }
  func.func @transform_2(%arg0: i32) -> (i32, i32) {
    %c0_i32 = arith.constant 0 : i32
    %c0_i32_0 = arith.constant 0 : i32
    return %arg0, %c0_i32 : i32, i32
  }
  func.func @transform_3(%arg0: i32) -> (i32, i32) {
    %c0_i32 = arith.constant 0 : i32
    %c0_i32_0 = arith.constant 0 : i32
    return %arg0, %c0_i32 : i32, i32
  }
  func.func @transform_4(%arg0: i32) -> (i32, i32) {
    %c0_i32 = arith.constant 0 : i32
    %c0_i32_0 = arith.constant 0 : i32
    %c0_i32_1 = arith.constant 0 : i32
    return %c0_i32, %c0_i32_0 : i32, i32
  }
  func.func @transform_5(%arg0: i32) -> (i32, i32) {
    %c0_i32 = arith.constant 0 : i32
    %c0_i32_0 = arith.constant 0 : i32
    %c0_i32_1 = arith.constant 0 : i32
    return %c0_i32, %c0_i32_0 : i32, i32
  }
  func.func @transform_6(%arg0: i32) -> (i32, i32) {
    %c0_i32 = arith.constant 0 : i32
    %c0_i32_0 = arith.constant 0 : i32
    %c0_i32_1 = arith.constant 0 : i32
    return %c0_i32, %c0_i32_0 : i32, i32
  }
  func.func @transform_7(%arg0: i32) -> (i32, i32) {
    %c0_i32 = arith.constant 0 : i32
    %c0_i32_0 = arith.constant 0 : i32
    %c0_i32_1 = arith.constant 0 : i32
    return %c0_i32, %c0_i32_0 : i32, i32
  }
  func.func @transform_8(%arg0: i32) -> (i32, i32) {
    %c0_i32 = arith.constant 0 : i32
    %c0_i32_0 = arith.constant 0 : i32
    %c0_i32_1 = arith.constant 0 : i32
    return %c0_i32, %c0_i32_0 : i32, i32
  }
  func.func @transform_9(%arg0: i32) -> (i32, i32) {
    %c0_i32 = arith.constant 0 : i32
    %c0_i32_0 = arith.constant 0 : i32
    %c0_i32_1 = arith.constant 0 : i32
    return %c0_i32, %c0_i32_0 : i32, i32
  }
  func.func @transform_10(%arg0: i32) -> (i32, i32) {
    %c0_i32 = arith.constant 0 : i32
    %c0_i32_0 = arith.constant 0 : i32
    %c0_i32_1 = arith.constant 0 : i32
    return %c0_i32, %c0_i32_0 : i32, i32
  }
  func.func @transform_11(%arg0: i32) -> (i32, i32) {
    %c0_i32 = arith.constant 0 : i32
    %c0_i32_0 = arith.constant 0 : i32
    %c0_i32_1 = arith.constant 0 : i32
    return %c0_i32, %c0_i32_0 : i32, i32
  }
  func.func @transform_12(%arg0: i32) -> (i32, i32) {
    %c0_i32 = arith.constant 0 : i32
    %c0_i32_0 = arith.constant 0 : i32
    %c0_i32_1 = arith.constant 0 : i32
    return %c0_i32, %c0_i32_0 : i32, i32
  }
  func.func @transform_13(%arg0: i32) -> (i32, i32) {
    %c0_i32 = arith.constant 0 : i32
    %c0_i32_0 = arith.constant 0 : i32
    %c0_i32_1 = arith.constant 0 : i32
    return %c0_i32, %c0_i32_0 : i32, i32
  }
  func.func @transform_14(%arg0: i32) -> (i32, i32) {
    %c0_i32 = arith.constant 0 : i32
    %c0_i32_0 = arith.constant 0 : i32
    %c0_i32_1 = arith.constant 0 : i32
    return %c0_i32, %c0_i32_0 : i32, i32
  }
  func.func @transform_15(%arg0: i32) -> (i32, i32) {
    %c0_i32 = arith.constant 0 : i32
    %c0_i32_0 = arith.constant 0 : i32
    %c0_i32_1 = arith.constant 0 : i32
    return %c0_i32, %c0_i32_0 : i32, i32
  }
  func.func @transform_16(%arg0: i32) -> (i32, i32) {
    %c0_i32 = arith.constant 0 : i32
    %c0_i32_0 = arith.constant 0 : i32
    %c0_i32_1 = arith.constant 0 : i32
    return %c0_i32, %c0_i32_0 : i32, i32
  }
  func.func @transform_17(%arg0: i32) -> (i32, i32) {
    %c0_i32 = arith.constant 0 : i32
    %c0_i32_0 = arith.constant 0 : i32
    %c0_i32_1 = arith.constant 0 : i32
    return %c0_i32, %c0_i32_0 : i32, i32
  }
  func.func @transform_18(%arg0: i32) -> (i32, i32) {
    %c0_i32 = arith.constant 0 : i32
    %c0_i32_0 = arith.constant 0 : i32
    return %arg0, %c0_i32 : i32, i32
  }
  func.func @transform_19(%arg0: i32) -> (i32, i32) {
    %c0_i32 = arith.constant 0 : i32
    %c0_i32_0 = arith.constant 0 : i32
    return %arg0, %c0_i32 : i32, i32
  }
  func.func @transform_20(%arg0: i32) -> (i32, i32) {
    %c0_i32 = arith.constant 0 : i32
    %c0_i32_0 = arith.constant 0 : i32
    return %arg0, %c0_i32 : i32, i32
  }
}

module attributes {stable_mosaic.version = 14 : i64} {
  func.func @_conv2_body(%arg0: i32, %arg1: memref<2000x32xf32, #tpu.memory_space<vmem>>, %arg2: memref<2000x32xf32, #tpu.memory_space<vmem>>, %arg3: memref<2000x512xf32, #tpu.memory_space<vmem>>, %arg4: memref<2000x256xf32, #tpu.memory_space<vmem>>, %arg5: memref<256x512xf32, #tpu.memory_space<vmem>>, %arg6: memref<1x512xf32, #tpu.memory_space<vmem>>, %arg7: memref<512x512xf32, #tpu.memory_space<vmem>>, %arg8: memref<1x512xf32, #tpu.memory_space<vmem>>, %arg9: memref<512x512xf32, #tpu.memory_space<vmem>>, %arg10: memref<1x512xf32, #tpu.memory_space<vmem>>, %arg11: memref<32x512xf32, #tpu.memory_space<vmem>>, %arg12: memref<512x32xf32, #tpu.memory_space<vmem>>, %arg13: memref<32x64xf32, #tpu.memory_space<vmem>>, %arg14: memref<1x64xf32, #tpu.memory_space<vmem>>, %arg15: memref<64x32xf32, #tpu.memory_space<vmem>>, %arg16: memref<1x32xf32, #tpu.memory_space<vmem>>, %arg17: memref<32x1xf32, #tpu.memory_space<vmem>>, %arg18: memref<1x1xf32, #tpu.memory_space<vmem>>, %arg19: memref<32x16xf32, #tpu.memory_space<vmem>>, %arg20: memref<32x16xf32, #tpu.memory_space<vmem>>, %arg21: memref<1x16xf32, #tpu.memory_space<vmem>>, %arg22: memref<2000x16xf32, #tpu.memory_space<vmem>>, %arg23: memref<2000x16xf32, #tpu.memory_space<vmem>>, %arg24: memref<2000x1xf32, #tpu.memory_space<vmem>>) attributes {dimension_semantics = [#tpu.dimension_semantics<arbitrary>], iteration_bounds = array<i64: 25>, scalar_prefetch = 0 : i64, scratch_operands = 0 : i64, tpu.core_type = #tpu.core_type<tc>, window_params = [{transform_indices = @transform_0, window_bounds = array<i64: 2000, 32>}, {transform_indices = @transform_1, window_bounds = array<i64: 2000, 32>}, {transform_indices = @transform_2, window_bounds = array<i64: 2000, 512>}, {transform_indices = @transform_3, window_bounds = array<i64: 2000, 256>}, {pipeline_mode = #tpu.pipeline_mode<synchronous>, transform_indices = @transform_4, window_bounds = array<i64: 256, 512>}, {pipeline_mode = #tpu.pipeline_mode<synchronous>, transform_indices = @transform_5, window_bounds = array<i64: 1, 512>}, {pipeline_mode = #tpu.pipeline_mode<synchronous>, transform_indices = @transform_6, window_bounds = array<i64: 512, 512>}, {pipeline_mode = #tpu.pipeline_mode<synchronous>, transform_indices = @transform_7, window_bounds = array<i64: 1, 512>}, {pipeline_mode = #tpu.pipeline_mode<synchronous>, transform_indices = @transform_8, window_bounds = array<i64: 512, 512>}, {pipeline_mode = #tpu.pipeline_mode<synchronous>, transform_indices = @transform_9, window_bounds = array<i64: 1, 512>}, {pipeline_mode = #tpu.pipeline_mode<synchronous>, transform_indices = @transform_10, window_bounds = array<i64: 32, 512>}, {pipeline_mode = #tpu.pipeline_mode<synchronous>, transform_indices = @transform_11, window_bounds = array<i64: 512, 32>}, {pipeline_mode = #tpu.pipeline_mode<synchronous>, transform_indices = @transform_12, window_bounds = array<i64: 32, 64>}, {pipeline_mode = #tpu.pipeline_mode<synchronous>, transform_indices = @transform_13, window_bounds = array<i64: 1, 64>}, {pipeline_mode = #tpu.pipeline_mode<synchronous>, transform_indices = @transform_14, window_bounds = array<i64: 64, 32>}, {pipeline_mode = #tpu.pipeline_mode<synchronous>, transform_indices = @transform_15, window_bounds = array<i64: 1, 32>}, {pipeline_mode = #tpu.pipeline_mode<synchronous>, transform_indices = @transform_16, window_bounds = array<i64: 32, 1>}, {pipeline_mode = #tpu.pipeline_mode<synchronous>, transform_indices = @transform_17, window_bounds = array<i64: 1, 1>}, {pipeline_mode = #tpu.pipeline_mode<synchronous>, transform_indices = @transform_18, window_bounds = array<i64: 32, 16>}, {pipeline_mode = #tpu.pipeline_mode<synchronous>, transform_indices = @transform_19, window_bounds = array<i64: 32, 16>}, {pipeline_mode = #tpu.pipeline_mode<synchronous>, transform_indices = @transform_20, window_bounds = array<i64: 1, 16>}, {transform_indices = @transform_21, window_bounds = array<i64: 2000, 16>}, {transform_indices = @transform_22, window_bounds = array<i64: 2000, 16>}, {transform_indices = @transform_23, window_bounds = array<i64: 2000, 1>}]} {
    %get3A = arith.constant 0 : index
    %get3A_0 = arith.constant 0 : index
    %get3A_1 = vector.load %arg1[%get3A, %get3A_0] : memref<2000x32xf32, #tpu.memory_space<vmem>>, vector<2000x32xf32>
    %get3A_2 = arith.constant 0 : index
    %get3A_3 = arith.constant 0 : index
    %get3A_4 = vector.load %arg2[%get3A_2, %get3A_3] : memref<2000x32xf32, #tpu.memory_space<vmem>>, vector<2000x32xf32>
    %get3A_5 = arith.constant 0 : index
    %get3A_6 = arith.constant 0 : index
    %get3A_7 = vector.load %arg5[%get3A_5, %get3A_6] : memref<256x512xf32, #tpu.memory_space<vmem>>, vector<256x512xf32>
    %get3A_8 = arith.constant 0 : index
    %get3A_9 = arith.constant 0 : index
    %get3A_10 = vector.load %arg6[%get3A_8, %get3A_9] : memref<1x512xf32, #tpu.memory_space<vmem>>, vector<1x512xf32>
    %get3A_11 = arith.constant 0 : index
    %get3A_12 = arith.constant 0 : index
    %get3A_13 = vector.load %arg7[%get3A_11, %get3A_12] : memref<512x512xf32, #tpu.memory_space<vmem>>, vector<512x512xf32>
    %get3A_14 = arith.constant 0 : index
    %get3A_15 = arith.constant 0 : index
    %get3A_16 = vector.load %arg8[%get3A_14, %get3A_15] : memref<1x512xf32, #tpu.memory_space<vmem>>, vector<1x512xf32>
    %get3A_17 = arith.constant 0 : index
    %get3A_18 = arith.constant 0 : index
    %get3A_19 = vector.load %arg9[%get3A_17, %get3A_18] : memref<512x512xf32, #tpu.memory_space<vmem>>, vector<512x512xf32>
    %get3A_20 = arith.constant 0 : index
    %get3A_21 = arith.constant 0 : index
    %get3A_22 = vector.load %arg10[%get3A_20, %get3A_21] : memref<1x512xf32, #tpu.memory_space<vmem>>, vector<1x512xf32>
    %get3A_23 = arith.constant 0 : index
    %get3A_24 = arith.constant 0 : index
    %get3A_25 = vector.load %arg11[%get3A_23, %get3A_24] : memref<32x512xf32, #tpu.memory_space<vmem>>, vector<32x512xf32>
    %get3A_26 = arith.constant 0 : index
    %get3A_27 = arith.constant 0 : index
    %get3A_28 = vector.load %arg12[%get3A_26, %get3A_27] : memref<512x32xf32, #tpu.memory_space<vmem>>, vector<512x32xf32>
    %get3A_29 = arith.constant 0 : index
    %get3A_30 = arith.constant 0 : index
    %get3A_31 = vector.load %arg4[%get3A_29, %get3A_30] : memref<2000x256xf32, #tpu.memory_space<vmem>>, vector<2000x256xf32>
    %dot_general3A = arith.constant dense<0.000000e+00> : vector<2000x512xf32>
    %dot_general3A_32 = tpu.matmul %get3A_31, %get3A_7, %dot_general3A {dimension_numbers = #tpu.dot_dimension_numbers<[1], [0], [0], [1], [0, 0, 1, 1], [], []>, transpose_lhs_hint = false} : vector<2000x256xf32>, vector<256x512xf32>, vector<2000x512xf32> -> vector<2000x512xf32>
    %add3A = vector.broadcast %get3A_10 : vector<1x512xf32> to vector<2000x512xf32>
    %add3A_33 = arith.addf %dot_general3A_32, %add3A : vector<2000x512xf32>
    %dot_general3A_34 = arith.constant dense<0.000000e+00> : vector<2000x512xf32>
    %dot_general3A_35 = tpu.matmul %get3A_4, %get3A_25, %dot_general3A_34 {dimension_numbers = #tpu.dot_dimension_numbers<[1], [0], [0], [1], [0, 0, 1, 1], [], []>, transpose_lhs_hint = false} : vector<2000x32xf32>, vector<32x512xf32>, vector<2000x512xf32> -> vector<2000x512xf32>
    %get3A_36 = arith.constant 0 : index
    %get3A_37 = arith.constant 0 : index
    %get3A_38 = vector.load %arg3[%get3A_36, %get3A_37] : memref<2000x512xf32, #tpu.memory_space<vmem>>, vector<2000x512xf32>
    %mul3A = arith.mulf %dot_general3A_35, %get3A_38 : vector<2000x512xf32>
    %mul3A_39 = arith.mulf %mul3A, %add3A_33 : vector<2000x512xf32>
    %dot_general3A_40 = arith.constant dense<0.000000e+00> : vector<2000x512xf32>
    %dot_general3A_41 = tpu.matmul %mul3A_39, %get3A_13, %dot_general3A_40 {dimension_numbers = #tpu.dot_dimension_numbers<[1], [0], [0], [1], [0, 0, 1, 1], [], []>, transpose_lhs_hint = false} : vector<2000x512xf32>, vector<512x512xf32>, vector<2000x512xf32> -> vector<2000x512xf32>
    %add3A_42 = vector.broadcast %get3A_16 : vector<1x512xf32> to vector<2000x512xf32>
    %add3A_43 = arith.addf %dot_general3A_41, %add3A_42 : vector<2000x512xf32>
    %neg3A = arith.constant 0.000000e+00 : f32
    %neg3A_44 = vector.broadcast %neg3A : f32 to vector<2000x512xf32>
    %neg3A_45 = arith.subf %neg3A_44, %add3A_43 : vector<2000x512xf32>
    %exp3A = math.exp %neg3A_45 : vector<2000x512xf32>
    %add3A_46 = arith.constant 1.000000e+00 : f32
    %add3A_47 = vector.broadcast %add3A_46 : f32 to vector<2000x512xf32>
    %add3A_48 = arith.addf %add3A_47, %exp3A : vector<2000x512xf32>
    %div3A = arith.constant 1.000000e+00 : f32
    %div3A_49 = vector.broadcast %div3A : f32 to vector<2000x512xf32>
    %div3A_50 = arith.divf %div3A_49, %add3A_48 : vector<2000x512xf32>
    %dot_general3A_51 = arith.constant dense<0.000000e+00> : vector<2000x512xf32>
    %dot_general3A_52 = tpu.matmul %mul3A_39, %get3A_19, %dot_general3A_51 {dimension_numbers = #tpu.dot_dimension_numbers<[1], [0], [0], [1], [0, 0, 1, 1], [], []>, transpose_lhs_hint = false} : vector<2000x512xf32>, vector<512x512xf32>, vector<2000x512xf32> -> vector<2000x512xf32>
    %add3A_53 = vector.broadcast %get3A_22 : vector<1x512xf32> to vector<2000x512xf32>
    %add3A_54 = arith.addf %dot_general3A_52, %add3A_53 : vector<2000x512xf32>
    %max3A = arith.constant 0.000000e+00 : f32
    %max3A_55 = vector.broadcast %max3A : f32 to vector<2000x512xf32>
    %max3A_56 = arith.maximumf %add3A_54, %max3A_55 : vector<2000x512xf32>
    %abs3A = math.absf %add3A_54 : vector<2000x512xf32>
    %neg3A_57 = arith.constant 0.000000e+00 : f32
    %neg3A_58 = vector.broadcast %neg3A_57 : f32 to vector<2000x512xf32>
    %neg3A_59 = arith.subf %neg3A_58, %abs3A : vector<2000x512xf32>
    %exp3A_60 = math.exp %neg3A_59 : vector<2000x512xf32>
    %add3A_61 = arith.constant 1.000000e+00 : f32
    %add3A_62 = vector.broadcast %add3A_61 : f32 to vector<2000x512xf32>
    %add3A_63 = arith.addf %add3A_62, %exp3A_60 : vector<2000x512xf32>
    %log3A = math.log %add3A_63 : vector<2000x512xf32>
    %add3A_64 = arith.addf %max3A_56, %log3A : vector<2000x512xf32>
    %mul3A_65 = arith.mulf %div3A_50, %add3A_64 : vector<2000x512xf32>
    %dot_general3A_66 = arith.constant dense<0.000000e+00> : vector<2000x32xf32>
    %dot_general3A_67 = tpu.matmul %mul3A_65, %get3A_28, %dot_general3A_66 {dimension_numbers = #tpu.dot_dimension_numbers<[1], [0], [0], [1], [0, 0, 1, 1], [], []>, transpose_lhs_hint = false} : vector<2000x512xf32>, vector<512x32xf32>, vector<2000x32xf32> -> vector<2000x32xf32>
    %add3A_68 = arith.addf %get3A_1, %dot_general3A_67 : vector<2000x32xf32>
    %get3A_69 = arith.constant 0 : index
    %get3A_70 = arith.constant 0 : index
    %get3A_71 = vector.load %arg13[%get3A_69, %get3A_70] : memref<32x64xf32, #tpu.memory_space<vmem>>, vector<32x64xf32>
    %dot_general3A_72 = arith.constant dense<0.000000e+00> : vector<2000x64xf32>
    %dot_general3A_73 = tpu.matmul %add3A_68, %get3A_71, %dot_general3A_72 {dimension_numbers = #tpu.dot_dimension_numbers<[1], [0], [0], [1], [0, 0, 1, 1], [], []>, transpose_lhs_hint = false} : vector<2000x32xf32>, vector<32x64xf32>, vector<2000x64xf32> -> vector<2000x64xf32>
    %get3A_74 = arith.constant 0 : index
    %get3A_75 = arith.constant 0 : index
    %get3A_76 = vector.load %arg14[%get3A_74, %get3A_75] : memref<1x64xf32, #tpu.memory_space<vmem>>, vector<1x64xf32>
    %add3A_77 = vector.broadcast %get3A_76 : vector<1x64xf32> to vector<2000x64xf32>
    %add3A_78 = arith.addf %dot_general3A_73, %add3A_77 : vector<2000x64xf32>
    %max3A_79 = arith.constant 0.000000e+00 : f32
    %max3A_80 = vector.broadcast %max3A_79 : f32 to vector<2000x64xf32>
    %max3A_81 = arith.maximumf %add3A_78, %max3A_80 : vector<2000x64xf32>
    %abs3A_82 = math.absf %add3A_78 : vector<2000x64xf32>
    %neg3A_83 = arith.constant 0.000000e+00 : f32
    %neg3A_84 = vector.broadcast %neg3A_83 : f32 to vector<2000x64xf32>
    %neg3A_85 = arith.subf %neg3A_84, %abs3A_82 : vector<2000x64xf32>
    %exp3A_86 = math.exp %neg3A_85 : vector<2000x64xf32>
    %add3A_87 = arith.constant 1.000000e+00 : f32
    %add3A_88 = vector.broadcast %add3A_87 : f32 to vector<2000x64xf32>
    %add3A_89 = arith.addf %add3A_88, %exp3A_86 : vector<2000x64xf32>
    %log3A_90 = math.log %add3A_89 : vector<2000x64xf32>
    %add3A_91 = arith.addf %max3A_81, %log3A_90 : vector<2000x64xf32>
    %get3A_92 = arith.constant 0 : index
    %get3A_93 = arith.constant 0 : index
    %get3A_94 = vector.load %arg15[%get3A_92, %get3A_93] : memref<64x32xf32, #tpu.memory_space<vmem>>, vector<64x32xf32>
    %dot_general3A_95 = arith.constant dense<0.000000e+00> : vector<2000x32xf32>
    %dot_general3A_96 = tpu.matmul %add3A_91, %get3A_94, %dot_general3A_95 {dimension_numbers = #tpu.dot_dimension_numbers<[1], [0], [0], [1], [0, 0, 1, 1], [], []>, transpose_lhs_hint = false} : vector<2000x64xf32>, vector<64x32xf32>, vector<2000x32xf32> -> vector<2000x32xf32>
    %get3A_97 = arith.constant 0 : index
    %get3A_98 = arith.constant 0 : index
    %get3A_99 = vector.load %arg16[%get3A_97, %get3A_98] : memref<1x32xf32, #tpu.memory_space<vmem>>, vector<1x32xf32>
    %add3A_100 = vector.broadcast %get3A_99 : vector<1x32xf32> to vector<2000x32xf32>
    %add3A_101 = arith.addf %dot_general3A_96, %add3A_100 : vector<2000x32xf32>
    %max3A_102 = arith.constant 0.000000e+00 : f32
    %max3A_103 = vector.broadcast %max3A_102 : f32 to vector<2000x32xf32>
    %max3A_104 = arith.maximumf %add3A_101, %max3A_103 : vector<2000x32xf32>
    %abs3A_105 = math.absf %add3A_101 : vector<2000x32xf32>
    %neg3A_106 = arith.constant 0.000000e+00 : f32
    %neg3A_107 = vector.broadcast %neg3A_106 : f32 to vector<2000x32xf32>
    %neg3A_108 = arith.subf %neg3A_107, %abs3A_105 : vector<2000x32xf32>
    %exp3A_109 = math.exp %neg3A_108 : vector<2000x32xf32>
    %add3A_110 = arith.constant 1.000000e+00 : f32
    %add3A_111 = vector.broadcast %add3A_110 : f32 to vector<2000x32xf32>
    %add3A_112 = arith.addf %add3A_111, %exp3A_109 : vector<2000x32xf32>
    %log3A_113 = math.log %add3A_112 : vector<2000x32xf32>
    %add3A_114 = arith.addf %max3A_104, %log3A_113 : vector<2000x32xf32>
    %get3A_115 = arith.constant 0 : index
    %get3A_116 = arith.constant 0 : index
    %get3A_117 = vector.load %arg17[%get3A_115, %get3A_116] : memref<32x1xf32, #tpu.memory_space<vmem>>, vector<32x1xf32>
    %dot_general3A_118 = arith.constant dense<0.000000e+00> : vector<2000x1xf32>
    %dot_general3A_119 = tpu.matmul %add3A_114, %get3A_117, %dot_general3A_118 {dimension_numbers = #tpu.dot_dimension_numbers<[1], [0], [0], [1], [0, 0, 1, 1], [], []>, transpose_lhs_hint = false} : vector<2000x32xf32>, vector<32x1xf32>, vector<2000x1xf32> -> vector<2000x1xf32>
    %get3A_120 = arith.constant 0 : index
    %get3A_121 = arith.constant 0 : index
    %get3A_122 = vector.load %arg18[%get3A_120, %get3A_121] : memref<1x1xf32, #tpu.memory_space<vmem>>, vector<1x1xf32>
    %add3A_123 = vector.broadcast %get3A_122 : vector<1x1xf32> to vector<2000x1xf32>
    %add3A_124 = arith.addf %dot_general3A_119, %add3A_123 : vector<2000x1xf32>
    %swap3A = arith.constant 0 : index
    %swap3A_125 = arith.constant 0 : index
    %swap3A_126 = vector.load %arg24[%swap3A, %swap3A_125] : memref<2000x1xf32, #tpu.memory_space<vmem>>, vector<2000x1xf32>
    tpu.vector_store %arg24[%swap3A, %swap3A_125], %add3A_124 {strides = array<i32>} : memref<2000x1xf32, #tpu.memory_space<vmem>>, vector<2000x1xf32>,
    %get3A_127 = arith.constant 0 : index
    %get3A_128 = arith.constant 0 : index
    %get3A_129 = vector.load %arg19[%get3A_127, %get3A_128] : memref<32x16xf32, #tpu.memory_space<vmem>>, vector<32x16xf32>
    %dot_general3A_130 = arith.constant dense<0.000000e+00> : vector<2000x16xf32>
    %dot_general3A_131 = tpu.matmul %add3A_68, %get3A_129, %dot_general3A_130 {dimension_numbers = #tpu.dot_dimension_numbers<[1], [0], [0], [1], [0, 0, 1, 1], [], []>, transpose_lhs_hint = false} : vector<2000x32xf32>, vector<32x16xf32>, vector<2000x16xf32> -> vector<2000x16xf32>
    %get3A_132 = arith.constant 0 : index
    %get3A_133 = arith.constant 0 : index
    %get3A_134 = vector.load %arg21[%get3A_132, %get3A_133] : memref<1x16xf32, #tpu.memory_space<vmem>>, vector<1x16xf32>
    %add3A_135 = vector.broadcast %get3A_134 : vector<1x16xf32> to vector<2000x16xf32>
    %add3A_136 = arith.addf %dot_general3A_131, %add3A_135 : vector<2000x16xf32>
    %swap3A_137 = arith.constant 0 : index
    %swap3A_138 = arith.constant 0 : index
    %swap3A_139 = vector.load %arg22[%swap3A_137, %swap3A_138] : memref<2000x16xf32, #tpu.memory_space<vmem>>, vector<2000x16xf32>
    tpu.vector_store %arg22[%swap3A_137, %swap3A_138], %add3A_136 {strides = array<i32>} : memref<2000x16xf32, #tpu.memory_space<vmem>>, vector<2000x16xf32>,
    %get3A_140 = arith.constant 0 : index
    %get3A_141 = arith.constant 0 : index
    %get3A_142 = vector.load %arg20[%get3A_140, %get3A_141] : memref<32x16xf32, #tpu.memory_space<vmem>>, vector<32x16xf32>
    %dot_general3A_143 = arith.constant dense<0.000000e+00> : vector<2000x16xf32>
    %dot_general3A_144 = tpu.matmul %add3A_68, %get3A_142, %dot_general3A_143 {dimension_numbers = #tpu.dot_dimension_numbers<[1], [0], [0], [1], [0, 0, 1, 1], [], []>, transpose_lhs_hint = false} : vector<2000x32xf32>, vector<32x16xf32>, vector<2000x16xf32> -> vector<2000x16xf32>
    %swap3A_145 = arith.constant 0 : index
    %swap3A_146 = arith.constant 0 : index
    %swap3A_147 = vector.load %arg23[%swap3A_145, %swap3A_146] : memref<2000x16xf32, #tpu.memory_space<vmem>>, vector<2000x16xf32>
    tpu.vector_store %arg23[%swap3A_145, %swap3A_146], %dot_general3A_144 {strides = array<i32>} : memref<2000x16xf32, #tpu.memory_space<vmem>>, vector<2000x16xf32>,
    return
  }
  func.func @transform_0(%arg0: i32) -> (i32, i32) {
    %c0_i32 = arith.constant 0 : i32
    %c0_i32_0 = arith.constant 0 : i32
    return %arg0, %c0_i32 : i32, i32
  }
  func.func @transform_1(%arg0: i32) -> (i32, i32) {
    %c0_i32 = arith.constant 0 : i32
    %c0_i32_0 = arith.constant 0 : i32
    return %arg0, %c0_i32 : i32, i32
  }
  func.func @transform_2(%arg0: i32) -> (i32, i32) {
    %c0_i32 = arith.constant 0 : i32
    %c0_i32_0 = arith.constant 0 : i32
    return %arg0, %c0_i32 : i32, i32
  }
  func.func @transform_3(%arg0: i32) -> (i32, i32) {
    %c0_i32 = arith.constant 0 : i32
    %c0_i32_0 = arith.constant 0 : i32
    return %arg0, %c0_i32 : i32, i32
  }
  func.func @transform_4(%arg0: i32) -> (i32, i32) {
    %c0_i32 = arith.constant 0 : i32
    %c0_i32_0 = arith.constant 0 : i32
    %c0_i32_1 = arith.constant 0 : i32
    return %c0_i32, %c0_i32_0 : i32, i32
  }
  func.func @transform_5(%arg0: i32) -> (i32, i32) {
    %c0_i32 = arith.constant 0 : i32
    %c0_i32_0 = arith.constant 0 : i32
    %c0_i32_1 = arith.constant 0 : i32
    return %c0_i32, %c0_i32_0 : i32, i32
  }
  func.func @transform_6(%arg0: i32) -> (i32, i32) {
    %c0_i32 = arith.constant 0 : i32
    %c0_i32_0 = arith.constant 0 : i32
    %c0_i32_1 = arith.constant 0 : i32
    return %c0_i32, %c0_i32_0 : i32, i32
  }
  func.func @transform_7(%arg0: i32) -> (i32, i32) {
    %c0_i32 = arith.constant 0 : i32
    %c0_i32_0 = arith.constant 0 : i32
    %c0_i32_1 = arith.constant 0 : i32
    return %c0_i32, %c0_i32_0 : i32, i32
  }
  func.func @transform_8(%arg0: i32) -> (i32, i32) {
    %c0_i32 = arith.constant 0 : i32
    %c0_i32_0 = arith.constant 0 : i32
    %c0_i32_1 = arith.constant 0 : i32
    return %c0_i32, %c0_i32_0 : i32, i32
  }
  func.func @transform_9(%arg0: i32) -> (i32, i32) {
    %c0_i32 = arith.constant 0 : i32
    %c0_i32_0 = arith.constant 0 : i32
    %c0_i32_1 = arith.constant 0 : i32
    return %c0_i32, %c0_i32_0 : i32, i32
  }
  func.func @transform_10(%arg0: i32) -> (i32, i32) {
    %c0_i32 = arith.constant 0 : i32
    %c0_i32_0 = arith.constant 0 : i32
    %c0_i32_1 = arith.constant 0 : i32
    return %c0_i32, %c0_i32_0 : i32, i32
  }
  func.func @transform_11(%arg0: i32) -> (i32, i32) {
    %c0_i32 = arith.constant 0 : i32
    %c0_i32_0 = arith.constant 0 : i32
    %c0_i32_1 = arith.constant 0 : i32
    return %c0_i32, %c0_i32_0 : i32, i32
  }
  func.func @transform_12(%arg0: i32) -> (i32, i32) {
    %c0_i32 = arith.constant 0 : i32
    %c0_i32_0 = arith.constant 0 : i32
    %c0_i32_1 = arith.constant 0 : i32
    return %c0_i32, %c0_i32_0 : i32, i32
  }
  func.func @transform_13(%arg0: i32) -> (i32, i32) {
    %c0_i32 = arith.constant 0 : i32
    %c0_i32_0 = arith.constant 0 : i32
    %c0_i32_1 = arith.constant 0 : i32
    return %c0_i32, %c0_i32_0 : i32, i32
  }
  func.func @transform_14(%arg0: i32) -> (i32, i32) {
    %c0_i32 = arith.constant 0 : i32
    %c0_i32_0 = arith.constant 0 : i32
    %c0_i32_1 = arith.constant 0 : i32
    return %c0_i32, %c0_i32_0 : i32, i32
  }
  func.func @transform_15(%arg0: i32) -> (i32, i32) {
    %c0_i32 = arith.constant 0 : i32
    %c0_i32_0 = arith.constant 0 : i32
    %c0_i32_1 = arith.constant 0 : i32
    return %c0_i32, %c0_i32_0 : i32, i32
  }
  func.func @transform_16(%arg0: i32) -> (i32, i32) {
    %c0_i32 = arith.constant 0 : i32
    %c0_i32_0 = arith.constant 0 : i32
    %c0_i32_1 = arith.constant 0 : i32
    return %c0_i32, %c0_i32_0 : i32, i32
  }
  func.func @transform_17(%arg0: i32) -> (i32, i32) {
    %c0_i32 = arith.constant 0 : i32
    %c0_i32_0 = arith.constant 0 : i32
    %c0_i32_1 = arith.constant 0 : i32
    return %c0_i32, %c0_i32_0 : i32, i32
  }
  func.func @transform_18(%arg0: i32) -> (i32, i32) {
    %c0_i32 = arith.constant 0 : i32
    %c0_i32_0 = arith.constant 0 : i32
    %c0_i32_1 = arith.constant 0 : i32
    return %c0_i32, %c0_i32_0 : i32, i32
  }
  func.func @transform_19(%arg0: i32) -> (i32, i32) {
    %c0_i32 = arith.constant 0 : i32
    %c0_i32_0 = arith.constant 0 : i32
    %c0_i32_1 = arith.constant 0 : i32
    return %c0_i32, %c0_i32_0 : i32, i32
  }
  func.func @transform_20(%arg0: i32) -> (i32, i32) {
    %c0_i32 = arith.constant 0 : i32
    %c0_i32_0 = arith.constant 0 : i32
    %c0_i32_1 = arith.constant 0 : i32
    return %c0_i32, %c0_i32_0 : i32, i32
  }
  func.func @transform_21(%arg0: i32) -> (i32, i32) {
    %c0_i32 = arith.constant 0 : i32
    %c0_i32_0 = arith.constant 0 : i32
    return %arg0, %c0_i32 : i32, i32
  }
  func.func @transform_22(%arg0: i32) -> (i32, i32) {
    %c0_i32 = arith.constant 0 : i32
    %c0_i32_0 = arith.constant 0 : i32
    return %arg0, %c0_i32 : i32, i32
  }
  func.func @transform_23(%arg0: i32) -> (i32, i32) {
    %c0_i32 = arith.constant 0 : i32
    %c0_i32_0 = arith.constant 0 : i32
    return %arg0, %c0_i32 : i32, i32
  }
}

module attributes {stable_mosaic.version = 14 : i64} {
  func.func @_edgej_body(%arg0: i32, %arg1: memref<2000x16xf32, #tpu.memory_space<vmem>>, %arg2: memref<2000x256xf32, #tpu.memory_space<vmem>>, %arg3: memref<2000x256xf32, #tpu.memory_space<vmem>>, %arg4: memref<2000x256xf32, #tpu.memory_space<vmem>>, %arg5: memref<2000x1xf32, #tpu.memory_space<vmem>>, %arg6: memref<2000x1xf32, #tpu.memory_space<vmem>>, %arg7: memref<16x256xf32, #tpu.memory_space<vmem>>, %arg8: memref<256x256xf32, #tpu.memory_space<vmem>>, %arg9: memref<256x16xf32, #tpu.memory_space<vmem>>, %arg10: memref<256x16xf32, #tpu.memory_space<vmem>>, %arg11: memref<256x16xf32, #tpu.memory_space<vmem>>, %arg12: memref<1x16xf32, #tpu.memory_space<vmem>>, %arg13: memref<1x1xf32, #tpu.memory_space<vmem>>) attributes {dimension_semantics = [#tpu.dimension_semantics<arbitrary>], iteration_bounds = array<i64: 25>, scalar_prefetch = 0 : i64, scratch_operands = 0 : i64, tpu.core_type = #tpu.core_type<tc>, window_params = [{transform_indices = @transform_0, window_bounds = array<i64: 2000, 16>}, {transform_indices = @transform_1, window_bounds = array<i64: 2000, 256>}, {transform_indices = @transform_2, window_bounds = array<i64: 2000, 256>}, {transform_indices = @transform_3, window_bounds = array<i64: 2000, 256>}, {transform_indices = @transform_4, window_bounds = array<i64: 2000, 1>}, {transform_indices = @transform_5, window_bounds = array<i64: 2000, 1>}, {pipeline_mode = #tpu.pipeline_mode<synchronous>, transform_indices = @transform_6, window_bounds = array<i64: 16, 256>}, {pipeline_mode = #tpu.pipeline_mode<synchronous>, transform_indices = @transform_7, window_bounds = array<i64: 256, 256>}, {pipeline_mode = #tpu.pipeline_mode<synchronous>, transform_indices = @transform_8, window_bounds = array<i64: 256, 16>}, {pipeline_mode = #tpu.pipeline_mode<synchronous>, transform_indices = @transform_9, window_bounds = array<i64: 256, 16>}, {pipeline_mode = #tpu.pipeline_mode<synchronous>, transform_indices = @transform_10, window_bounds = array<i64: 256, 16>}, {pipeline_mode = #tpu.pipeline_mode<synchronous>, transform_indices = @transform_11, window_bounds = array<i64: 1, 16>}, {pipeline_mode = #tpu.pipeline_mode<synchronous>, transform_indices = @transform_12, window_bounds = array<i64: 1, 1>}]} {
    %eq3A = arith.constant 0 : i32
    %eq3A_0 = arith.cmpi eq, %arg0, %eq3A : i32
    %convert_element_type3A = arith.extui %eq3A_0 : i1 to i32
    %cond3A = arith.constant 0 : i32
    %cond3A_1 = arith.cmpi ne, %convert_element_type3A, %cond3A : i32
    scf.if %cond3A_1 {
      %broadcast_in_dim3A_77 = arith.constant 0.000000e+00 : f32
      %broadcast_in_dim3A_78 = vector.broadcast %broadcast_in_dim3A_77 : f32 to vector<1x1xf32>
      %swap3A_79 = arith.constant 0 : index
      %swap3A_80 = arith.constant 0 : index
      %swap3A_81 = vector.load %arg13[%swap3A_79, %swap3A_80] : memref<1x1xf32, #tpu.memory_space<vmem>>, vector<1x1xf32>
      tpu.vector_store %arg13[%swap3A_79, %swap3A_80], %broadcast_in_dim3A_78 {strides = array<i32>} : memref<1x1xf32, #tpu.memory_space<vmem>>, vector<1x1xf32>,
    } else {
    }
    %get3A = arith.constant 0 : index
    %get3A_2 = arith.constant 0 : index
    %get3A_3 = vector.load %arg1[%get3A, %get3A_2] : memref<2000x16xf32, #tpu.memory_space<vmem>>, vector<2000x16xf32>
    %get3A_4 = arith.constant 0 : index
    %get3A_5 = arith.constant 0 : index
    %get3A_6 = vector.load %arg7[%get3A_4, %get3A_5] : memref<16x256xf32, #tpu.memory_space<vmem>>, vector<16x256xf32>
    %dot_general3A = arith.constant dense<0.000000e+00> : vector<2000x256xf32>
    %dot_general3A_7 = tpu.matmul %get3A_3, %get3A_6, %dot_general3A {dimension_numbers = #tpu.dot_dimension_numbers<[1], [0], [0], [1], [0, 0, 1, 1], [], []>, transpose_lhs_hint = false} : vector<2000x16xf32>, vector<16x256xf32>, vector<2000x256xf32> -> vector<2000x256xf32>
    %get3A_8 = arith.constant 0 : index
    %get3A_9 = arith.constant 0 : index
    %get3A_10 = vector.load %arg2[%get3A_8, %get3A_9] : memref<2000x256xf32, #tpu.memory_space<vmem>>, vector<2000x256xf32>
    %add3A = arith.addf %dot_general3A_7, %get3A_10 : vector<2000x256xf32>
    %get3A_11 = arith.constant 0 : index
    %get3A_12 = arith.constant 0 : index
    %get3A_13 = vector.load %arg4[%get3A_11, %get3A_12] : memref<2000x256xf32, #tpu.memory_space<vmem>>, vector<2000x256xf32>
    %get3A_14 = arith.constant 0 : index
    %get3A_15 = arith.constant 0 : index
    %get3A_16 = vector.load %arg8[%get3A_14, %get3A_15] : memref<256x256xf32, #tpu.memory_space<vmem>>, vector<256x256xf32>
    %dot_general3A_17 = arith.constant dense<0.000000e+00> : vector<2000x256xf32>
    %dot_general3A_18 = tpu.matmul %get3A_13, %get3A_16, %dot_general3A_17 {dimension_numbers = #tpu.dot_dimension_numbers<[1], [0], [0], [1], [0, 0, 1, 1], [], []>, transpose_lhs_hint = false} : vector<2000x256xf32>, vector<256x256xf32>, vector<2000x256xf32> -> vector<2000x256xf32>
    %add3A_19 = arith.addf %add3A, %dot_general3A_18 : vector<2000x256xf32>
    %max3A = arith.constant 0.000000e+00 : f32
    %max3A_20 = vector.broadcast %max3A : f32 to vector<2000x256xf32>
    %max3A_21 = arith.maximumf %add3A_19, %max3A_20 : vector<2000x256xf32>
    %abs3A = math.absf %add3A_19 : vector<2000x256xf32>
    %neg3A = arith.constant 0.000000e+00 : f32
    %neg3A_22 = vector.broadcast %neg3A : f32 to vector<2000x256xf32>
    %neg3A_23 = arith.subf %neg3A_22, %abs3A : vector<2000x256xf32>
    %exp3A = math.exp %neg3A_23 : vector<2000x256xf32>
    %add3A_24 = arith.constant 1.000000e+00 : f32
    %add3A_25 = vector.broadcast %add3A_24 : f32 to vector<2000x256xf32>
    %add3A_26 = arith.addf %add3A_25, %exp3A : vector<2000x256xf32>
    %log3A = math.log %add3A_26 : vector<2000x256xf32>
    %add3A_27 = arith.addf %max3A_21, %log3A : vector<2000x256xf32>
    %get3A_28 = arith.constant 0 : index
    %get3A_29 = arith.constant 0 : index
    %get3A_30 = vector.load %arg9[%get3A_28, %get3A_29] : memref<256x16xf32, #tpu.memory_space<vmem>>, vector<256x16xf32>
    %dot_general3A_31 = arith.constant dense<0.000000e+00> : vector<2000x16xf32>
    %dot_general3A_32 = tpu.matmul %add3A_27, %get3A_30, %dot_general3A_31 {dimension_numbers = #tpu.dot_dimension_numbers<[1], [0], [0], [1], [0, 0, 1, 1], [], []>, transpose_lhs_hint = false} : vector<2000x256xf32>, vector<256x16xf32>, vector<2000x16xf32> -> vector<2000x16xf32>
    %get3A_33 = arith.constant 0 : index
    %get3A_34 = arith.constant 0 : index
    %get3A_35 = vector.load %arg12[%get3A_33, %get3A_34] : memref<1x16xf32, #tpu.memory_space<vmem>>, vector<1x16xf32>
    %add3A_36 = vector.broadcast %get3A_35 : vector<1x16xf32> to vector<2000x16xf32>
    %add3A_37 = arith.addf %dot_general3A_32, %add3A_36 : vector<2000x16xf32>
    %get3A_38 = arith.constant 0 : index
    %get3A_39 = arith.constant 0 : index
    %get3A_40 = vector.load %arg4[%get3A_38, %get3A_39] : memref<2000x256xf32, #tpu.memory_space<vmem>>, vector<2000x256xf32>
    %get3A_41 = arith.constant 0 : index
    %get3A_42 = arith.constant 0 : index
    %get3A_43 = vector.load %arg10[%get3A_41, %get3A_42] : memref<256x16xf32, #tpu.memory_space<vmem>>, vector<256x16xf32>
    %dot_general3A_44 = arith.constant dense<0.000000e+00> : vector<2000x16xf32>
    %dot_general3A_45 = tpu.matmul %get3A_40, %get3A_43, %dot_general3A_44 {dimension_numbers = #tpu.dot_dimension_numbers<[1], [0], [0], [1], [0, 0, 1, 1], [], []>, transpose_lhs_hint = false} : vector<2000x256xf32>, vector<256x16xf32>, vector<2000x16xf32> -> vector<2000x16xf32>
    %gt3A = arith.constant 0.000000e+00 : f32
    %gt3A_46 = vector.broadcast %gt3A : f32 to vector<2000x16xf32>
    %gt3A_47 = arith.cmpf ogt, %dot_general3A_45, %gt3A_46 : vector<2000x16xf32>
    %convert_element_type3A_48 = arith.extui %gt3A_47 : vector<2000x16xi1> to vector<2000x16xi32>
    %convert_element_type3A_49 = arith.sitofp %convert_element_type3A_48 : vector<2000x16xi32> to vector<2000x16xf32>
    %get3A_50 = arith.constant 0 : index
    %get3A_51 = arith.constant 0 : index
    %get3A_52 = vector.load %arg3[%get3A_50, %get3A_51] : memref<2000x256xf32, #tpu.memory_space<vmem>>, vector<2000x256xf32>
    %get3A_53 = arith.constant 0 : index
    %get3A_54 = arith.constant 0 : index
    %get3A_55 = vector.load %arg11[%get3A_53, %get3A_54] : memref<256x16xf32, #tpu.memory_space<vmem>>, vector<256x16xf32>
    %dot_general3A_56 = arith.constant dense<0.000000e+00> : vector<2000x16xf32>
    %dot_general3A_57 = tpu.matmul %get3A_52, %get3A_55, %dot_general3A_56 {dimension_numbers = #tpu.dot_dimension_numbers<[1], [0], [0], [1], [0, 0, 1, 1], [], []>, transpose_lhs_hint = false} : vector<2000x256xf32>, vector<256x16xf32>, vector<2000x16xf32> -> vector<2000x16xf32>
    %mul3A = arith.mulf %add3A_37, %dot_general3A_57 : vector<2000x16xf32>
    %mul3A_58 = arith.mulf %mul3A, %convert_element_type3A_49 : vector<2000x16xf32>
    %reduce_sum3A = arith.constant dense<0.000000e+00> : vector<2000xf32>
    %reduce_sum3A_59 = vector.multi_reduction <add>, %mul3A_58, %reduce_sum3A [1] : vector<2000x16xf32> to vector<2000xf32>
    %broadcast_in_dim3A = vector.shape_cast %reduce_sum3A_59 : vector<2000xf32> to vector<2000x1xf32>
    %get3A_60 = arith.constant 0 : index
    %get3A_61 = arith.constant 0 : index
    %get3A_62 = vector.load %arg5[%get3A_60, %get3A_61] : memref<2000x1xf32, #tpu.memory_space<vmem>>, vector<2000x1xf32>
    %get3A_63 = arith.constant 0 : index
    %get3A_64 = arith.constant 0 : index
    %get3A_65 = vector.load %arg6[%get3A_63, %get3A_64] : memref<2000x1xf32, #tpu.memory_space<vmem>>, vector<2000x1xf32>
    %mul3A_66 = arith.mulf %get3A_65, %broadcast_in_dim3A : vector<2000x1xf32>
    %add3A_67 = arith.addf %get3A_62, %mul3A_66 : vector<2000x1xf32>
    %get3A_68 = arith.constant 0 : index
    %get3A_69 = arith.constant 0 : index
    %get3A_70 = vector.load %arg13[%get3A_68, %get3A_69] : memref<1x1xf32, #tpu.memory_space<vmem>>, vector<1x1xf32>
    %reduce_sum3A_71 = arith.constant dense<0.000000e+00> : vector<1xf32>
    %reduce_sum3A_72 = vector.multi_reduction <add>, %add3A_67, %reduce_sum3A_71 [0] : vector<2000x1xf32> to vector<1xf32>
    %broadcast_in_dim3A_73 = vector.shape_cast %reduce_sum3A_72 : vector<1xf32> to vector<1x1xf32>
    %add3A_74 = arith.addf %get3A_70, %broadcast_in_dim3A_73 : vector<1x1xf32>
    %swap3A = arith.constant 0 : index
    %swap3A_75 = arith.constant 0 : index
    %swap3A_76 = vector.load %arg13[%swap3A, %swap3A_75] : memref<1x1xf32, #tpu.memory_space<vmem>>, vector<1x1xf32>
    tpu.vector_store %arg13[%swap3A, %swap3A_75], %add3A_74 {strides = array<i32>} : memref<1x1xf32, #tpu.memory_space<vmem>>, vector<1x1xf32>,
    return
  }
  func.func @transform_0(%arg0: i32) -> (i32, i32) {
    %c0_i32 = arith.constant 0 : i32
    %c0_i32_0 = arith.constant 0 : i32
    return %arg0, %c0_i32 : i32, i32
  }
  func.func @transform_1(%arg0: i32) -> (i32, i32) {
    %c0_i32 = arith.constant 0 : i32
    %c0_i32_0 = arith.constant 0 : i32
    return %arg0, %c0_i32 : i32, i32
  }
  func.func @transform_2(%arg0: i32) -> (i32, i32) {
    %c0_i32 = arith.constant 0 : i32
    %c0_i32_0 = arith.constant 0 : i32
    return %arg0, %c0_i32 : i32, i32
  }
  func.func @transform_3(%arg0: i32) -> (i32, i32) {
    %c0_i32 = arith.constant 0 : i32
    %c0_i32_0 = arith.constant 0 : i32
    return %arg0, %c0_i32 : i32, i32
  }
  func.func @transform_4(%arg0: i32) -> (i32, i32) {
    %c0_i32 = arith.constant 0 : i32
    %c0_i32_0 = arith.constant 0 : i32
    return %arg0, %c0_i32 : i32, i32
  }
  func.func @transform_5(%arg0: i32) -> (i32, i32) {
    %c0_i32 = arith.constant 0 : i32
    %c0_i32_0 = arith.constant 0 : i32
    return %arg0, %c0_i32 : i32, i32
  }
  func.func @transform_6(%arg0: i32) -> (i32, i32) {
    %c0_i32 = arith.constant 0 : i32
    %c0_i32_0 = arith.constant 0 : i32
    %c0_i32_1 = arith.constant 0 : i32
    return %c0_i32, %c0_i32_0 : i32, i32
  }
  func.func @transform_7(%arg0: i32) -> (i32, i32) {
    %c0_i32 = arith.constant 0 : i32
    %c0_i32_0 = arith.constant 0 : i32
    %c0_i32_1 = arith.constant 0 : i32
    return %c0_i32, %c0_i32_0 : i32, i32
  }
  func.func @transform_8(%arg0: i32) -> (i32, i32) {
    %c0_i32 = arith.constant 0 : i32
    %c0_i32_0 = arith.constant 0 : i32
    %c0_i32_1 = arith.constant 0 : i32
    return %c0_i32, %c0_i32_0 : i32, i32
  }
  func.func @transform_9(%arg0: i32) -> (i32, i32) {
    %c0_i32 = arith.constant 0 : i32
    %c0_i32_0 = arith.constant 0 : i32
    %c0_i32_1 = arith.constant 0 : i32
    return %c0_i32, %c0_i32_0 : i32, i32
  }
  func.func @transform_10(%arg0: i32) -> (i32, i32) {
    %c0_i32 = arith.constant 0 : i32
    %c0_i32_0 = arith.constant 0 : i32
    %c0_i32_1 = arith.constant 0 : i32
    return %c0_i32, %c0_i32_0 : i32, i32
  }
  func.func @transform_11(%arg0: i32) -> (i32, i32) {
    %c0_i32 = arith.constant 0 : i32
    %c0_i32_0 = arith.constant 0 : i32
    %c0_i32_1 = arith.constant 0 : i32
    return %c0_i32, %c0_i32_0 : i32, i32
  }
  func.func @transform_12(%arg0: i32) -> (i32, i32) {
    %c0_i32 = arith.constant 0 : i32
    %c0_i32_0 = arith.constant 0 : i32
    %c0_i32_1 = arith.constant 0 : i32
    return %c0_i32, %c0_i32_0 : i32, i32
  }
}

</mosaic_0001>

<sc_bundles>
// kernel: kernel.10.cloned.1.call-start
scs
__scs_entry_jumppad:
0x0: {  	(pc) =	sbr.rel $0x88, $3  }
0x1: {  	(tag) =	ssettag $0x0;
	lr =	simm.s32 $0x1  }
0x2: {  	[smem:$0x3F77] =	sst lr;
	_ =	strace $0xD0000000  }
0x3: {  	_ = 	snop  }
0x4: {  	_ = 	snop  }
0x5: {  	_ = 	snop  }
0x6: {  	_ = 	snop  }
0x7: {  	_ = 	snop  }
__scs_overlays_trampoline_lowered:
0x8: {  	[smem:$0x3F86] =	sst s0  }
0x9: {  	[smem:$0x3F87] =	sst s1  }
0xa: {  	[smem:$0x3F88] =	sst s2  }
0xb: {  	[smem:$0x3F89] =	sst s3  }
0xc: {  	[smem:$0x3F8A] =	sst s4  }
0xd: {  	[smem:$0x3F8B] =	sst s5  }
0xe: {  	[smem:$0x3F8C] =	sst s6  }
0xf: {  	[smem:$0x3F8D] =	sst s7  }
0x10: {  	[smem:$0x3F8E] =	sst s8  }
0x11: {  	[smem:$0x3F8F] =	sst s9;
	s0 =	simm.s32 @!p0 $0x0  }
0x12: {  	s1 =	sld [smem:$0x3F75];
	s0 =	simm.s32 @p0 $0x1  }
0x13: {  	[smem:$0x3F90] =	sst s0;
	s0 =	simm.s32 @!p1 $0x0  }
0x14: {  	s2 =	sld [smem:$0x3F74];
	s0 =	simm.s32 @p1 $0x1  }
0x15: {  	[smem:$0x3F91] =	sst s0;
	s0 =	simm.s32 @!p2 $0x0  }
0x16: {  	s3 =	sld [smem:$0x3FDB];
	s0 =	simm.s32 @p2 $0x1  }
0x17: {  	s4 =	simm.s32 $0x1BF5;
	[smem:$0x3F93] =	sst s0  }
0x18: {  	s0 =	sld [smem:$0x3F76];
	_ =	swait.ge [sflag:s4], $0x0  }
0x19: {  	s7 =	sld [smem:$0x3F77]  }
0x1a: {  	s8 =	sadd.s32 $0xFFFFE003, lr  }
0x1b: {  	s9 =	sadd.s32 $0xFFFFFEF7, lr;
	s5 =	simm.s32 $0xFFFFFFFF;
	p2 =	slt.u32 s8, $0xFFFFF086  }
0x1c: {  	p1 =	slt.u32 s9, $0xF7A;
	s5 =	simm.s32 @!p2 $0x0  }
0x1d: {  	s5 =	simm.s32 @p1 $0x1;
	p0 =	seq.s32 s7, s2  }
0x1e: {  	s7 =	smul.u32 @!p0 $0xF7A, s2;
	p2 =	seq.s32 @!p0 s5, $0x0  }
0x1f: {  	s9 =	smul.u32 $0xF7A, s1;
	s8 =	simm.s32 @!p0 $0x1BF5;
	p2 =	por !p2, p0  }
0x20: {  	[sflag:s8] =	ssyncset.s32 @!p0 $0xFFFFF086;
	s6 =	sadd.s32 @!p0 s3, s7;
	s7 =	simm.s32 @!p0 $0x108  }
0x21: {  	s3 =	sadd.s32 s3, s9;
	s6 =	sadd.s32 @!p0 $0x88, s6;
	s7 =	simm.s32 @p2 $0x1082  }
0x22: {  	[simem:s7], [sflag:s8] =	dma.local @!p0 [hbm:s6], $0xF7A  }
0x23: {  	s9 =	sor.u32 $0xD0000000, s2;
	s6 =	simm.s32 $0x108;
	_ =	swait.ge @!p0 [sflag:s8], $0x0  }
0x24: {  	s3 =	sadd.s32 $0x88, s3;
	s6 =	simm.s32 @!p1 $0x1082;
	[sflag:s4] =	ssyncset.s32 $0xFFFFF086  }
0x25: {  	[simem:s6], [sflag:s4] =	dma.local [hbm:s3], $0xF7A  }
0x26: {  	[smem:$0x3F77] =	sst s1;
	(tag) =	ssettag s2;
	_ =	strace s9  }
0x27: {  	s1 =	sld [smem:$0x3F87]  }
0x28: {  	s2 =	sld [smem:$0x3F88]  }
0x29: {  	s4 =	sld [smem:$0x3F8A]  }
0x2a: {  	p0 =	seq.s32 s5, $0x0;
	s5 =	sld [smem:$0x3F8B]  }
0x2b: {  	s6 =	sld [smem:$0x3F8C]  }
0x2c: {  	s7 =	sld [smem:$0x3F8D]  }
0x2d: {  	s3 =	simm.s32 $0x108;
	s8 =	sld [smem:$0x3F8E]  }
0x2e: {  	s3 =	simm.s32 @!p0 $0x1082;
	s9 =	sld [smem:$0x3F8F]  }
0x2f: {  	lr =	sadd.s32 s0, s3;
	s0 =	sld [smem:$0x3F86]  }
0x30: {  	s3 =	sld [smem:$0x3F89]  }
0x31: {  	[smem:$0x3F92] =	sst s10  }
0x32: {  	s10 =	sld [smem:$0x3F90];
	_ =	sdelay $0x3  }
0x33: {  	p0 =	seq.s32 s10, $0x1;
	s10 =	sld [smem:$0x3F92];
	_ =	sdelay $0x3  }
0x34: {  	[smem:$0x3F92] =	sst s10  }
0x35: {  	s10 =	sld [smem:$0x3F91];
	_ =	sdelay $0x3  }
0x36: {  	p1 =	seq.s32 s10, $0x1;
	s10 =	sld [smem:$0x3F92];
	_ =	sdelay $0x3  }
0x37: {  	[smem:$0x3F92] =	sst s10  }
0x38: {  	s10 =	sld [smem:$0x3F93]  }
0x39: {  	_ = 	snop;
	(pc) =	sbr.ind lr, $3  }
0x3a: {  	_ = 	snop  }
0x3b: {  	_ = 	snop  }
0x3c: {  	p2 =	seq.s32 s10, $0x1;
	s10 =	sld [smem:$0x3F92]  }
0x3d: {  	_ =	shalt  }
0x3e: {  	_ =	shalt  }
0x3f: {  	_ =	shalt  }
0x40: {  	_ =	shalt  }
0x41: {  	_ =	shalt  }
0x42: {  	_ =	shalt  }
0x43: {  	_ =	shalt  }
0x44: {  	_ =	shalt  }
0x45: {  	_ =	shalt  }
0x46: {  	_ =	shalt  }
0x47: {  	_ =	shalt  }
0x48: {  	_ =	shalt  }
0x49: {  	_ =	shalt  }
0x4a: {  	_ =	shalt  }
0x4b: {  	_ =	shalt  }
0x4c: {  	_ =	shalt  }
0x4d: {  	_ =	shalt  }
0x4e: {  	_ =	shalt  }
0x4f: {  	_ =	shalt  }
0x50: {  	_ =	shalt  }
0x51: {  	_ =	shalt  }
0x52: {  	_ =	shalt  }
0x53: {  	_ =	shalt  }
0x54: {  	_ =	shalt  }
0x55: {  	_ =	shalt  }
0x56: {  	_ =	shalt  }
0x57: {  	_ =	shalt  }
0x58: {  	_ =	shalt  }
0x59: {  	_ =	shalt  }
0x5a: {  	_ =	shalt  }
0x5b: {  	_ =	shalt  }
0x5c: {  	_ =	shalt  }
0x5d: {  	_ =	shalt  }
0x5e: {  	_ =	shalt  }
0x5f: {  	_ =	shalt  }
0x60: {  	_ =	shalt  }
0x61: {  	_ =	shalt  }
0x62: {  	_ =	shalt  }
0x63: {  	_ =	shalt  }
0x64: {  	_ =	shalt  }
0x65: {  	_ =	shalt  }
0x66: {  	_ =	shalt  }
0x67: {  	_ =	shalt  }
0x68: {  	_ =	shalt  }
0x69: {  	_ =	shalt  }
0x6a: {  	_ =	shalt  }
0x6b: {  	_ =	shalt  }
0x6c: {  	_ =	shalt  }
0x6d: {  	_ =	shalt  }
0x6e: {  	_ =	shalt  }
0x6f: {  	_ =	shalt  }
0x70: {  	_ =	shalt  }
0x71: {  	_ =	shalt  }
0x72: {  	_ =	shalt  }
0x73: {  	_ =	shalt  }
0x74: {  	_ =	shalt  }
0x75: {  	_ =	shalt  }
0x76: {  	_ =	shalt  }
0x77: {  	_ =	shalt  }
0x78: {  	_ =	shalt  }
0x79: {  	_ =	shalt  }
0x7a: {  	_ =	shalt  }
0x7b: {  	_ =	shalt  }
0x7c: {  	_ =	shalt  }
0x7d: {  	_ =	shalt  }
0x7e: {  	_ =	shalt  }
0x7f: {  	_ =	shalt  }
0x80: {  	_ =	shalt  }
0x81: {  	_ =	shalt  }
0x82: {  	_ =	shalt  }
0x83: {  	_ =	shalt  }
0x84: {  	_ =	shalt  }
0x85: {  	_ =	shalt  }
0x86: {  	_ =	shalt  }
0x87: {  	_ =	shalt  }
.Lfunc_end0:
.L_simem_size_0:
called_computation_lowered:
.L_overlay_start_0:
0x88: {  	s2 =	sld [smem:$0x3FD9]  }
0x89: {  	s3 =	sld [smem:$0x3FFE];
	_ =	sdelay $0x1  }
0x8a: {  	s1 =	srdreg.scid  }
0x8b: {  	s0 =	sand.u32 $0x1, s1  }
0x8c: {  	s17 =	sshll.u32 s0, $0xA;
	s2 =	sadd.s32 s3, s2  }
0x8d: {  	s2 =	sadd.s32 s2, s17  }
0x8e: {  	[smem:$0x3F9E] =	sst s2  }
0x8f: {  	_ = 	snop  }
0x90: {  	(tm) =	ssettm $0x1  }
0x91: {  	s18 =	sld [smem:$0x3FFB];
	_ =	sdelay $0x3  }
0x92: {  	_ =	strace s18  }
0x93: {  	s2 =	sld [smem:$0x3FFC];
	_ =	sdelay $0x3  }
0x94: {  	_ =	strace s2  }
0x95: {  	s2 =	sld [smem:$0x3FFD];
	_ =	sdelay $0x3  }
0x96: {  	_ =	strace s2  }
0x97: {  	_ =	strace $0x8FFFFFFF  }
0x98: {  	s19 =	sld [smem:$0x3FDB];
	_ =	sdelay $0x1  }
0x99: {  	s20 =	simm.s32 $_scs_section_size  }
0x9a: {  	s4 =	simm.s32 $_size__tile_overlayer_lowered;
	s5 =	simm.s32 $_tile_overlayer_lowered  }
0x9b: {  	s6 =	simm.s32 $0x1BFF;
	s21 =	sshll.u32 s5, $0x1;
	s3 =	sadd.s32 s20, s19  }
0x9c: {  	s22 =	simm.s32 $0x0;
	s4 =	sshll.u32 s4, $0x1;
	s5 =	sadd.s32 s21, s3  }
0x9d: {  	[timem:s22], [sflag:s6] =	dma.local [hbm:s5], s4  }
0x9e: {  	_ =	swait.ge [sflag:s6], s4  }
0x9f: {  	s4 =	ssub.s32 $0x0, s4;
	[sflag:s6] =	ssyncset.done $0x0  }
0xa0: {  	[sflag:s6] =	ssyncadd.s32 s4;
	_ =	sdelay $0x1  }
0xa1: {  	s23 =	simm.s32 $0x1B8B  }
0xa2: {  	_ =	swait.ge [sflag:s23], $0x1  }
0xa3: {  	[sflag:s23] =	ssyncset.done $0x0  }
0xa4: {  	[sflag:s23] =	ssyncadd.s32 $0xFFFFFFFF  }
0xa5: {  	s4 =	sld [smem:$0x0]  }
0xa6: {  	s5 =	sand.u32 $0xFFFFFFFE, s1  }
0xa7: {  	p0 =	sne.s32 s1, s5  }
0xa8: {  	s5 =	sshll.u32 @p0 s5, $0xE  }
0xa9: {  	s5 =	sadd.s32 @p0 $0x11B8D, s5;
	s6 =	sshll.u32 @p0 s4, $0x11  }
0xaa: {  	s5 =	sor.u32 @p0 s6, s5  }
0xab: {  	[sflag:s5] =	ssyncadd.remote.s32 @p0 $0x1;
	_ =	sdelay $0x1  }
0xac: {  	s5 =	simm.s32 @p0 $0x1B8D  }
0xad: {  	_ =	swait.eq @p0 [sflag:s5], $0x1  }
0xae: {  	[sflag:s5] =	ssyncadd.s32 @p0 $0xFFFFFFFF  }
0xaf: {  	s6 =	sshll.u32 @!p0 s1, $0xE  }
0xb0: {  	s6 =	sor.u32 @!p0 $0x4000, s6;
	s5 =	simm.s32 @!p0 $0x1B8D  }
0xb1: {  	s4 =	sshll.u32 @!p0 s4, $0x11;
	s6 =	sadd.s32 @!p0 $0x11B8D, s6;
	_ =	swait.eq @!p0 [sflag:s5], $0x1  }
0xb2: {  	s4 =	sor.u32 @!p0 s4, s6;
	[sflag:s5] =	ssyncadd.s32 @!p0 $0xFFFFFFFF  }
0xb3: {  	s25 =	simm.s32 $0x1B8E;
	s24 =	sld [smem:$0x3FFE];
	[sflag:s4] =	ssyncadd.remote.s32 @!p0 $0x1  }
0xb4: {  	s26 =	simm.s32 $execute0_lowered;
	[smem:$0x3FD2] =	sst s25  }
0xb5: {  	s5 =	sshll.u32 s26, $0x1;
	_ =	strace $0x8000004C;
	[dreg:$0x1] =	wrdreg $0xFFFFFFFF  }
0xb6: {  	s28 =	simm.s32 $_size_execute0_lowered;
	s3 =	sadd.s32 s3, s5;
	[dreg:$0x0] =	wrdreg $0x0  }
0xb7: {  	s5 =	sshll.u32 s28, $0x1;
	[dreg:$0x2] =	wrdreg s3  }
0xb8: {  	[dreg:$0x3] =	wrdreg s5  }
0xb9: {  	[dreg:$0x4] =	wrdreg $0xC0  }
0xba: {  	_ =	task [dreg:s22], $0x5FFFF  }
0xbb: {  	[dreg:$0x1] =	wrdreg $0xFFFFFFFF  }
0xbc: {  	[dreg:$0x0] =	wrdreg $0x60  }
0xbd: {  	[dreg:$0x2] =	wrdreg s24  }
0xbe: {  	[dreg:$0x3] =	wrdreg $0x9  }
0xbf: {  	_ =	task.clear_ibuf [dreg:s22], $0x4FFFF;
	_ =	strace $0x9000004C  }
0xc0: {  	s29 =	simm.s32 $0x9;
	_ =	strace $0x8000004E  }
0xc1: {  	_ =	swait.ge [sflag:s29], $0x1  }
0xc2: {  	[sflag:s29] =	ssyncadd.s32 $0xFFFFFFFF  }
0xc3: {  	_ =	strace $0x9000004E  }
0xc4: {  	_ =	sfence  }
0xc5: {  	s30 =	sld [smem:$0x0];
	_ =	sdelay $0x2  }
0xc6: {  	s31 =	sshll.u32 s1, $0xD;
	s1 =	sshrl.u32 s1, $0x2  }
0xc7: {  	s4 =	sand.u32 $0x4000, s31;
	s1 =	sadd.s32 s1, s30  }
0xc8: {  	s0 =	sor.u32 s4, s0;
	s1 =	sshll.u32 s1, $0x11  }
0xc9: {  	s0 =	sor.u32 s1, s0  }
0xca: {  	s0 =	sadd.s32 $0x8F2B, s0  }
0xcb: {  	[sflag:s0] =	ssyncadd.remote.s32 $0x1  }
0xcc: {  	_ =	sfence.sel $0xFFFF  }
0xcd: {  	[dreg:$0x0] =	wrdreg $0xFFFFFFFF;
	(pc) =	sbr.abs _section_cstart, $3  }
0xce: {  	[dreg:$0x1] =	wrdreg $0xFFFFFFFF  }
0xcf: {  	_ =	task.clear_ibuf [dreg:s22], $0x2FFFF;
	_ =	strace $0x9FFFFFFF  }
0xd0: {  	(tm) =	ssettm $0x7FFFFFFF  }
0xd1: {  	_ =	shalt  }
tec
execute0_lowered:
.L_overlay_start_1:
0x0: {  	(tag) =	ssettag $0x1  }
0x1: {  	s0 =	rddreg [dreg:$0x0]  }
0x2: {  	s1 =	srdreg.scid;
	s3 =	stileid.u32  }
0x3: {  	s2 =	simm.s32 $0x0;
	s16 =	simm.s32 $0x1;
	s17 =	simm.s32 $0x80  }
0x4: {  	s18 =	simm.s32 $0x180;
	s19 =	simm.s32 $0x980;
	s20 =	simm.s32 $0x100  }
0x5: {  	s28 =	simm.s32 $0xA;
	s30 =	simm.s32 $0x19A8;
	s31 =	simm.s32 $0x7  }
0x6: {  	s29 =	simm.s32 $0x0;
	s1 =	sand.u32 $0x1, s1;
	s3 =	sshll.u32 s3, $0x1  }
0x7: {  	[smem:$0x7FF] =	sst s2;
	s5 =	sadd.s32 $0x7E00, s0;
	s6 =	sadd.s32 $0x73000, s0  }
0x8: {  	s7 =	sor.u32 s1, s3;
	_ =	strace $0x8000004D;
	s21 =	ssub.s32 $0x2, s1  }
0x9: {  	s3 =	sadd.s32 $0x4CD000, s0;
	s4 =	smul.u32 $0x61A8, s7;
	s1 =	sshrl.u32 s21, $0x1  }
0xa: {  	s7 =	smul.u32 $0x61A80, s7;
	s0 =	ssub.s32 s21, s1;
	s21 =	simm.s32 $0x4  }
0xb: {  	s8 =	sshrl.u32 s4, $0x3;
	s9 =	sadd.s32 $0xFFFFF80, s4;
	s10 =	sadd.s32 $0x100, s4  }
0xc: {  	s23 =	sshrl.u32 s7, $0x3;
	s11 =	sadd.s32 $0x180, s4;
	s24 =	sadd.s32 $0x6180, s4  }
0xd: {  	s0 =	smax.u32 s0, $0x1;
	s22 =	sadd.s32 s5, s8;
	s8 =	sadd.s32 $0x80, s4  }
0xe: {  	s1 =	sadd.s32 s6, s23;
	s25 =	sshrl.u32 s24, $0x3;
	s7 =	sshll.u32 s24, $0x1  }
.Ltmp0:
0xf: {  	[dreg:$0x6] =	wrdreg s0;
	s23 =	simm.s32 $0x1180;
	(pc) =	sbr.rel .LBB2_1-.Ltmp0, $4  }
0x10: {  	s24 =	simm.s32 $0x5;
	[dreg:$0x2] =	wrdreg s22;
	s1 =	sadd.s32 $0xC200, s1  }
0x11: {  	s0 =	simm.s32 $0x8;
	s26 =	sadd.s32 s6, s7;
	[dreg:$0x3] =	wrdreg s1  }
0x12: {  	s22 =	simm.s32 $0x3;
	s1 =	sadd.s32 s5, s25;
	[dreg:$0x5] =	wrdreg s26  }
0x13: {  	s25 =	simm.s32 $0x6;
	[dreg:$0x4] =	wrdreg s1;
	s1 =	simm.s32 $0x9  }
.LBB2_8:
0x14: {  	_ =	swait.ge [sflag:s25], $0x800  }
0x15: {  	[sflag:s25] =	ssyncset.done $0x0  }
0x16: {  	s7 =	rddreg [dreg:$0x3];
	[sflag:s25] =	ssyncadd.s32 $0xFFFFF800  }
0x17: {  	[hbm4b:s7+s2] =	stream.linear.scatter [tilespmem:s23], [sflag:$0x9], $0x800, $0x38;
	[tilespmem:$0x1C28] =	vst v63  }
0x18: {  	s12 =	simm.s32 $0x1980;
	s13 =	rddreg [dreg:$0x4]  }
0x19: {  	[tilespmem:s12], [sflag:$0xA] =	stream.linear.gather [hbm4b:s13+s2], $0x28, $0x38;
	[tilespmem:$0x1C28] =	vst v63  }
0x1a: {  	_ =	swait.ge [sflag:s28], $0x28  }
0x1b: {  	[sflag:s28] =	ssyncset.done $0x0  }
0x1c: {  	s14 =	simm.s32 $0x28;
	[sflag:s28] =	ssyncadd.s32 $0xFFFFFFD8  }
0x1d: {  	[tilespmem:s30], [sflag:$0x4] =	stream.indirect.gather [hbm4b:s3+s14], $0x10, s12, s14, $0xb8;
	[tilespmem:$0x1C28] =	vst v63  }
0x1e: {  	_ =	swait.ge [sflag:s21], $0x280  }
0x1f: {  	[sflag:s21] =	ssyncset.done $0x0  }
0x20: {  	s15 =	rddreg [dreg:$0x5];
	[sflag:s21] =	ssyncadd.s32 $0xFFFFFD80  }
0x21: {  	[hbm4b:s15+s2] =	stream.linear.scatter [tilespmem:s30], [sflag:$0xA], $0x280, $0x38;
	[tilespmem:$0x1C28] =	vst v63  }
0x22: {  	_ =	swait.ge [sflag:s28], $0x280  }
0x23: {  	[sflag:s28] =	ssyncset.done $0x0  }
0x24: {  	[sflag:s28] =	ssyncadd.s32 $0xFFFFFD80  }
0x25: {  	_ =	swait.ge [sflag:s31], $0x800  }
0x26: {  	[sflag:s31] =	ssyncset.done $0x0  }
0x27: {  	[sflag:s31] =	ssyncadd.s32 $0xFFFFF800  }
0x28: {  	_ =	swait.ge [sflag:s0], $0x800  }
0x29: {  	[sflag:s0] =	ssyncset.done $0x0  }
0x2a: {  	[sflag:s0] =	ssyncadd.s32 $0xFFFFF800  }
0x2b: {  	_ =	swait.ge [sflag:s1], $0x800  }
0x2c: {  	s29 =	sadd.s32 $0x1, s29;
	s26 =	rddreg [dreg:$0x6]  }
0x2d: {  	p0 =	sne.s32 s29, s26  }
.Ltmp1:
0x2e: {  	_ = 	snop;
	(pc) =	sbr.rel @!p0 .LBB2_9-.Ltmp1, $3  }
0x2f: {  	_ =	sdelay $0x1  }
0x30: {  	[sflag:s1] =	ssyncset.done $0x0  }
0x31: {  	[sflag:s1] =	ssyncadd.s32 $0xFFFFF800  }
.LBB2_1:
.Ltmp2:
0x32: {  	(pc) =	sbr.rel .LBB2_2-.Ltmp2, $3  }
0x33: {  	_ =	sdelay $0x1  }
0x34: {  	s7 =	rddreg [dreg:$0x2];
	s14 =	simm.s32 $0x0  }
0x35: {  	[tilespmem:s2], [sflag:$0x1] =	stream.linear.gather [hbm4b:s7+s2], $0x80, $0x38;
	[tilespmem:$0x1C28] =	vst v63  }
.LBB2_3:
0x36: {  	[tilespmem:s23], [sflag:$0x6] =	stream.indirect.gather [hbm4b:s3+s17], $0x10, s20, s17, $0xb8;
	[tilespmem:$0x1C28] =	vst v63  }
0x37: {  	s7 =	simm.s32 $0x1  }
.LBB2_6:
0x38: {  	s13 =	sadd.s32 s13, s11  }
0x39: {  	s13 =	sshrl.u32 s13, $0x3  }
0x3a: {  	s13 =	sadd.s32 s5, s13  }
0x3b: {  	[tilespmem:s2], [sflag:$0x1] =	stream.linear.gather [hbm4b:s13+s2], $0x80, $0x38;
	[tilespmem:$0x1C28] =	vst v63  }
.LBB2_7:
0x3c: {  	p0 =	slt.u32 s7, $0x41  }
.Ltmp3:
0x3d: {  	_ = 	snop;
	(pc) =	sbr.rel @!p0 .LBB2_8-.Ltmp3, $4  }
0x3e: {  	_ =	swait.ge [sflag:s24], $0x800;
	s12 =	sshll.u32 s12, $0x1  }
0x3f: {  	[sflag:s24] =	ssyncset.done $0x0;
	s12 =	sand.u32 $0x1FFFFFF0, s12  }
0x40: {  	s14 =	smov.u32 s7;
	[sflag:s24] =	ssyncadd.s32 $0xFFFFF800;
	s12 =	sadd.s32 s6, s12  }
0x41: {  	[hbm4b:s12+s2] =	stream.linear.scatter [tilespmem:s19], [sflag:$0x8], $0x800, $0x38;
	[tilespmem:$0x1C28] =	vst v63  }
.LBB2_2:
0x42: {  	_ =	swait.ge [sflag:s16], $0x80  }
0x43: {  	p0 =	seq.s32 s14, $0x0;
	[sflag:s16] =	ssyncset.done $0x0  }
0x44: {  	s13 =	smul.u32 $0x180, s14;
	s7 =	simm.s32 @!p0 $0x7;
	[sflag:s16] =	ssyncadd.s32 $0xFFFFFF80  }
0x45: {  	_ =	swait.ge @!p0 [sflag:s7], $0x800  }
0x46: {  	s12 =	sadd.s32 s13, s8;
	[sflag:s7] =	ssyncset.done @!p0 $0x0  }
0x47: {  	s26 =	sshrl.u32 s12, $0x3;
	[sflag:s7] =	ssyncadd.s32 @!p0 $0xFFFFF800  }
0x48: {  	[tilespmem:s18], [sflag:$0x4] =	stream.indirect.gather [hbm4b:s3+s17], $0x10, s2, s17, $0xb8;
	[tilespmem:$0x1C28] =	vst v63  }
0x49: {  	s7 =	sadd.s32 s5, s26  }
0x4a: {  	[tilespmem:s17], [sflag:$0x2] =	stream.linear.gather [hbm4b:s7+s2], $0x80, $0x38;
	[tilespmem:$0x1C28] =	vst v63  }
0x4b: {  	s7 =	simm.s32 @p0 $0x2  }
0x4c: {  	_ =	swait.ge @p0 [sflag:s7], $0x80  }
0x4d: {  	[sflag:s7] =	ssyncset.done @p0 $0x0  }
0x4e: {  	[sflag:s7] =	ssyncadd.s32 @p0 $0xFFFFFF80;
	s7 =	simm.s32 @!p0 $0x6  }
0x4f: {  	s15 =	sadd.s32 @!p0 s13, s9;
	_ =	swait.ge @!p0 [sflag:s7], $0x800  }
0x50: {  	s15 =	sshll.u32 @!p0 s15, $0x1;
	[sflag:s7] =	ssyncset.done @!p0 $0x0  }
0x51: {  	[sflag:s7] =	ssyncadd.s32 @!p0 $0xFFFFF800;
	s7 =	sand.u32 @!p0 $0x1FFFFFF0, s15  }
0x52: {  	s26 =	simm.s32 @!p0 $0x1180;
	s15 =	simm.s32 @!p0 $0x0;
	s7 =	sadd.s32 @!p0 s6, s7  }
0x53: {  	[hbm4b:s7+s15] =	stream.linear.scatter @!p0 [tilespmem:s26], [sflag:$0x9], $0x800, $0x38;
	[tilespmem:$0x1C28] =	vst v63  }
0x54: {  	s7 =	simm.s32 @!p0 $0x2  }
0x55: {  	_ =	swait.ge @!p0 [sflag:s7], $0x80  }
0x56: {  	[sflag:s7] =	ssyncset.done @!p0 $0x0  }
0x57: {  	[sflag:s7] =	ssyncadd.s32 @!p0 $0xFFFFFF80;
	s7 =	simm.s32 @!p0 $0x8  }
0x58: {  	_ =	swait.ge @!p0 [sflag:s7], $0x800  }
0x59: {  	s15 =	sadd.s32 s13, s10;
	[sflag:s7] =	ssyncset.done @!p0 $0x0  }
0x5a: {  	[sflag:s7] =	ssyncadd.s32 @!p0 $0xFFFFF800;
	s7 =	sshrl.u32 s15, $0x3  }
0x5b: {  	[tilespmem:s19], [sflag:$0x5] =	stream.indirect.gather [hbm4b:s3+s17], $0x10, s17, s17, $0xb8;
	[tilespmem:$0x1C28] =	vst v63  }
0x5c: {  	s26 =	sadd.s32 s4, s13;
	s7 =	sadd.s32 s5, s7  }
0x5d: {  	[tilespmem:s20], [sflag:$0x3] =	stream.linear.gather [hbm4b:s7+s2], $0x80, $0x38;
	[tilespmem:$0x1C28] =	vst v63  }
0x5e: {  	s7 =	sshll.u32 s26, $0x1;
	_ =	swait.ge [sflag:s21], $0x800  }
0x5f: {  	p0 =	sne.s32 s14, $0x0;
	s7 =	sand.u32 $0x1FFFFFF0, s7;
	[sflag:s21] =	ssyncset.done $0x0  }
.Ltmp4:
0x60: {  	s7 =	sadd.s32 s6, s7;
	[sflag:s21] =	ssyncadd.s32 $0xFFFFF800;
	(pc) =	sbr.rel @!p0 .LBB2_3-.Ltmp4, $4  }
0x61: {  	[hbm4b:s7+s2] =	stream.linear.scatter [tilespmem:s18], [sflag:$0x7], $0x800, $0x38;
	[tilespmem:$0x1C28] =	vst v63  }
0x62: {  	_ =	swait.ge [sflag:s22], $0x80  }
0x63: {  	[sflag:s22] =	ssyncset.done $0x0  }
0x64: {  	[sflag:s22] =	ssyncadd.s32 $0xFFFFFF80  }
0x65: {  	p0 =	seq.s32 s14, $0x40  }
.Ltmp5:
0x66: {  	_ = 	snop;
	(pc) =	sbr.rel @p0 .LBB2_7-.Ltmp5, $4  }
0x67: {  	_ =	swait.ge [sflag:s1], $0x800  }
0x68: {  	[sflag:s1] =	ssyncset.done $0x0  }
0x69: {  	s7 =	simm.s32 $0x41;
	[sflag:s1] =	ssyncadd.s32 $0xFFFFF800  }
0x6a: {  	[tilespmem:s23], [sflag:$0x6] =	stream.indirect.gather [hbm4b:s3+s17], $0x10, s20, s17, $0xb8;
	[tilespmem:$0x1C28] =	vst v63  }
.Ltmp6:
0x6b: {  	(pc) =	sbr.rel .LBB2_6-.Ltmp6, $2  }
0x6c: {  	_ =	sdelay $0x2  }
0x6d: {  	s7 =	sadd.s32 $0x1, s14  }
.LBB2_9:
0x6e: {  	_ =	sfence.sel $0x180000  }
0x6f: {  	[bflag:$0x0] =	sbarrier.arrive $0xFFFF  }
0x70: {  	_ =	strace $0x9000004D  }
0x71: {  	s0 =	stileid.u32;
	[bflag:$0x2] =	sbarrier.arrive $0xFFFF  }
0x72: {  	p0 =	sne.s32 s0, $0x0;
	s0 =	rddreg [dreg:$0x1]  }
0x73: {  	s0 =	sadd.s32 @!p0 $0x100000, s0  }
0x74: {  	[sflag:s0] =	ssyncadd.tile.s32 @!p0 $0x1;
	_ =	shalt  }
.Lfunc_end2:
_tile_overlayer_lowered:
.L_overlay_start_2:
0x75: {  	(tag) =	ssettag $0x2  }
0x76: {  	s0 =	rddreg [dreg:$0x0];
	s2 =	stileid.u32  }
0x77: {  	s1 =	rddreg [dreg:$0x1];
	p0 =	sne.s32 s2, $0x0  }
0x78: {  	s3 =	rddreg [dreg:$0x2];
	[bflag:$0x3] =	sbarrier.arrive $0xFFFF;
	s2 =	simm.s32 @!p0 $0x1C0A  }
0x79: {  	[timem:s3], [sflag:s2] =	dma.local @!p0 [hbm:s0], s1  }
0x7a: {  	s0 =	simm.s32 @!p0 $0xA  }
0x7b: {  	_ =	swait.ge @!p0 [sflag:s0], s1  }
0x7c: {  	s1 =	ssub.s32 @!p0 $0x0, s1;
	[sflag:s0] =	ssyncset.done @!p0 $0x0  }
0x7d: {  	[sflag:s0] =	ssyncadd.s32 @!p0 s1  }
0x7e: {  	[bflag:$0x3] =	sbarrier.arrive $0xFFFF  }
0x7f: {  	_ =	shalt  }

// kernel: kernel.13.cloned.1.call-start
scs
__scs_entry_jumppad:
0x0: {  	(pc) =	sbr.rel $0x88, $3  }
0x1: {  	(tag) =	ssettag $0x0;
	lr =	simm.s32 $0x1  }
0x2: {  	[smem:$0x3F77] =	sst lr;
	_ =	strace $0xD0000000  }
0x3: {  	_ = 	snop  }
0x4: {  	_ = 	snop  }
0x5: {  	_ = 	snop  }
0x6: {  	_ = 	snop  }
0x7: {  	_ = 	snop  }
__scs_overlays_trampoline_lowered:
0x8: {  	[smem:$0x3F86] =	sst s0  }
0x9: {  	[smem:$0x3F87] =	sst s1  }
0xa: {  	[smem:$0x3F88] =	sst s2  }
0xb: {  	[smem:$0x3F89] =	sst s3  }
0xc: {  	[smem:$0x3F8A] =	sst s4  }
0xd: {  	[smem:$0x3F8B] =	sst s5  }
0xe: {  	[smem:$0x3F8C] =	sst s6  }
0xf: {  	[smem:$0x3F8D] =	sst s7  }
0x10: {  	[smem:$0x3F8E] =	sst s8  }
0x11: {  	[smem:$0x3F8F] =	sst s9;
	s0 =	simm.s32 @!p0 $0x0  }
0x12: {  	s1 =	sld [smem:$0x3F75];
	s0 =	simm.s32 @p0 $0x1  }
0x13: {  	[smem:$0x3F90] =	sst s0;
	s0 =	simm.s32 @!p1 $0x0  }
0x14: {  	s2 =	sld [smem:$0x3F74];
	s0 =	simm.s32 @p1 $0x1  }
0x15: {  	[smem:$0x3F91] =	sst s0;
	s0 =	simm.s32 @!p2 $0x0  }
0x16: {  	s3 =	sld [smem:$0x3FDB];
	s0 =	simm.s32 @p2 $0x1  }
0x17: {  	s4 =	simm.s32 $0x1BF5;
	[smem:$0x3F93] =	sst s0  }
0x18: {  	s0 =	sld [smem:$0x3F76];
	_ =	swait.ge [sflag:s4], $0x0  }
0x19: {  	s7 =	sld [smem:$0x3F77]  }
0x1a: {  	s8 =	sadd.s32 $0xFFFFE003, lr  }
0x1b: {  	s9 =	sadd.s32 $0xFFFFFEF7, lr;
	s5 =	simm.s32 $0xFFFFFFFF;
	p2 =	slt.u32 s8, $0xFFFFF086  }
0x1c: {  	p1 =	slt.u32 s9, $0xF7A;
	s5 =	simm.s32 @!p2 $0x0  }
0x1d: {  	s5 =	simm.s32 @p1 $0x1;
	p0 =	seq.s32 s7, s2  }
0x1e: {  	s7 =	smul.u32 @!p0 $0xF7A, s2;
	p2 =	seq.s32 @!p0 s5, $0x0  }
0x1f: {  	s9 =	smul.u32 $0xF7A, s1;
	s8 =	simm.s32 @!p0 $0x1BF5;
	p2 =	por !p2, p0  }
0x20: {  	[sflag:s8] =	ssyncset.s32 @!p0 $0xFFFFF086;
	s6 =	sadd.s32 @!p0 s3, s7;
	s7 =	simm.s32 @!p0 $0x108  }
0x21: {  	s3 =	sadd.s32 s3, s9;
	s6 =	sadd.s32 @!p0 $0x88, s6;
	s7 =	simm.s32 @p2 $0x1082  }
0x22: {  	[simem:s7], [sflag:s8] =	dma.local @!p0 [hbm:s6], $0xF7A  }
0x23: {  	s9 =	sor.u32 $0xD0000000, s2;
	s6 =	simm.s32 $0x108;
	_ =	swait.ge @!p0 [sflag:s8], $0x0  }
0x24: {  	s3 =	sadd.s32 $0x88, s3;
	s6 =	simm.s32 @!p1 $0x1082;
	[sflag:s4] =	ssyncset.s32 $0xFFFFF086  }
0x25: {  	[simem:s6], [sflag:s4] =	dma.local [hbm:s3], $0xF7A  }
0x26: {  	[smem:$0x3F77] =	sst s1;
	(tag) =	ssettag s2;
	_ =	strace s9  }
0x27: {  	s1 =	sld [smem:$0x3F87]  }
0x28: {  	s2 =	sld [smem:$0x3F88]  }
0x29: {  	s4 =	sld [smem:$0x3F8A]  }
0x2a: {  	p0 =	seq.s32 s5, $0x0;
	s5 =	sld [smem:$0x3F8B]  }
0x2b: {  	s6 =	sld [smem:$0x3F8C]  }
0x2c: {  	s7 =	sld [smem:$0x3F8D]  }
0x2d: {  	s3 =	simm.s32 $0x108;
	s8 =	sld [smem:$0x3F8E]  }
0x2e: {  	s3 =	simm.s32 @!p0 $0x1082;
	s9 =	sld [smem:$0x3F8F]  }
0x2f: {  	lr =	sadd.s32 s0, s3;
	s0 =	sld [smem:$0x3F86]  }
0x30: {  	s3 =	sld [smem:$0x3F89]  }
0x31: {  	[smem:$0x3F92] =	sst s10  }
0x32: {  	s10 =	sld [smem:$0x3F90];
	_ =	sdelay $0x3  }
0x33: {  	p0 =	seq.s32 s10, $0x1;
	s10 =	sld [smem:$0x3F92];
	_ =	sdelay $0x3  }
0x34: {  	[smem:$0x3F92] =	sst s10  }
0x35: {  	s10 =	sld [smem:$0x3F91];
	_ =	sdelay $0x3  }
0x36: {  	p1 =	seq.s32 s10, $0x1;
	s10 =	sld [smem:$0x3F92];
	_ =	sdelay $0x3  }
0x37: {  	[smem:$0x3F92] =	sst s10  }
0x38: {  	s10 =	sld [smem:$0x3F93]  }
0x39: {  	_ = 	snop;
	(pc) =	sbr.ind lr, $3  }
0x3a: {  	_ = 	snop  }
0x3b: {  	_ = 	snop  }
0x3c: {  	p2 =	seq.s32 s10, $0x1;
	s10 =	sld [smem:$0x3F92]  }
0x3d: {  	_ =	shalt  }
0x3e: {  	_ =	shalt  }
0x3f: {  	_ =	shalt  }
0x40: {  	_ =	shalt  }
0x41: {  	_ =	shalt  }
0x42: {  	_ =	shalt  }
0x43: {  	_ =	shalt  }
0x44: {  	_ =	shalt  }
0x45: {  	_ =	shalt  }
0x46: {  	_ =	shalt  }
0x47: {  	_ =	shalt  }
0x48: {  	_ =	shalt  }
0x49: {  	_ =	shalt  }
0x4a: {  	_ =	shalt  }
0x4b: {  	_ =	shalt  }
0x4c: {  	_ =	shalt  }
0x4d: {  	_ =	shalt  }
0x4e: {  	_ =	shalt  }
0x4f: {  	_ =	shalt  }
0x50: {  	_ =	shalt  }
0x51: {  	_ =	shalt  }
0x52: {  	_ =	shalt  }
0x53: {  	_ =	shalt  }
0x54: {  	_ =	shalt  }
0x55: {  	_ =	shalt  }
0x56: {  	_ =	shalt  }
0x57: {  	_ =	shalt  }
0x58: {  	_ =	shalt  }
0x59: {  	_ =	shalt  }
0x5a: {  	_ =	shalt  }
0x5b: {  	_ =	shalt  }
0x5c: {  	_ =	shalt  }
0x5d: {  	_ =	shalt  }
0x5e: {  	_ =	shalt  }
0x5f: {  	_ =	shalt  }
0x60: {  	_ =	shalt  }
0x61: {  	_ =	shalt  }
0x62: {  	_ =	shalt  }
0x63: {  	_ =	shalt  }
0x64: {  	_ =	shalt  }
0x65: {  	_ =	shalt  }
0x66: {  	_ =	shalt  }
0x67: {  	_ =	shalt  }
0x68: {  	_ =	shalt  }
0x69: {  	_ =	shalt  }
0x6a: {  	_ =	shalt  }
0x6b: {  	_ =	shalt  }
0x6c: {  	_ =	shalt  }
0x6d: {  	_ =	shalt  }
0x6e: {  	_ =	shalt  }
0x6f: {  	_ =	shalt  }
0x70: {  	_ =	shalt  }
0x71: {  	_ =	shalt  }
0x72: {  	_ =	shalt  }
0x73: {  	_ =	shalt  }
0x74: {  	_ =	shalt  }
0x75: {  	_ =	shalt  }
0x76: {  	_ =	shalt  }
0x77: {  	_ =	shalt  }
0x78: {  	_ =	shalt  }
0x79: {  	_ =	shalt  }
0x7a: {  	_ =	shalt  }
0x7b: {  	_ =	shalt  }
0x7c: {  	_ =	shalt  }
0x7d: {  	_ =	shalt  }
0x7e: {  	_ =	shalt  }
0x7f: {  	_ =	shalt  }
0x80: {  	_ =	shalt  }
0x81: {  	_ =	shalt  }
0x82: {  	_ =	shalt  }
0x83: {  	_ =	shalt  }
0x84: {  	_ =	shalt  }
0x85: {  	_ =	shalt  }
0x86: {  	_ =	shalt  }
0x87: {  	_ =	shalt  }
.Lfunc_end0:
.L_simem_size_0:
called_computation.1_lowered:
.L_overlay_start_0:
0x88: {  	s2 =	sld [smem:$0x3FD9]  }
0x89: {  	s3 =	sld [smem:$0x3FFE];
	_ =	sdelay $0x1  }
0x8a: {  	s1 =	srdreg.scid  }
0x8b: {  	s0 =	sand.u32 $0x1, s1  }
0x8c: {  	s16 =	sshll.u32 s0, $0xA;
	s2 =	sadd.s32 s3, s2  }
0x8d: {  	s2 =	sadd.s32 s2, s16  }
0x8e: {  	[smem:$0x3F9E] =	sst s2  }
0x8f: {  	_ = 	snop  }
0x90: {  	(tm) =	ssettm $0x1  }
0x91: {  	s17 =	sld [smem:$0x3FFB];
	_ =	sdelay $0x3  }
0x92: {  	_ =	strace s17  }
0x93: {  	s2 =	sld [smem:$0x3FFC];
	_ =	sdelay $0x3  }
0x94: {  	_ =	strace s2  }
0x95: {  	s2 =	sld [smem:$0x3FFD];
	_ =	sdelay $0x3  }
0x96: {  	_ =	strace s2  }
0x97: {  	_ =	strace $0x8FFFFFFF  }
0x98: {  	s18 =	sld [smem:$0x3FDB];
	_ =	sdelay $0x1  }
0x99: {  	s19 =	simm.s32 $_scs_section_size  }
0x9a: {  	s4 =	simm.s32 $_size__tile_overlayer_lowered;
	s5 =	simm.s32 $_tile_overlayer_lowered  }
0x9b: {  	s22 =	simm.s32 $0x1BFF;
	s21 =	sshll.u32 s5, $0x1;
	s2 =	sadd.s32 s19, s18  }
0x9c: {  	s6 =	simm.s32 $0x0;
	s20 =	sshll.u32 s4, $0x1;
	s4 =	sadd.s32 s21, s2  }
0x9d: {  	[timem:s6], [sflag:s22] =	dma.local [hbm:s4], s20  }
0x9e: {  	_ =	swait.ge [sflag:s22], s20  }
0x9f: {  	s3 =	ssub.s32 $0x0, s20;
	[sflag:s22] =	ssyncset.done $0x0  }
0xa0: {  	[sflag:s22] =	ssyncadd.s32 s3;
	_ =	sdelay $0x1  }
0xa1: {  	s23 =	simm.s32 $0x1B8B  }
0xa2: {  	_ =	swait.ge [sflag:s23], $0x1  }
0xa3: {  	[sflag:s23] =	ssyncset.done $0x0  }
0xa4: {  	s25 =	simm.s32 $0x1B8E;
	s24 =	sld [smem:$0x3FFE];
	[sflag:s23] =	ssyncadd.s32 $0xFFFFFFFF  }
0xa5: {  	s26 =	simm.s32 $execute0_lowered;
	[smem:$0x3FD2] =	sst s25  }
0xa6: {  	s4 =	sshll.u32 s26, $0x1;
	_ =	strace $0x80000046;
	[dreg:$0x1] =	wrdreg $0xFFFFFFFF  }
0xa7: {  	s28 =	simm.s32 $_size_execute0_lowered;
	s2 =	sadd.s32 s2, s4;
	[dreg:$0x0] =	wrdreg $0x0  }
0xa8: {  	s4 =	sshll.u32 s28, $0x1;
	[dreg:$0x2] =	wrdreg s2  }
0xa9: {  	[dreg:$0x3] =	wrdreg s4  }
0xaa: {  	[dreg:$0x4] =	wrdreg $0xC0  }
0xab: {  	_ =	task [dreg:s6], $0x5FFFF  }
0xac: {  	[dreg:$0x1] =	wrdreg $0xFFFFFFFF  }
0xad: {  	[dreg:$0x0] =	wrdreg $0x60  }
0xae: {  	[dreg:$0x2] =	wrdreg s24  }
0xaf: {  	[dreg:$0x3] =	wrdreg $0x9  }
0xb0: {  	_ =	task.clear_ibuf [dreg:s6], $0x4FFFF;
	_ =	strace $0x90000046  }
0xb1: {  	s29 =	simm.s32 $0x9;
	_ =	strace $0x80000048  }
0xb2: {  	_ =	swait.ge [sflag:s29], $0x1  }
0xb3: {  	[sflag:s29] =	ssyncadd.s32 $0xFFFFFFFF  }
0xb4: {  	_ =	strace $0x90000048  }
0xb5: {  	_ =	sfence  }
0xb6: {  	s30 =	sld [smem:$0x0];
	_ =	sdelay $0x2  }
0xb7: {  	s31 =	sshll.u32 s1, $0xD;
	s1 =	sshrl.u32 s1, $0x2  }
0xb8: {  	s3 =	sand.u32 $0x4000, s31;
	s1 =	sadd.s32 s1, s30  }
0xb9: {  	s0 =	sor.u32 s3, s0;
	s1 =	sshll.u32 s1, $0x11  }
0xba: {  	s0 =	sor.u32 s1, s0  }
0xbb: {  	s0 =	sadd.s32 $0x8F2B, s0  }
0xbc: {  	[sflag:s0] =	ssyncadd.remote.s32 $0x1  }
0xbd: {  	_ =	sfence.sel $0xFFFF  }
0xbe: {  	[dreg:$0x0] =	wrdreg $0xFFFFFFFF;
	(pc) =	sbr.abs _section_cstart, $3  }
0xbf: {  	[dreg:$0x1] =	wrdreg $0xFFFFFFFF  }
0xc0: {  	_ =	task.clear_ibuf [dreg:s6], $0x2FFFF;
	_ =	strace $0x9FFFFFFF  }
0xc1: {  	(tm) =	ssettm $0x7FFFFFFF  }
tec
execute0_lowered:
.L_overlay_start_1:
0x0: {  	(tag) =	ssettag $0x1  }
0x1: {  	s0 =	rddreg [dreg:$0x0]  }
0x2: {  	s1 =	srdreg.scid;
	s3 =	stileid.u32  }
0x3: {  	s2 =	simm.s32 $0x0;
	s16 =	simm.s32 $0x1;
	s17 =	simm.s32 $0x80  }
0x4: {  	s18 =	simm.s32 $0x180;
	s19 =	simm.s32 $0x1180;
	s20 =	simm.s32 $0x100  }
0x5: {  	s28 =	simm.s32 $0xA;
	s30 =	simm.s32 $0x31A8;
	s31 =	simm.s32 $0x7  }
0x6: {  	s29 =	simm.s32 $0x0;
	s1 =	sand.u32 $0x1, s1;
	s3 =	sshll.u32 s3, $0x1  }
0x7: {  	[smem:$0x7FF] =	sst s2;
	s5 =	sadd.s32 $0x7E00, s0;
	s6 =	sadd.s32 $0x282E00, s0  }
0x8: {  	s7 =	sor.u32 s1, s3;
	_ =	strace $0x80000047;
	s21 =	ssub.s32 $0x2, s1  }
0x9: {  	s3 =	sadd.s32 $0x252000, s0;
	s4 =	smul.u32 $0x61A8, s7;
	s1 =	sshrl.u32 s21, $0x1  }
0xa: {  	s7 =	smul.u32 $0xC3500, s7;
	s0 =	ssub.s32 s21, s1;
	s21 =	simm.s32 $0x4  }
0xb: {  	s8 =	sshrl.u32 s4, $0x3;
	s9 =	sadd.s32 $0x7FFFF80, s4;
	s10 =	sadd.s32 $0x100, s4  }
0xc: {  	s23 =	sshrl.u32 s7, $0x3;
	s11 =	sadd.s32 $0x180, s4;
	s24 =	sadd.s32 $0x6180, s4  }
0xd: {  	s0 =	smax.u32 s0, $0x1;
	s22 =	sadd.s32 s5, s8;
	s8 =	sadd.s32 $0x80, s4  }
0xe: {  	s1 =	sadd.s32 s6, s23;
	s25 =	sshrl.u32 s24, $0x3;
	s7 =	sshll.u32 s24, $0x2  }
.Ltmp0:
0xf: {  	[dreg:$0x6] =	wrdreg s0;
	s23 =	simm.s32 $0x2180;
	(pc) =	sbr.rel .LBB2_1-.Ltmp0, $4  }
0x10: {  	s24 =	simm.s32 $0x5;
	[dreg:$0x2] =	wrdreg s22;
	s1 =	sadd.s32 $0x18400, s1  }
0x11: {  	s0 =	simm.s32 $0x8;
	s26 =	sadd.s32 s6, s7;
	[dreg:$0x3] =	wrdreg s1  }
0x12: {  	s22 =	simm.s32 $0x3;
	s1 =	sadd.s32 s5, s25;
	[dreg:$0x5] =	wrdreg s26  }
0x13: {  	s25 =	simm.s32 $0x6;
	[dreg:$0x4] =	wrdreg s1;
	s1 =	simm.s32 $0x9  }
.LBB2_8:
0x14: {  	_ =	swait.ge [sflag:s25], $0x1000  }
0x15: {  	[sflag:s25] =	ssyncset.done $0x0  }
0x16: {  	s7 =	rddreg [dreg:$0x3];
	[sflag:s25] =	ssyncadd.s32 $0xFFFFF000  }
0x17: {  	[hbm4b:s7+s2] =	stream.linear.scatter [tilespmem:s23], [sflag:$0x9], $0x1000, $0x38;
	[tilespmem:$0x36A8] =	vst v63  }
0x18: {  	s12 =	simm.s32 $0x3180;
	s13 =	rddreg [dreg:$0x4]  }
0x19: {  	[tilespmem:s12], [sflag:$0xA] =	stream.linear.gather [hbm4b:s13+s2], $0x28, $0x38;
	[tilespmem:$0x36A8] =	vst v63  }
0x1a: {  	_ =	swait.ge [sflag:s28], $0x28  }
0x1b: {  	[sflag:s28] =	ssyncset.done $0x0  }
0x1c: {  	s14 =	simm.s32 $0x28;
	[sflag:s28] =	ssyncadd.s32 $0xFFFFFFD8  }
0x1d: {  	[tilespmem:s30], [sflag:$0x4] =	stream.indirect.gather [hbm4b:s3+s14], $0x20, s12, s14, $0xb8;
	[tilespmem:$0x36A8] =	vst v63  }
0x1e: {  	_ =	swait.ge [sflag:s21], $0x500  }
0x1f: {  	[sflag:s21] =	ssyncset.done $0x0  }
0x20: {  	s15 =	rddreg [dreg:$0x5];
	[sflag:s21] =	ssyncadd.s32 $0xFFFFFB00  }
0x21: {  	[hbm4b:s15+s2] =	stream.linear.scatter [tilespmem:s30], [sflag:$0xA], $0x500, $0x38;
	[tilespmem:$0x36A8] =	vst v63  }
0x22: {  	_ =	swait.ge [sflag:s28], $0x500  }
0x23: {  	[sflag:s28] =	ssyncset.done $0x0  }
0x24: {  	[sflag:s28] =	ssyncadd.s32 $0xFFFFFB00  }
0x25: {  	_ =	swait.ge [sflag:s31], $0x1000  }
0x26: {  	[sflag:s31] =	ssyncset.done $0x0  }
0x27: {  	[sflag:s31] =	ssyncadd.s32 $0xFFFFF000  }
0x28: {  	_ =	swait.ge [sflag:s0], $0x1000  }
0x29: {  	[sflag:s0] =	ssyncset.done $0x0  }
0x2a: {  	[sflag:s0] =	ssyncadd.s32 $0xFFFFF000  }
0x2b: {  	_ =	swait.ge [sflag:s1], $0x1000  }
0x2c: {  	s29 =	sadd.s32 $0x1, s29;
	s26 =	rddreg [dreg:$0x6]  }
0x2d: {  	p0 =	sne.s32 s29, s26  }
.Ltmp1:
0x2e: {  	_ = 	snop;
	(pc) =	sbr.rel @!p0 .LBB2_9-.Ltmp1, $3  }
0x2f: {  	_ =	sdelay $0x1  }
0x30: {  	[sflag:s1] =	ssyncset.done $0x0  }
0x31: {  	[sflag:s1] =	ssyncadd.s32 $0xFFFFF000  }
.LBB2_1:
.Ltmp2:
0x32: {  	(pc) =	sbr.rel .LBB2_2-.Ltmp2, $3  }
0x33: {  	_ =	sdelay $0x1  }
0x34: {  	s7 =	rddreg [dreg:$0x2];
	s14 =	simm.s32 $0x0  }
0x35: {  	[tilespmem:s2], [sflag:$0x1] =	stream.linear.gather [hbm4b:s7+s2], $0x80, $0x38;
	[tilespmem:$0x36A8] =	vst v63  }
.LBB2_3:
0x36: {  	[tilespmem:s23], [sflag:$0x6] =	stream.indirect.gather [hbm4b:s3+s17], $0x20, s20, s17, $0xb8;
	[tilespmem:$0x36A8] =	vst v63  }
0x37: {  	s7 =	simm.s32 $0x1  }
.LBB2_6:
0x38: {  	s13 =	sadd.s32 s13, s11  }
0x39: {  	s13 =	sshrl.u32 s13, $0x3  }
0x3a: {  	s13 =	sadd.s32 s5, s13  }
0x3b: {  	[tilespmem:s2], [sflag:$0x1] =	stream.linear.gather [hbm4b:s13+s2], $0x80, $0x38;
	[tilespmem:$0x36A8] =	vst v63  }
.LBB2_7:
0x3c: {  	p0 =	slt.u32 s7, $0x41  }
.Ltmp3:
0x3d: {  	_ = 	snop;
	(pc) =	sbr.rel @!p0 .LBB2_8-.Ltmp3, $4  }
0x3e: {  	_ =	swait.ge [sflag:s24], $0x1000;
	s12 =	sshll.u32 s12, $0x2  }
0x3f: {  	[sflag:s24] =	ssyncset.done $0x0;
	s12 =	sand.u32 $0x1FFFFFE0, s12  }
0x40: {  	s14 =	smov.u32 s7;
	[sflag:s24] =	ssyncadd.s32 $0xFFFFF000;
	s12 =	sadd.s32 s6, s12  }
0x41: {  	[hbm4b:s12+s2] =	stream.linear.scatter [tilespmem:s19], [sflag:$0x8], $0x1000, $0x38;
	[tilespmem:$0x36A8] =	vst v63  }
.LBB2_2:
0x42: {  	_ =	swait.ge [sflag:s16], $0x80  }
0x43: {  	p0 =	seq.s32 s14, $0x0;
	[sflag:s16] =	ssyncset.done $0x0  }
0x44: {  	s13 =	smul.u32 $0x180, s14;
	s7 =	simm.s32 @!p0 $0x7;
	[sflag:s16] =	ssyncadd.s32 $0xFFFFFF80  }
0x45: {  	_ =	swait.ge @!p0 [sflag:s7], $0x1000  }
0x46: {  	s12 =	sadd.s32 s13, s8;
	[sflag:s7] =	ssyncset.done @!p0 $0x0  }
0x47: {  	s26 =	sshrl.u32 s12, $0x3;
	[sflag:s7] =	ssyncadd.s32 @!p0 $0xFFFFF000  }
0x48: {  	[tilespmem:s18], [sflag:$0x4] =	stream.indirect.gather [hbm4b:s3+s17], $0x20, s2, s17, $0xb8;
	[tilespmem:$0x36A8] =	vst v63  }
0x49: {  	s7 =	sadd.s32 s5, s26  }
0x4a: {  	[tilespmem:s17], [sflag:$0x2] =	stream.linear.gather [hbm4b:s7+s2], $0x80, $0x38;
	[tilespmem:$0x36A8] =	vst v63  }
0x4b: {  	s7 =	simm.s32 @p0 $0x2  }
0x4c: {  	_ =	swait.ge @p0 [sflag:s7], $0x80  }
0x4d: {  	[sflag:s7] =	ssyncset.done @p0 $0x0  }
0x4e: {  	[sflag:s7] =	ssyncadd.s32 @p0 $0xFFFFFF80;
	s7 =	simm.s32 @!p0 $0x6  }
0x4f: {  	s15 =	sadd.s32 @!p0 s13, s9;
	_ =	swait.ge @!p0 [sflag:s7], $0x1000  }
0x50: {  	s15 =	sshll.u32 @!p0 s15, $0x2;
	[sflag:s7] =	ssyncset.done @!p0 $0x0  }
0x51: {  	[sflag:s7] =	ssyncadd.s32 @!p0 $0xFFFFF000;
	s7 =	sand.u32 @!p0 $0x1FFFFFE0, s15  }
0x52: {  	s26 =	simm.s32 @!p0 $0x2180;
	s15 =	simm.s32 @!p0 $0x0;
	s7 =	sadd.s32 @!p0 s6, s7  }
0x53: {  	[hbm4b:s7+s15] =	stream.linear.scatter @!p0 [tilespmem:s26], [sflag:$0x9], $0x1000, $0x38;
	[tilespmem:$0x36A8] =	vst v63  }
0x54: {  	s7 =	simm.s32 @!p0 $0x2  }
0x55: {  	_ =	swait.ge @!p0 [sflag:s7], $0x80  }
0x56: {  	[sflag:s7] =	ssyncset.done @!p0 $0x0  }
0x57: {  	[sflag:s7] =	ssyncadd.s32 @!p0 $0xFFFFFF80;
	s7 =	simm.s32 @!p0 $0x8  }
0x58: {  	_ =	swait.ge @!p0 [sflag:s7], $0x1000  }
0x59: {  	s15 =	sadd.s32 s13, s10;
	[sflag:s7] =	ssyncset.done @!p0 $0x0  }
0x5a: {  	[sflag:s7] =	ssyncadd.s32 @!p0 $0xFFFFF000;
	s7 =	sshrl.u32 s15, $0x3  }
0x5b: {  	[tilespmem:s19], [sflag:$0x5] =	stream.indirect.gather [hbm4b:s3+s17], $0x20, s17, s17, $0xb8;
	[tilespmem:$0x36A8] =	vst v63  }
0x5c: {  	s26 =	sadd.s32 s4, s13;
	s7 =	sadd.s32 s5, s7  }
0x5d: {  	[tilespmem:s20], [sflag:$0x3] =	stream.linear.gather [hbm4b:s7+s2], $0x80, $0x38;
	[tilespmem:$0x36A8] =	vst v63  }
0x5e: {  	s7 =	sshll.u32 s26, $0x2;
	_ =	swait.ge [sflag:s21], $0x1000  }
0x5f: {  	p0 =	sne.s32 s14, $0x0;
	s7 =	sand.u32 $0x1FFFFFE0, s7;
	[sflag:s21] =	ssyncset.done $0x0  }
.Ltmp4:
0x60: {  	s7 =	sadd.s32 s6, s7;
	[sflag:s21] =	ssyncadd.s32 $0xFFFFF000;
	(pc) =	sbr.rel @!p0 .LBB2_3-.Ltmp4, $4  }
0x61: {  	[hbm4b:s7+s2] =	stream.linear.scatter [tilespmem:s18], [sflag:$0x7], $0x1000, $0x38;
	[tilespmem:$0x36A8] =	vst v63  }
0x62: {  	_ =	swait.ge [sflag:s22], $0x80  }
0x63: {  	[sflag:s22] =	ssyncset.done $0x0  }
0x64: {  	[sflag:s22] =	ssyncadd.s32 $0xFFFFFF80  }
0x65: {  	p0 =	seq.s32 s14, $0x40  }
.Ltmp5:
0x66: {  	_ = 	snop;
	(pc) =	sbr.rel @p0 .LBB2_7-.Ltmp5, $4  }
0x67: {  	_ =	swait.ge [sflag:s1], $0x1000  }
0x68: {  	[sflag:s1] =	ssyncset.done $0x0  }
0x69: {  	s7 =	simm.s32 $0x41;
	[sflag:s1] =	ssyncadd.s32 $0xFFFFF000  }
0x6a: {  	[tilespmem:s23], [sflag:$0x6] =	stream.indirect.gather [hbm4b:s3+s17], $0x20, s20, s17, $0xb8;
	[tilespmem:$0x36A8] =	vst v63  }
.Ltmp6:
0x6b: {  	(pc) =	sbr.rel .LBB2_6-.Ltmp6, $2  }
0x6c: {  	_ =	sdelay $0x2  }
0x6d: {  	s7 =	sadd.s32 $0x1, s14  }
.LBB2_9:
0x6e: {  	_ =	sfence.sel $0x180000  }
0x6f: {  	[bflag:$0x0] =	sbarrier.arrive $0xFFFF  }
0x70: {  	_ =	strace $0x90000047  }
0x71: {  	s0 =	stileid.u32;
	[bflag:$0x2] =	sbarrier.arrive $0xFFFF  }
0x72: {  	p0 =	sne.s32 s0, $0x0;
	s0 =	rddreg [dreg:$0x1]  }
0x73: {  	s0 =	sadd.s32 @!p0 $0x100000, s0  }
0x74: {  	[sflag:s0] =	ssyncadd.tile.s32 @!p0 $0x1;
	_ =	shalt  }
.Lfunc_end2:
_tile_overlayer_lowered:
.L_overlay_start_2:
0x75: {  	(tag) =	ssettag $0x2  }
0x76: {  	s0 =	rddreg [dreg:$0x0];
	s2 =	stileid.u32  }
0x77: {  	s1 =	rddreg [dreg:$0x1];
	p0 =	sne.s32 s2, $0x0  }
0x78: {  	s3 =	rddreg [dreg:$0x2];
	[bflag:$0x3] =	sbarrier.arrive $0xFFFF;
	s2 =	simm.s32 @!p0 $0x1C0A  }
0x79: {  	[timem:s3], [sflag:s2] =	dma.local @!p0 [hbm:s0], s1  }
0x7a: {  	s0 =	simm.s32 @!p0 $0xA  }
0x7b: {  	_ =	swait.ge @!p0 [sflag:s0], s1  }
0x7c: {  	s1 =	ssub.s32 @!p0 $0x0, s1;
	[sflag:s0] =	ssyncset.done @!p0 $0x0  }
0x7d: {  	[sflag:s0] =	ssyncadd.s32 @!p0 s1  }
0x7e: {  	[bflag:$0x3] =	sbarrier.arrive $0xFFFF  }
0x7f: {  	_ =	shalt  }

// kernel: kernel.16.cloned.1.call-start
scs
__scs_entry_jumppad:
0x0: {  	(pc) =	sbr.rel $0x88, $3  }
0x1: {  	(tag) =	ssettag $0x0;
	lr =	simm.s32 $0x1  }
0x2: {  	[smem:$0x3F77] =	sst lr;
	_ =	strace $0xD0000000  }
0x3: {  	_ = 	snop  }
0x4: {  	_ = 	snop  }
0x5: {  	_ = 	snop  }
0x6: {  	_ = 	snop  }
0x7: {  	_ = 	snop  }
__scs_overlays_trampoline_lowered:
0x8: {  	[smem:$0x3F86] =	sst s0  }
0x9: {  	[smem:$0x3F87] =	sst s1  }
0xa: {  	[smem:$0x3F88] =	sst s2  }
0xb: {  	[smem:$0x3F89] =	sst s3  }
0xc: {  	[smem:$0x3F8A] =	sst s4  }
0xd: {  	[smem:$0x3F8B] =	sst s5  }
0xe: {  	[smem:$0x3F8C] =	sst s6  }
0xf: {  	[smem:$0x3F8D] =	sst s7  }
0x10: {  	[smem:$0x3F8E] =	sst s8  }
0x11: {  	[smem:$0x3F8F] =	sst s9;
	s0 =	simm.s32 @!p0 $0x0  }
0x12: {  	s1 =	sld [smem:$0x3F75];
	s0 =	simm.s32 @p0 $0x1  }
0x13: {  	[smem:$0x3F90] =	sst s0;
	s0 =	simm.s32 @!p1 $0x0  }
0x14: {  	s2 =	sld [smem:$0x3F74];
	s0 =	simm.s32 @p1 $0x1  }
0x15: {  	[smem:$0x3F91] =	sst s0;
	s0 =	simm.s32 @!p2 $0x0  }
0x16: {  	s3 =	sld [smem:$0x3FDB];
	s0 =	simm.s32 @p2 $0x1  }
0x17: {  	s4 =	simm.s32 $0x1BF5;
	[smem:$0x3F93] =	sst s0  }
0x18: {  	s0 =	sld [smem:$0x3F76];
	_ =	swait.ge [sflag:s4], $0x0  }
0x19: {  	s7 =	sld [smem:$0x3F77]  }
0x1a: {  	s8 =	sadd.s32 $0xFFFFE003, lr  }
0x1b: {  	s9 =	sadd.s32 $0xFFFFFEF7, lr;
	s5 =	simm.s32 $0xFFFFFFFF;
	p2 =	slt.u32 s8, $0xFFFFF086  }
0x1c: {  	p1 =	slt.u32 s9, $0xF7A;
	s5 =	simm.s32 @!p2 $0x0  }
0x1d: {  	s5 =	simm.s32 @p1 $0x1;
	p0 =	seq.s32 s7, s2  }
0x1e: {  	s7 =	smul.u32 @!p0 $0xF7A, s2;
	p2 =	seq.s32 @!p0 s5, $0x0  }
0x1f: {  	s9 =	smul.u32 $0xF7A, s1;
	s8 =	simm.s32 @!p0 $0x1BF5;
	p2 =	por !p2, p0  }
0x20: {  	[sflag:s8] =	ssyncset.s32 @!p0 $0xFFFFF086;
	s6 =	sadd.s32 @!p0 s3, s7;
	s7 =	simm.s32 @!p0 $0x108  }
0x21: {  	s3 =	sadd.s32 s3, s9;
	s6 =	sadd.s32 @!p0 $0x88, s6;
	s7 =	simm.s32 @p2 $0x1082  }
0x22: {  	[simem:s7], [sflag:s8] =	dma.local @!p0 [hbm:s6], $0xF7A  }
0x23: {  	s9 =	sor.u32 $0xD0000000, s2;
	s6 =	simm.s32 $0x108;
	_ =	swait.ge @!p0 [sflag:s8], $0x0  }
0x24: {  	s3 =	sadd.s32 $0x88, s3;
	s6 =	simm.s32 @!p1 $0x1082;
	[sflag:s4] =	ssyncset.s32 $0xFFFFF086  }
0x25: {  	[simem:s6], [sflag:s4] =	dma.local [hbm:s3], $0xF7A  }
0x26: {  	[smem:$0x3F77] =	sst s1;
	(tag) =	ssettag s2;
	_ =	strace s9  }
0x27: {  	s1 =	sld [smem:$0x3F87]  }
0x28: {  	s2 =	sld [smem:$0x3F88]  }
0x29: {  	s4 =	sld [smem:$0x3F8A]  }
0x2a: {  	p0 =	seq.s32 s5, $0x0;
	s5 =	sld [smem:$0x3F8B]  }
0x2b: {  	s6 =	sld [smem:$0x3F8C]  }
0x2c: {  	s7 =	sld [smem:$0x3F8D]  }
0x2d: {  	s3 =	simm.s32 $0x108;
	s8 =	sld [smem:$0x3F8E]  }
0x2e: {  	s3 =	simm.s32 @!p0 $0x1082;
	s9 =	sld [smem:$0x3F8F]  }
0x2f: {  	lr =	sadd.s32 s0, s3;
	s0 =	sld [smem:$0x3F86]  }
0x30: {  	s3 =	sld [smem:$0x3F89]  }
0x31: {  	[smem:$0x3F92] =	sst s10  }
0x32: {  	s10 =	sld [smem:$0x3F90];
	_ =	sdelay $0x3  }
0x33: {  	p0 =	seq.s32 s10, $0x1;
	s10 =	sld [smem:$0x3F92];
	_ =	sdelay $0x3  }
0x34: {  	[smem:$0x3F92] =	sst s10  }
0x35: {  	s10 =	sld [smem:$0x3F91];
	_ =	sdelay $0x3  }
0x36: {  	p1 =	seq.s32 s10, $0x1;
	s10 =	sld [smem:$0x3F92];
	_ =	sdelay $0x3  }
0x37: {  	[smem:$0x3F92] =	sst s10  }
0x38: {  	s10 =	sld [smem:$0x3F93]  }
0x39: {  	_ = 	snop;
	(pc) =	sbr.ind lr, $3  }
0x3a: {  	_ = 	snop  }
0x3b: {  	_ = 	snop  }
0x3c: {  	p2 =	seq.s32 s10, $0x1;
	s10 =	sld [smem:$0x3F92]  }
0x3d: {  	_ =	shalt  }
0x3e: {  	_ =	shalt  }
0x3f: {  	_ =	shalt  }
0x40: {  	_ =	shalt  }
0x41: {  	_ =	shalt  }
0x42: {  	_ =	shalt  }
0x43: {  	_ =	shalt  }
0x44: {  	_ =	shalt  }
0x45: {  	_ =	shalt  }
0x46: {  	_ =	shalt  }
0x47: {  	_ =	shalt  }
0x48: {  	_ =	shalt  }
0x49: {  	_ =	shalt  }
0x4a: {  	_ =	shalt  }
0x4b: {  	_ =	shalt  }
0x4c: {  	_ =	shalt  }
0x4d: {  	_ =	shalt  }
0x4e: {  	_ =	shalt  }
0x4f: {  	_ =	shalt  }
0x50: {  	_ =	shalt  }
0x51: {  	_ =	shalt  }
0x52: {  	_ =	shalt  }
0x53: {  	_ =	shalt  }
0x54: {  	_ =	shalt  }
0x55: {  	_ =	shalt  }
0x56: {  	_ =	shalt  }
0x57: {  	_ =	shalt  }
0x58: {  	_ =	shalt  }
0x59: {  	_ =	shalt  }
0x5a: {  	_ =	shalt  }
0x5b: {  	_ =	shalt  }
0x5c: {  	_ =	shalt  }
0x5d: {  	_ =	shalt  }
0x5e: {  	_ =	shalt  }
0x5f: {  	_ =	shalt  }
0x60: {  	_ =	shalt  }
0x61: {  	_ =	shalt  }
0x62: {  	_ =	shalt  }
0x63: {  	_ =	shalt  }
0x64: {  	_ =	shalt  }
0x65: {  	_ =	shalt  }
0x66: {  	_ =	shalt  }
0x67: {  	_ =	shalt  }
0x68: {  	_ =	shalt  }
0x69: {  	_ =	shalt  }
0x6a: {  	_ =	shalt  }
0x6b: {  	_ =	shalt  }
0x6c: {  	_ =	shalt  }
0x6d: {  	_ =	shalt  }
0x6e: {  	_ =	shalt  }
0x6f: {  	_ =	shalt  }
0x70: {  	_ =	shalt  }
0x71: {  	_ =	shalt  }
0x72: {  	_ =	shalt  }
0x73: {  	_ =	shalt  }
0x74: {  	_ =	shalt  }
0x75: {  	_ =	shalt  }
0x76: {  	_ =	shalt  }
0x77: {  	_ =	shalt  }
0x78: {  	_ =	shalt  }
0x79: {  	_ =	shalt  }
0x7a: {  	_ =	shalt  }
0x7b: {  	_ =	shalt  }
0x7c: {  	_ =	shalt  }
0x7d: {  	_ =	shalt  }
0x7e: {  	_ =	shalt  }
0x7f: {  	_ =	shalt  }
0x80: {  	_ =	shalt  }
0x81: {  	_ =	shalt  }
0x82: {  	_ =	shalt  }
0x83: {  	_ =	shalt  }
0x84: {  	_ =	shalt  }
0x85: {  	_ =	shalt  }
0x86: {  	_ =	shalt  }
0x87: {  	_ =	shalt  }
.Lfunc_end0:
.L_simem_size_0:
called_computation.2_lowered:
.L_overlay_start_0:
0x88: {  	s2 =	sld [smem:$0x3FD9]  }
0x89: {  	s3 =	sld [smem:$0x3FFE];
	_ =	sdelay $0x1  }
0x8a: {  	s1 =	srdreg.scid  }
0x8b: {  	s0 =	sand.u32 $0x1, s1  }
0x8c: {  	s16 =	sshll.u32 s0, $0xA;
	s2 =	sadd.s32 s3, s2  }
0x8d: {  	s2 =	sadd.s32 s2, s16  }
0x8e: {  	[smem:$0x3F9E] =	sst s2  }
0x8f: {  	_ = 	snop  }
0x90: {  	(tm) =	ssettm $0x1  }
0x91: {  	s17 =	sld [smem:$0x3FFB];
	_ =	sdelay $0x3  }
0x92: {  	_ =	strace s17  }
0x93: {  	s2 =	sld [smem:$0x3FFC];
	_ =	sdelay $0x3  }
0x94: {  	_ =	strace s2  }
0x95: {  	s2 =	sld [smem:$0x3FFD];
	_ =	sdelay $0x3  }
0x96: {  	_ =	strace s2  }
0x97: {  	_ =	strace $0x8FFFFFFF  }
0x98: {  	s18 =	sld [smem:$0x3FDB];
	_ =	sdelay $0x1  }
0x99: {  	s19 =	simm.s32 $_scs_section_size  }
0x9a: {  	s4 =	simm.s32 $_size__tile_overlayer_lowered;
	s5 =	simm.s32 $_tile_overlayer_lowered  }
0x9b: {  	s22 =	simm.s32 $0x1BFF;
	s21 =	sshll.u32 s5, $0x1;
	s2 =	sadd.s32 s19, s18  }
0x9c: {  	s6 =	simm.s32 $0x0;
	s20 =	sshll.u32 s4, $0x1;
	s4 =	sadd.s32 s21, s2  }
0x9d: {  	[timem:s6], [sflag:s22] =	dma.local [hbm:s4], s20  }
0x9e: {  	_ =	swait.ge [sflag:s22], s20  }
0x9f: {  	s3 =	ssub.s32 $0x0, s20;
	[sflag:s22] =	ssyncset.done $0x0  }
0xa0: {  	[sflag:s22] =	ssyncadd.s32 s3;
	_ =	sdelay $0x1  }
0xa1: {  	s23 =	simm.s32 $0x1B8B  }
0xa2: {  	_ =	swait.ge [sflag:s23], $0x1  }
0xa3: {  	[sflag:s23] =	ssyncset.done $0x0  }
0xa4: {  	s25 =	simm.s32 $0x1B8E;
	s24 =	sld [smem:$0x3FFE];
	[sflag:s23] =	ssyncadd.s32 $0xFFFFFFFF  }
0xa5: {  	s26 =	simm.s32 $execute0_lowered;
	[smem:$0x3FD2] =	sst s25  }
0xa6: {  	s4 =	sshll.u32 s26, $0x1;
	_ =	strace $0x80000049;
	[dreg:$0x1] =	wrdreg $0xFFFFFFFF  }
0xa7: {  	s28 =	simm.s32 $_size_execute0_lowered;
	s2 =	sadd.s32 s2, s4;
	[dreg:$0x0] =	wrdreg $0x0  }
0xa8: {  	s4 =	sshll.u32 s28, $0x1;
	[dreg:$0x2] =	wrdreg s2  }
0xa9: {  	[dreg:$0x3] =	wrdreg s4  }
0xaa: {  	[dreg:$0x4] =	wrdreg $0xC0  }
0xab: {  	_ =	task [dreg:s6], $0x5FFFF  }
0xac: {  	[dreg:$0x1] =	wrdreg $0xFFFFFFFF  }
0xad: {  	[dreg:$0x0] =	wrdreg $0x60  }
0xae: {  	[dreg:$0x2] =	wrdreg s24  }
0xaf: {  	[dreg:$0x3] =	wrdreg $0xA  }
0xb0: {  	_ =	task.clear_ibuf [dreg:s6], $0x4FFFF;
	_ =	strace $0x90000049  }
0xb1: {  	s29 =	simm.s32 $0xA;
	_ =	strace $0x8000004B  }
0xb2: {  	_ =	swait.ge [sflag:s29], $0x1  }
0xb3: {  	[sflag:s29] =	ssyncadd.s32 $0xFFFFFFFF  }
0xb4: {  	_ =	strace $0x9000004B  }
0xb5: {  	_ =	sfence  }
0xb6: {  	s30 =	sld [smem:$0x0];
	_ =	sdelay $0x2  }
0xb7: {  	s31 =	sshll.u32 s1, $0xD;
	s1 =	sshrl.u32 s1, $0x2  }
0xb8: {  	s3 =	sand.u32 $0x4000, s31;
	s1 =	sadd.s32 s1, s30  }
0xb9: {  	s0 =	sor.u32 s3, s0;
	s1 =	sshll.u32 s1, $0x11  }
0xba: {  	s0 =	sor.u32 s1, s0  }
0xbb: {  	s0 =	sadd.s32 $0x8F2B, s0  }
0xbc: {  	[sflag:s0] =	ssyncadd.remote.s32 $0x1  }
0xbd: {  	_ =	sfence.sel $0xFFFF  }
0xbe: {  	[dreg:$0x0] =	wrdreg $0xFFFFFFFF;
	(pc) =	sbr.abs _section_cstart, $3  }
0xbf: {  	[dreg:$0x1] =	wrdreg $0xFFFFFFFF  }
0xc0: {  	_ =	task.clear_ibuf [dreg:s6], $0x2FFFF;
	_ =	strace $0x9FFFFFFF  }
0xc1: {  	(tm) =	ssettm $0x7FFFFFFF  }
tec
execute0_lowered:
.L_overlay_start_1:
0x0: {  	(tag) =	ssettag $0x1  }
0x1: {  	s0 =	rddreg [dreg:$0x0];
	s2 =	simm.s32 $0x0;
	s1 =	srdreg.scid  }
0x2: {  	s3 =	stileid.u32;
	s16 =	simm.s32 $0x1;
	s17 =	simm.s32 $0x80  }
0x3: {  	s18 =	simm.s32 $0x180;
	s19 =	simm.s32 $0x1180;
	s20 =	simm.s32 $0x100  }
0x4: {  	s28 =	simm.s32 $0xA;
	s30 =	simm.s32 $0x31A8;
	s31 =	simm.s32 $0x7  }
0x5: {  	s29 =	simm.s32 $0x0;
	[smem:$0x7FF] =	sst s2;
	s1 =	sand.u32 $0x1, s1  }
0x6: {  	s3 =	sshll.u32 s3, $0x1;
	s5 =	sadd.s32 $0x7E00, s0;
	s6 =	sadd.s32 $0x716C00, s0  }
0x7: {  	_ =	strace $0x8000004A;
	s7 =	sor.u32 s1, s3;
	s21 =	ssub.s32 $0x2, s1  }
0x8: {  	s3 =	sadd.s32 $0x49C200, s0;
	s4 =	smul.u32 $0x61A8, s7;
	s1 =	sshrl.u32 s21, $0x1  }
0x9: {  	s7 =	smul.u32 $0xC3500, s7;
	s0 =	ssub.s32 s21, s1;
	s21 =	simm.s32 $0x4  }
0xa: {  	s8 =	sshrl.u32 s4, $0x3;
	s9 =	sadd.s32 $0x7FFFF80, s4;
	s10 =	sadd.s32 $0x100, s4  }
0xb: {  	s23 =	sshrl.u32 s7, $0x3;
	s11 =	sadd.s32 $0x180, s4;
	s24 =	sadd.s32 $0x6180, s4  }
0xc: {  	s0 =	smax.u32 s0, $0x1;
	s22 =	sadd.s32 s5, s8;
	s8 =	sadd.s32 $0x80, s4  }
0xd: {  	s1 =	sadd.s32 s6, s23;
	s25 =	sshrl.u32 s24, $0x3;
	s7 =	sshll.u32 s24, $0x2  }
.Ltmp0:
0xe: {  	[dreg:$0x6] =	wrdreg s0;
	s23 =	simm.s32 $0x2180;
	(pc) =	sbr.rel .LBB2_1-.Ltmp0, $4  }
0xf: {  	s24 =	simm.s32 $0x5;
	[dreg:$0x2] =	wrdreg s22;
	s1 =	sadd.s32 $0x18400, s1  }
0x10: {  	s0 =	simm.s32 $0x8;
	s26 =	sadd.s32 s6, s7;
	[dreg:$0x3] =	wrdreg s1  }
0x11: {  	s22 =	simm.s32 $0x3;
	s1 =	sadd.s32 s5, s25;
	[dreg:$0x5] =	wrdreg s26  }
0x12: {  	s25 =	simm.s32 $0x6;
	[dreg:$0x4] =	wrdreg s1;
	s1 =	simm.s32 $0x9  }
.LBB2_8:
0x13: {  	_ =	swait.ge [sflag:s25], $0x1000  }
0x14: {  	[sflag:s25] =	ssyncset.done $0x0  }
0x15: {  	s7 =	rddreg [dreg:$0x3];
	[sflag:s25] =	ssyncadd.s32 $0xFFFFF000  }
0x16: {  	[hbm4b:s7+s2] =	stream.linear.scatter [tilespmem:s23], [sflag:$0x9], $0x1000, $0x38;
	[tilespmem:$0x36A8] =	vst v63  }
0x17: {  	s12 =	simm.s32 $0x3180;
	s13 =	rddreg [dreg:$0x4]  }
0x18: {  	[tilespmem:s12], [sflag:$0xA] =	stream.linear.gather [hbm4b:s13+s2], $0x28, $0x38;
	[tilespmem:$0x36A8] =	vst v63  }
0x19: {  	_ =	swait.ge [sflag:s28], $0x28  }
0x1a: {  	[sflag:s28] =	ssyncset.done $0x0  }
0x1b: {  	s14 =	simm.s32 $0x28;
	[sflag:s28] =	ssyncadd.s32 $0xFFFFFFD8  }
0x1c: {  	[tilespmem:s30], [sflag:$0x4] =	stream.indirect.gather [hbm4b:s3+s14], $0x20, s12, s14, $0xb8;
	[tilespmem:$0x36A8] =	vst v63  }
0x1d: {  	_ =	swait.ge [sflag:s21], $0x500  }
0x1e: {  	[sflag:s21] =	ssyncset.done $0x0  }
0x1f: {  	s15 =	rddreg [dreg:$0x5];
	[sflag:s21] =	ssyncadd.s32 $0xFFFFFB00  }
0x20: {  	[hbm4b:s15+s2] =	stream.linear.scatter [tilespmem:s30], [sflag:$0xA], $0x500, $0x38;
	[tilespmem:$0x36A8] =	vst v63  }
0x21: {  	_ =	swait.ge [sflag:s28], $0x500  }
0x22: {  	[sflag:s28] =	ssyncset.done $0x0  }
0x23: {  	[sflag:s28] =	ssyncadd.s32 $0xFFFFFB00  }
0x24: {  	_ =	swait.ge [sflag:s31], $0x1000  }
0x25: {  	[sflag:s31] =	ssyncset.done $0x0  }
0x26: {  	[sflag:s31] =	ssyncadd.s32 $0xFFFFF000  }
0x27: {  	_ =	swait.ge [sflag:s0], $0x1000  }
0x28: {  	[sflag:s0] =	ssyncset.done $0x0  }
0x29: {  	[sflag:s0] =	ssyncadd.s32 $0xFFFFF000  }
0x2a: {  	_ =	swait.ge [sflag:s1], $0x1000  }
0x2b: {  	s29 =	sadd.s32 $0x1, s29;
	s26 =	rddreg [dreg:$0x6]  }
0x2c: {  	p0 =	sne.s32 s29, s26  }
.Ltmp1:
0x2d: {  	_ = 	snop;
	(pc) =	sbr.rel @!p0 .LBB2_9-.Ltmp1, $3  }
0x2e: {  	_ =	sdelay $0x1  }
0x2f: {  	[sflag:s1] =	ssyncset.done $0x0  }
0x30: {  	[sflag:s1] =	ssyncadd.s32 $0xFFFFF000  }
.LBB2_1:
.Ltmp2:
0x31: {  	(pc) =	sbr.rel .LBB2_2-.Ltmp2, $3  }
0x32: {  	_ =	sdelay $0x1  }
0x33: {  	s7 =	rddreg [dreg:$0x2];
	s14 =	simm.s32 $0x0  }
0x34: {  	[tilespmem:s2], [sflag:$0x1] =	stream.linear.gather [hbm4b:s7+s2], $0x80, $0x38;
	[tilespmem:$0x36A8] =	vst v63  }
.LBB2_3:
0x35: {  	[tilespmem:s23], [sflag:$0x6] =	stream.indirect.gather [hbm4b:s3+s17], $0x20, s20, s17, $0xb8;
	[tilespmem:$0x36A8] =	vst v63  }
0x36: {  	s7 =	simm.s32 $0x1  }
.LBB2_6:
0x37: {  	s13 =	sadd.s32 s13, s11  }
0x38: {  	s13 =	sshrl.u32 s13, $0x3  }
0x39: {  	s13 =	sadd.s32 s5, s13  }
0x3a: {  	[tilespmem:s2], [sflag:$0x1] =	stream.linear.gather [hbm4b:s13+s2], $0x80, $0x38;
	[tilespmem:$0x36A8] =	vst v63  }
.LBB2_7:
0x3b: {  	p0 =	slt.u32 s7, $0x41  }
.Ltmp3:
0x3c: {  	_ = 	snop;
	(pc) =	sbr.rel @!p0 .LBB2_8-.Ltmp3, $4  }
0x3d: {  	_ =	swait.ge [sflag:s24], $0x1000;
	s12 =	sshll.u32 s12, $0x2  }
0x3e: {  	[sflag:s24] =	ssyncset.done $0x0;
	s12 =	sand.u32 $0x1FFFFFE0, s12  }
0x3f: {  	s14 =	smov.u32 s7;
	[sflag:s24] =	ssyncadd.s32 $0xFFFFF000;
	s12 =	sadd.s32 s6, s12  }
0x40: {  	[hbm4b:s12+s2] =	stream.linear.scatter [tilespmem:s19], [sflag:$0x8], $0x1000, $0x38;
	[tilespmem:$0x36A8] =	vst v63  }
.LBB2_2:
0x41: {  	_ =	swait.ge [sflag:s16], $0x80  }
0x42: {  	p0 =	seq.s32 s14, $0x0;
	[sflag:s16] =	ssyncset.done $0x0  }
0x43: {  	s13 =	smul.u32 $0x180, s14;
	s7 =	simm.s32 @!p0 $0x7;
	[sflag:s16] =	ssyncadd.s32 $0xFFFFFF80  }
0x44: {  	_ =	swait.ge @!p0 [sflag:s7], $0x1000  }
0x45: {  	s12 =	sadd.s32 s13, s8;
	[sflag:s7] =	ssyncset.done @!p0 $0x0  }
0x46: {  	s26 =	sshrl.u32 s12, $0x3;
	[sflag:s7] =	ssyncadd.s32 @!p0 $0xFFFFF000  }
0x47: {  	[tilespmem:s18], [sflag:$0x4] =	stream.indirect.gather [hbm4b:s3+s17], $0x20, s2, s17, $0xb8;
	[tilespmem:$0x36A8] =	vst v63  }
0x48: {  	s7 =	sadd.s32 s5, s26  }
0x49: {  	[tilespmem:s17], [sflag:$0x2] =	stream.linear.gather [hbm4b:s7+s2], $0x80, $0x38;
	[tilespmem:$0x36A8] =	vst v63  }
0x4a: {  	s7 =	simm.s32 @p0 $0x2  }
0x4b: {  	_ =	swait.ge @p0 [sflag:s7], $0x80  }
0x4c: {  	[sflag:s7] =	ssyncset.done @p0 $0x0  }
0x4d: {  	[sflag:s7] =	ssyncadd.s32 @p0 $0xFFFFFF80;
	s7 =	simm.s32 @!p0 $0x6  }
0x4e: {  	s15 =	sadd.s32 @!p0 s13, s9;
	_ =	swait.ge @!p0 [sflag:s7], $0x1000  }
0x4f: {  	s15 =	sshll.u32 @!p0 s15, $0x2;
	[sflag:s7] =	ssyncset.done @!p0 $0x0  }
0x50: {  	[sflag:s7] =	ssyncadd.s32 @!p0 $0xFFFFF000;
	s7 =	sand.u32 @!p0 $0x1FFFFFE0, s15  }
0x51: {  	s26 =	simm.s32 @!p0 $0x2180;
	s15 =	simm.s32 @!p0 $0x0;
	s7 =	sadd.s32 @!p0 s6, s7  }
0x52: {  	[hbm4b:s7+s15] =	stream.linear.scatter @!p0 [tilespmem:s26], [sflag:$0x9], $0x1000, $0x38;
	[tilespmem:$0x36A8] =	vst v63  }
0x53: {  	s7 =	simm.s32 @!p0 $0x2  }
0x54: {  	_ =	swait.ge @!p0 [sflag:s7], $0x80  }
0x55: {  	[sflag:s7] =	ssyncset.done @!p0 $0x0  }
0x56: {  	[sflag:s7] =	ssyncadd.s32 @!p0 $0xFFFFFF80;
	s7 =	simm.s32 @!p0 $0x8  }
0x57: {  	_ =	swait.ge @!p0 [sflag:s7], $0x1000  }
0x58: {  	s15 =	sadd.s32 s13, s10;
	[sflag:s7] =	ssyncset.done @!p0 $0x0  }
0x59: {  	[sflag:s7] =	ssyncadd.s32 @!p0 $0xFFFFF000;
	s7 =	sshrl.u32 s15, $0x3  }
0x5a: {  	[tilespmem:s19], [sflag:$0x5] =	stream.indirect.gather [hbm4b:s3+s17], $0x20, s17, s17, $0xb8;
	[tilespmem:$0x36A8] =	vst v63  }
0x5b: {  	s26 =	sadd.s32 s4, s13;
	s7 =	sadd.s32 s5, s7  }
0x5c: {  	[tilespmem:s20], [sflag:$0x3] =	stream.linear.gather [hbm4b:s7+s2], $0x80, $0x38;
	[tilespmem:$0x36A8] =	vst v63  }
0x5d: {  	s7 =	sshll.u32 s26, $0x2;
	_ =	swait.ge [sflag:s21], $0x1000  }
0x5e: {  	p0 =	sne.s32 s14, $0x0;
	s7 =	sand.u32 $0x1FFFFFE0, s7;
	[sflag:s21] =	ssyncset.done $0x0  }
.Ltmp4:
0x5f: {  	s7 =	sadd.s32 s6, s7;
	[sflag:s21] =	ssyncadd.s32 $0xFFFFF000;
	(pc) =	sbr.rel @!p0 .LBB2_3-.Ltmp4, $4  }
0x60: {  	[hbm4b:s7+s2] =	stream.linear.scatter [tilespmem:s18], [sflag:$0x7], $0x1000, $0x38;
	[tilespmem:$0x36A8] =	vst v63  }
0x61: {  	_ =	swait.ge [sflag:s22], $0x80  }
0x62: {  	[sflag:s22] =	ssyncset.done $0x0  }
0x63: {  	[sflag:s22] =	ssyncadd.s32 $0xFFFFFF80  }
0x64: {  	p0 =	seq.s32 s14, $0x40  }
.Ltmp5:
0x65: {  	_ = 	snop;
	(pc) =	sbr.rel @p0 .LBB2_7-.Ltmp5, $4  }
0x66: {  	_ =	swait.ge [sflag:s1], $0x1000  }
0x67: {  	[sflag:s1] =	ssyncset.done $0x0  }
0x68: {  	s7 =	simm.s32 $0x41;
	[sflag:s1] =	ssyncadd.s32 $0xFFFFF000  }
0x69: {  	[tilespmem:s23], [sflag:$0x6] =	stream.indirect.gather [hbm4b:s3+s17], $0x20, s20, s17, $0xb8;
	[tilespmem:$0x36A8] =	vst v63  }
.Ltmp6:
0x6a: {  	(pc) =	sbr.rel .LBB2_6-.Ltmp6, $2  }
0x6b: {  	_ =	sdelay $0x2  }
0x6c: {  	s7 =	sadd.s32 $0x1, s14  }
.LBB2_9:
0x6d: {  	_ =	sfence.sel $0x180000  }
0x6e: {  	[bflag:$0x0] =	sbarrier.arrive $0xFFFF  }
0x6f: {  	_ =	strace $0x9000004A  }
0x70: {  	s0 =	stileid.u32;
	[bflag:$0x2] =	sbarrier.arrive $0xFFFF  }
0x71: {  	p0 =	sne.s32 s0, $0x0;
	s0 =	rddreg [dreg:$0x1]  }
0x72: {  	s0 =	sadd.s32 @!p0 $0x100000, s0  }
0x73: {  	[sflag:s0] =	ssyncadd.tile.s32 @!p0 $0x1;
	_ =	shalt  }
.Lfunc_end2:
_tile_overlayer_lowered:
.L_overlay_start_2:
0x74: {  	(tag) =	ssettag $0x2  }
0x75: {  	s0 =	rddreg [dreg:$0x0];
	s2 =	stileid.u32  }
0x76: {  	s1 =	rddreg [dreg:$0x1];
	p0 =	sne.s32 s2, $0x0  }
0x77: {  	s3 =	rddreg [dreg:$0x2];
	[bflag:$0x3] =	sbarrier.arrive $0xFFFF;
	s2 =	simm.s32 @!p0 $0x1C0A  }
0x78: {  	[timem:s3], [sflag:s2] =	dma.local @!p0 [hbm:s0], s1  }
0x79: {  	s0 =	simm.s32 @!p0 $0xA  }
0x7a: {  	_ =	swait.ge @!p0 [sflag:s0], s1  }
0x7b: {  	s1 =	ssub.s32 @!p0 $0x0, s1;
	[sflag:s0] =	ssyncset.done @!p0 $0x0  }
0x7c: {  	[sflag:s0] =	ssyncadd.s32 @!p0 s1  }
0x7d: {  	[bflag:$0x3] =	sbarrier.arrive $0xFFFF  }
0x7e: {  	_ =	shalt  }

// kernel: kernel.19.cloned.1.call-start
scs
__scs_entry_jumppad:
0x0: {  	(pc) =	sbr.rel $0x88, $3  }
0x1: {  	(tag) =	ssettag $0x0;
	lr =	simm.s32 $0x1  }
0x2: {  	[smem:$0x3F77] =	sst lr;
	_ =	strace $0xD0000000  }
0x3: {  	_ = 	snop  }
0x4: {  	_ = 	snop  }
0x5: {  	_ = 	snop  }
0x6: {  	_ = 	snop  }
0x7: {  	_ = 	snop  }
__scs_overlays_trampoline_lowered:
0x8: {  	[smem:$0x3F86] =	sst s0  }
0x9: {  	[smem:$0x3F87] =	sst s1  }
0xa: {  	[smem:$0x3F88] =	sst s2  }
0xb: {  	[smem:$0x3F89] =	sst s3  }
0xc: {  	[smem:$0x3F8A] =	sst s4  }
0xd: {  	[smem:$0x3F8B] =	sst s5  }
0xe: {  	[smem:$0x3F8C] =	sst s6  }
0xf: {  	[smem:$0x3F8D] =	sst s7  }
0x10: {  	[smem:$0x3F8E] =	sst s8  }
0x11: {  	[smem:$0x3F8F] =	sst s9;
	s0 =	simm.s32 @!p0 $0x0  }
0x12: {  	s1 =	sld [smem:$0x3F75];
	s0 =	simm.s32 @p0 $0x1  }
0x13: {  	[smem:$0x3F90] =	sst s0;
	s0 =	simm.s32 @!p1 $0x0  }
0x14: {  	s2 =	sld [smem:$0x3F74];
	s0 =	simm.s32 @p1 $0x1  }
0x15: {  	[smem:$0x3F91] =	sst s0;
	s0 =	simm.s32 @!p2 $0x0  }
0x16: {  	s3 =	sld [smem:$0x3FDB];
	s0 =	simm.s32 @p2 $0x1  }
0x17: {  	s4 =	simm.s32 $0x1BF5;
	[smem:$0x3F93] =	sst s0  }
0x18: {  	s0 =	sld [smem:$0x3F76];
	_ =	swait.ge [sflag:s4], $0x0  }
0x19: {  	s7 =	sld [smem:$0x3F77]  }
0x1a: {  	s8 =	sadd.s32 $0xFFFFE003, lr  }
0x1b: {  	s9 =	sadd.s32 $0xFFFFFEF7, lr;
	s5 =	simm.s32 $0xFFFFFFFF;
	p2 =	slt.u32 s8, $0xFFFFF086  }
0x1c: {  	p1 =	slt.u32 s9, $0xF7A;
	s5 =	simm.s32 @!p2 $0x0  }
0x1d: {  	s5 =	simm.s32 @p1 $0x1;
	p0 =	seq.s32 s7, s2  }
0x1e: {  	s7 =	smul.u32 @!p0 $0xF7A, s2;
	p2 =	seq.s32 @!p0 s5, $0x0  }
0x1f: {  	s9 =	smul.u32 $0xF7A, s1;
	s8 =	simm.s32 @!p0 $0x1BF5;
	p2 =	por !p2, p0  }
0x20: {  	[sflag:s8] =	ssyncset.s32 @!p0 $0xFFFFF086;
	s6 =	sadd.s32 @!p0 s3, s7;
	s7 =	simm.s32 @!p0 $0x108  }
0x21: {  	s3 =	sadd.s32 s3, s9;
	s6 =	sadd.s32 @!p0 $0x88, s6;
	s7 =	simm.s32 @p2 $0x1082  }
0x22: {  	[simem:s7], [sflag:s8] =	dma.local @!p0 [hbm:s6], $0xF7A  }
0x23: {  	s9 =	sor.u32 $0xD0000000, s2;
	s6 =	simm.s32 $0x108;
	_ =	swait.ge @!p0 [sflag:s8], $0x0  }
0x24: {  	s3 =	sadd.s32 $0x88, s3;
	s6 =	simm.s32 @!p1 $0x1082;
	[sflag:s4] =	ssyncset.s32 $0xFFFFF086  }
0x25: {  	[simem:s6], [sflag:s4] =	dma.local [hbm:s3], $0xF7A  }
0x26: {  	[smem:$0x3F77] =	sst s1;
	(tag) =	ssettag s2;
	_ =	strace s9  }
0x27: {  	s1 =	sld [smem:$0x3F87]  }
0x28: {  	s2 =	sld [smem:$0x3F88]  }
0x29: {  	s4 =	sld [smem:$0x3F8A]  }
0x2a: {  	p0 =	seq.s32 s5, $0x0;
	s5 =	sld [smem:$0x3F8B]  }
0x2b: {  	s6 =	sld [smem:$0x3F8C]  }
0x2c: {  	s7 =	sld [smem:$0x3F8D]  }
0x2d: {  	s3 =	simm.s32 $0x108;
	s8 =	sld [smem:$0x3F8E]  }
0x2e: {  	s3 =	simm.s32 @!p0 $0x1082;
	s9 =	sld [smem:$0x3F8F]  }
0x2f: {  	lr =	sadd.s32 s0, s3;
	s0 =	sld [smem:$0x3F86]  }
0x30: {  	s3 =	sld [smem:$0x3F89]  }
0x31: {  	[smem:$0x3F92] =	sst s10  }
0x32: {  	s10 =	sld [smem:$0x3F90];
	_ =	sdelay $0x3  }
0x33: {  	p0 =	seq.s32 s10, $0x1;
	s10 =	sld [smem:$0x3F92];
	_ =	sdelay $0x3  }
0x34: {  	[smem:$0x3F92] =	sst s10  }
0x35: {  	s10 =	sld [smem:$0x3F91];
	_ =	sdelay $0x3  }
0x36: {  	p1 =	seq.s32 s10, $0x1;
	s10 =	sld [smem:$0x3F92];
	_ =	sdelay $0x3  }
0x37: {  	[smem:$0x3F92] =	sst s10  }
0x38: {  	s10 =	sld [smem:$0x3F93]  }
0x39: {  	_ = 	snop;
	(pc) =	sbr.ind lr, $3  }
0x3a: {  	_ = 	snop  }
0x3b: {  	_ = 	snop  }
0x3c: {  	p2 =	seq.s32 s10, $0x1;
	s10 =	sld [smem:$0x3F92]  }
0x3d: {  	_ =	shalt  }
0x3e: {  	_ =	shalt  }
0x3f: {  	_ =	shalt  }
0x40: {  	_ =	shalt  }
0x41: {  	_ =	shalt  }
0x42: {  	_ =	shalt  }
0x43: {  	_ =	shalt  }
0x44: {  	_ =	shalt  }
0x45: {  	_ =	shalt  }
0x46: {  	_ =	shalt  }
0x47: {  	_ =	shalt  }
0x48: {  	_ =	shalt  }
0x49: {  	_ =	shalt  }
0x4a: {  	_ =	shalt  }
0x4b: {  	_ =	shalt  }
0x4c: {  	_ =	shalt  }
0x4d: {  	_ =	shalt  }
0x4e: {  	_ =	shalt  }
0x4f: {  	_ =	shalt  }
0x50: {  	_ =	shalt  }
0x51: {  	_ =	shalt  }
0x52: {  	_ =	shalt  }
0x53: {  	_ =	shalt  }
0x54: {  	_ =	shalt  }
0x55: {  	_ =	shalt  }
0x56: {  	_ =	shalt  }
0x57: {  	_ =	shalt  }
0x58: {  	_ =	shalt  }
0x59: {  	_ =	shalt  }
0x5a: {  	_ =	shalt  }
0x5b: {  	_ =	shalt  }
0x5c: {  	_ =	shalt  }
0x5d: {  	_ =	shalt  }
0x5e: {  	_ =	shalt  }
0x5f: {  	_ =	shalt  }
0x60: {  	_ =	shalt  }
0x61: {  	_ =	shalt  }
0x62: {  	_ =	shalt  }
0x63: {  	_ =	shalt  }
0x64: {  	_ =	shalt  }
0x65: {  	_ =	shalt  }
0x66: {  	_ =	shalt  }
0x67: {  	_ =	shalt  }
0x68: {  	_ =	shalt  }
0x69: {  	_ =	shalt  }
0x6a: {  	_ =	shalt  }
0x6b: {  	_ =	shalt  }
0x6c: {  	_ =	shalt  }
0x6d: {  	_ =	shalt  }
0x6e: {  	_ =	shalt  }
0x6f: {  	_ =	shalt  }
0x70: {  	_ =	shalt  }
0x71: {  	_ =	shalt  }
0x72: {  	_ =	shalt  }
0x73: {  	_ =	shalt  }
0x74: {  	_ =	shalt  }
0x75: {  	_ =	shalt  }
0x76: {  	_ =	shalt  }
0x77: {  	_ =	shalt  }
0x78: {  	_ =	shalt  }
0x79: {  	_ =	shalt  }
0x7a: {  	_ =	shalt  }
0x7b: {  	_ =	shalt  }
0x7c: {  	_ =	shalt  }
0x7d: {  	_ =	shalt  }
0x7e: {  	_ =	shalt  }
0x7f: {  	_ =	shalt  }
0x80: {  	_ =	shalt  }
0x81: {  	_ =	shalt  }
0x82: {  	_ =	shalt  }
0x83: {  	_ =	shalt  }
0x84: {  	_ =	shalt  }
0x85: {  	_ =	shalt  }
0x86: {  	_ =	shalt  }
0x87: {  	_ =	shalt  }
.Lfunc_end0:
.L_simem_size_0:
called_computation.3_lowered:
.L_overlay_start_0:
0x88: {  	s2 =	sld [smem:$0x3FD9]  }
0x89: {  	s3 =	sld [smem:$0x3FFE];
	_ =	sdelay $0x1  }
0x8a: {  	s1 =	srdreg.scid  }
0x8b: {  	s0 =	sand.u32 $0x1, s1  }
0x8c: {  	s17 =	sshll.u32 s0, $0xA;
	s2 =	sadd.s32 s3, s2  }
0x8d: {  	s2 =	sadd.s32 s2, s17  }
0x8e: {  	[smem:$0x3F9E] =	sst s2  }
0x8f: {  	_ = 	snop  }
0x90: {  	(tm) =	ssettm $0x1  }
0x91: {  	s18 =	sld [smem:$0x3FFB];
	_ =	sdelay $0x3  }
0x92: {  	_ =	strace s18  }
0x93: {  	s2 =	sld [smem:$0x3FFC];
	_ =	sdelay $0x3  }
0x94: {  	_ =	strace s2  }
0x95: {  	s2 =	sld [smem:$0x3FFD];
	_ =	sdelay $0x3  }
0x96: {  	_ =	strace s2  }
0x97: {  	_ =	strace $0x8FFFFFFF  }
0x98: {  	s19 =	sld [smem:$0x3FDB];
	_ =	sdelay $0x1  }
0x99: {  	s20 =	simm.s32 $_scs_section_size  }
0x9a: {  	s4 =	simm.s32 $_size__tile_overlayer_lowered;
	s5 =	simm.s32 $_tile_overlayer_lowered  }
0x9b: {  	s6 =	simm.s32 $0x1BFF;
	s21 =	sshll.u32 s5, $0x1;
	s3 =	sadd.s32 s20, s19  }
0x9c: {  	s22 =	simm.s32 $0x0;
	s4 =	sshll.u32 s4, $0x1;
	s5 =	sadd.s32 s21, s3  }
0x9d: {  	[timem:s22], [sflag:s6] =	dma.local [hbm:s5], s4  }
0x9e: {  	_ =	swait.ge [sflag:s6], s4  }
0x9f: {  	s4 =	ssub.s32 $0x0, s4;
	[sflag:s6] =	ssyncset.done $0x0  }
0xa0: {  	[sflag:s6] =	ssyncadd.s32 s4;
	_ =	sdelay $0x1  }
0xa1: {  	s23 =	simm.s32 $0x1B8B  }
0xa2: {  	_ =	swait.ge [sflag:s23], $0x1  }
0xa3: {  	[sflag:s23] =	ssyncset.done $0x0  }
0xa4: {  	[sflag:s23] =	ssyncadd.s32 $0xFFFFFFFF  }
0xa5: {  	s4 =	sld [smem:$0x0]  }
0xa6: {  	s5 =	sand.u32 $0xFFFFFFFE, s1  }
0xa7: {  	p0 =	sne.s32 s1, s5  }
0xa8: {  	s5 =	sshll.u32 @p0 s5, $0xE  }
0xa9: {  	s5 =	sadd.s32 @p0 $0x11B8D, s5;
	s6 =	sshll.u32 @p0 s4, $0x11  }
0xaa: {  	s5 =	sor.u32 @p0 s6, s5  }
0xab: {  	[sflag:s5] =	ssyncadd.remote.s32 @p0 $0x1;
	_ =	sdelay $0x1  }
0xac: {  	s5 =	simm.s32 @p0 $0x1B8D  }
0xad: {  	_ =	swait.eq @p0 [sflag:s5], $0x1  }
0xae: {  	[sflag:s5] =	ssyncadd.s32 @p0 $0xFFFFFFFF  }
0xaf: {  	s6 =	sshll.u32 @!p0 s1, $0xE  }
0xb0: {  	s6 =	sor.u32 @!p0 $0x4000, s6;
	s5 =	simm.s32 @!p0 $0x1B8D  }
0xb1: {  	s4 =	sshll.u32 @!p0 s4, $0x11;
	s6 =	sadd.s32 @!p0 $0x11B8D, s6;
	_ =	swait.eq @!p0 [sflag:s5], $0x1  }
0xb2: {  	s4 =	sor.u32 @!p0 s4, s6;
	[sflag:s5] =	ssyncadd.s32 @!p0 $0xFFFFFFFF  }
0xb3: {  	s25 =	simm.s32 $0x1B8E;
	s24 =	sld [smem:$0x3FFE];
	[sflag:s4] =	ssyncadd.remote.s32 @!p0 $0x1  }
0xb4: {  	s26 =	simm.s32 $execute0_lowered;
	[smem:$0x3FD2] =	sst s25  }
0xb5: {  	s5 =	sshll.u32 s26, $0x1;
	_ =	strace $0x8000004F;
	[dreg:$0x1] =	wrdreg $0xFFFFFFFF  }
0xb6: {  	s28 =	simm.s32 $_size_execute0_lowered;
	s3 =	sadd.s32 s3, s5;
	[dreg:$0x0] =	wrdreg $0x0  }
0xb7: {  	s5 =	sshll.u32 s28, $0x1;
	[dreg:$0x2] =	wrdreg s3  }
0xb8: {  	[dreg:$0x3] =	wrdreg s5  }
0xb9: {  	[dreg:$0x4] =	wrdreg $0xC0  }
0xba: {  	_ =	task [dreg:s22], $0x5FFFF  }
0xbb: {  	[dreg:$0x1] =	wrdreg $0xFFFFFFFF  }
0xbc: {  	[dreg:$0x0] =	wrdreg $0x60  }
0xbd: {  	[dreg:$0x2] =	wrdreg s24  }
0xbe: {  	[dreg:$0x3] =	wrdreg $0xA  }
0xbf: {  	_ =	task.clear_ibuf [dreg:s22], $0x4FFFF;
	_ =	strace $0x9000004F  }
0xc0: {  	s29 =	simm.s32 $0xA;
	_ =	strace $0x80000051  }
0xc1: {  	_ =	swait.ge [sflag:s29], $0x1  }
0xc2: {  	[sflag:s29] =	ssyncadd.s32 $0xFFFFFFFF  }
0xc3: {  	_ =	strace $0x90000051  }
0xc4: {  	_ =	sfence  }
0xc5: {  	s30 =	sld [smem:$0x0];
	_ =	sdelay $0x2  }
0xc6: {  	s31 =	sshll.u32 s1, $0xD;
	s1 =	sshrl.u32 s1, $0x2  }
0xc7: {  	s4 =	sand.u32 $0x4000, s31;
	s1 =	sadd.s32 s1, s30  }
0xc8: {  	s0 =	sor.u32 s4, s0;
	s1 =	sshll.u32 s1, $0x11  }
0xc9: {  	s0 =	sor.u32 s1, s0  }
0xca: {  	s0 =	sadd.s32 $0x8F2B, s0  }
0xcb: {  	[sflag:s0] =	ssyncadd.remote.s32 $0x1  }
0xcc: {  	_ =	sfence.sel $0xFFFF  }
0xcd: {  	[dreg:$0x0] =	wrdreg $0xFFFFFFFF;
	(pc) =	sbr.abs _section_cstart, $3  }
0xce: {  	[dreg:$0x1] =	wrdreg $0xFFFFFFFF  }
0xcf: {  	_ =	task.clear_ibuf [dreg:s22], $0x2FFFF;
	_ =	strace $0x9FFFFFFF  }
0xd0: {  	(tm) =	ssettm $0x7FFFFFFF  }
0xd1: {  	_ =	shalt  }
tec
execute0_lowered:
.L_overlay_start_1:
0x0: {  	(tag) =	ssettag $0x1  }
0x1: {  	s0 =	rddreg [dreg:$0x0]  }
0x2: {  	s1 =	srdreg.scid;
	s3 =	stileid.u32  }
0x3: {  	s2 =	simm.s32 $0x0;
	s16 =	simm.s32 $0x1;
	s17 =	simm.s32 $0x80  }
0x4: {  	s18 =	simm.s32 $0x180;
	s19 =	simm.s32 $0x980;
	s20 =	simm.s32 $0x100  }
0x5: {  	s28 =	simm.s32 $0xA;
	s30 =	simm.s32 $0x19A8;
	s31 =	simm.s32 $0x7  }
0x6: {  	s29 =	simm.s32 $0x0;
	s1 =	sand.u32 $0x1, s1;
	s3 =	sshll.u32 s3, $0x1  }
0x7: {  	[smem:$0x7FF] =	sst s2;
	s5 =	sadd.s32 $0x7E00, s0;
	s6 =	sadd.s32 $0x1F9A00, s0  }
0x8: {  	s7 =	sor.u32 s1, s3;
	_ =	strace $0x80000050;
	s21 =	ssub.s32 $0x2, s1  }
0x9: {  	s3 =	sadd.s32 $0x20800, s0;
	s4 =	smul.u32 $0x61A8, s7;
	s1 =	sshrl.u32 s21, $0x1  }
0xa: {  	s7 =	smul.u32 $0x61A80, s7;
	s0 =	ssub.s32 s21, s1;
	s21 =	simm.s32 $0x4  }
0xb: {  	s8 =	sshrl.u32 s4, $0x3;
	s9 =	sadd.s32 $0xFFFFF80, s4;
	s10 =	sadd.s32 $0x100, s4  }
0xc: {  	s23 =	sshrl.u32 s7, $0x3;
	s11 =	sadd.s32 $0x180, s4;
	s24 =	sadd.s32 $0x6180, s4  }
0xd: {  	s0 =	smax.u32 s0, $0x1;
	s22 =	sadd.s32 s5, s8;
	s8 =	sadd.s32 $0x80, s4  }
0xe: {  	s1 =	sadd.s32 s6, s23;
	s25 =	sshrl.u32 s24, $0x3;
	s7 =	sshll.u32 s24, $0x1  }
.Ltmp0:
0xf: {  	[dreg:$0x6] =	wrdreg s0;
	s23 =	simm.s32 $0x1180;
	(pc) =	sbr.rel .LBB2_1-.Ltmp0, $4  }
0x10: {  	s24 =	simm.s32 $0x5;
	[dreg:$0x2] =	wrdreg s22;
	s1 =	sadd.s32 $0xC200, s1  }
0x11: {  	s0 =	simm.s32 $0x8;
	s26 =	sadd.s32 s6, s7;
	[dreg:$0x3] =	wrdreg s1  }
0x12: {  	s22 =	simm.s32 $0x3;
	s1 =	sadd.s32 s5, s25;
	[dreg:$0x5] =	wrdreg s26  }
0x13: {  	s25 =	simm.s32 $0x6;
	[dreg:$0x4] =	wrdreg s1;
	s1 =	simm.s32 $0x9  }
.LBB2_8:
0x14: {  	_ =	swait.ge [sflag:s25], $0x800  }
0x15: {  	[sflag:s25] =	ssyncset.done $0x0  }
0x16: {  	s7 =	rddreg [dreg:$0x3];
	[sflag:s25] =	ssyncadd.s32 $0xFFFFF800  }
0x17: {  	[hbm4b:s7+s2] =	stream.linear.scatter [tilespmem:s23], [sflag:$0x9], $0x800, $0x38;
	[tilespmem:$0x1C28] =	vst v63  }
0x18: {  	s12 =	simm.s32 $0x1980;
	s13 =	rddreg [dreg:$0x4]  }
0x19: {  	[tilespmem:s12], [sflag:$0xA] =	stream.linear.gather [hbm4b:s13+s2], $0x28, $0x38;
	[tilespmem:$0x1C28] =	vst v63  }
0x1a: {  	_ =	swait.ge [sflag:s28], $0x28  }
0x1b: {  	[sflag:s28] =	ssyncset.done $0x0  }
0x1c: {  	s14 =	simm.s32 $0x28;
	[sflag:s28] =	ssyncadd.s32 $0xFFFFFFD8  }
0x1d: {  	[tilespmem:s30], [sflag:$0x4] =	stream.indirect.gather [hbm4b:s3+s14], $0x10, s12, s14, $0xb8;
	[tilespmem:$0x1C28] =	vst v63  }
0x1e: {  	_ =	swait.ge [sflag:s21], $0x280  }
0x1f: {  	[sflag:s21] =	ssyncset.done $0x0  }
0x20: {  	s15 =	rddreg [dreg:$0x5];
	[sflag:s21] =	ssyncadd.s32 $0xFFFFFD80  }
0x21: {  	[hbm4b:s15+s2] =	stream.linear.scatter [tilespmem:s30], [sflag:$0xA], $0x280, $0x38;
	[tilespmem:$0x1C28] =	vst v63  }
0x22: {  	_ =	swait.ge [sflag:s28], $0x280  }
0x23: {  	[sflag:s28] =	ssyncset.done $0x0  }
0x24: {  	[sflag:s28] =	ssyncadd.s32 $0xFFFFFD80  }
0x25: {  	_ =	swait.ge [sflag:s31], $0x800  }
0x26: {  	[sflag:s31] =	ssyncset.done $0x0  }
0x27: {  	[sflag:s31] =	ssyncadd.s32 $0xFFFFF800  }
0x28: {  	_ =	swait.ge [sflag:s0], $0x800  }
0x29: {  	[sflag:s0] =	ssyncset.done $0x0  }
0x2a: {  	[sflag:s0] =	ssyncadd.s32 $0xFFFFF800  }
0x2b: {  	_ =	swait.ge [sflag:s1], $0x800  }
0x2c: {  	s29 =	sadd.s32 $0x1, s29;
	s26 =	rddreg [dreg:$0x6]  }
0x2d: {  	p0 =	sne.s32 s29, s26  }
.Ltmp1:
0x2e: {  	_ = 	snop;
	(pc) =	sbr.rel @!p0 .LBB2_9-.Ltmp1, $3  }
0x2f: {  	_ =	sdelay $0x1  }
0x30: {  	[sflag:s1] =	ssyncset.done $0x0  }
0x31: {  	[sflag:s1] =	ssyncadd.s32 $0xFFFFF800  }
.LBB2_1:
.Ltmp2:
0x32: {  	(pc) =	sbr.rel .LBB2_2-.Ltmp2, $3  }
0x33: {  	_ =	sdelay $0x1  }
0x34: {  	s7 =	rddreg [dreg:$0x2];
	s14 =	simm.s32 $0x0  }
0x35: {  	[tilespmem:s2], [sflag:$0x1] =	stream.linear.gather [hbm4b:s7+s2], $0x80, $0x38;
	[tilespmem:$0x1C28] =	vst v63  }
.LBB2_3:
0x36: {  	[tilespmem:s23], [sflag:$0x6] =	stream.indirect.gather [hbm4b:s3+s17], $0x10, s20, s17, $0xb8;
	[tilespmem:$0x1C28] =	vst v63  }
0x37: {  	s7 =	simm.s32 $0x1  }
.LBB2_6:
0x38: {  	s13 =	sadd.s32 s13, s11  }
0x39: {  	s13 =	sshrl.u32 s13, $0x3  }
0x3a: {  	s13 =	sadd.s32 s5, s13  }
0x3b: {  	[tilespmem:s2], [sflag:$0x1] =	stream.linear.gather [hbm4b:s13+s2], $0x80, $0x38;
	[tilespmem:$0x1C28] =	vst v63  }
.LBB2_7:
0x3c: {  	p0 =	slt.u32 s7, $0x41  }
.Ltmp3:
0x3d: {  	_ = 	snop;
	(pc) =	sbr.rel @!p0 .LBB2_8-.Ltmp3, $4  }
0x3e: {  	_ =	swait.ge [sflag:s24], $0x800;
	s12 =	sshll.u32 s12, $0x1  }
0x3f: {  	[sflag:s24] =	ssyncset.done $0x0;
	s12 =	sand.u32 $0x1FFFFFF0, s12  }
0x40: {  	s14 =	smov.u32 s7;
	[sflag:s24] =	ssyncadd.s32 $0xFFFFF800;
	s12 =	sadd.s32 s6, s12  }
0x41: {  	[hbm4b:s12+s2] =	stream.linear.scatter [tilespmem:s19], [sflag:$0x8], $0x800, $0x38;
	[tilespmem:$0x1C28] =	vst v63  }
.LBB2_2:
0x42: {  	_ =	swait.ge [sflag:s16], $0x80  }
0x43: {  	p0 =	seq.s32 s14, $0x0;
	[sflag:s16] =	ssyncset.done $0x0  }
0x44: {  	s13 =	smul.u32 $0x180, s14;
	s7 =	simm.s32 @!p0 $0x7;
	[sflag:s16] =	ssyncadd.s32 $0xFFFFFF80  }
0x45: {  	_ =	swait.ge @!p0 [sflag:s7], $0x800  }
0x46: {  	s12 =	sadd.s32 s13, s8;
	[sflag:s7] =	ssyncset.done @!p0 $0x0  }
0x47: {  	s26 =	sshrl.u32 s12, $0x3;
	[sflag:s7] =	ssyncadd.s32 @!p0 $0xFFFFF800  }
0x48: {  	[tilespmem:s18], [sflag:$0x4] =	stream.indirect.gather [hbm4b:s3+s17], $0x10, s2, s17, $0xb8;
	[tilespmem:$0x1C28] =	vst v63  }
0x49: {  	s7 =	sadd.s32 s5, s26  }
0x4a: {  	[tilespmem:s17], [sflag:$0x2] =	stream.linear.gather [hbm4b:s7+s2], $0x80, $0x38;
	[tilespmem:$0x1C28] =	vst v63  }
0x4b: {  	s7 =	simm.s32 @p0 $0x2  }
0x4c: {  	_ =	swait.ge @p0 [sflag:s7], $0x80  }
0x4d: {  	[sflag:s7] =	ssyncset.done @p0 $0x0  }
0x4e: {  	[sflag:s7] =	ssyncadd.s32 @p0 $0xFFFFFF80;
	s7 =	simm.s32 @!p0 $0x6  }
0x4f: {  	s15 =	sadd.s32 @!p0 s13, s9;
	_ =	swait.ge @!p0 [sflag:s7], $0x800  }
0x50: {  	s15 =	sshll.u32 @!p0 s15, $0x1;
	[sflag:s7] =	ssyncset.done @!p0 $0x0  }
0x51: {  	[sflag:s7] =	ssyncadd.s32 @!p0 $0xFFFFF800;
	s7 =	sand.u32 @!p0 $0x1FFFFFF0, s15  }
0x52: {  	s26 =	simm.s32 @!p0 $0x1180;
	s15 =	simm.s32 @!p0 $0x0;
	s7 =	sadd.s32 @!p0 s6, s7  }
0x53: {  	[hbm4b:s7+s15] =	stream.linear.scatter @!p0 [tilespmem:s26], [sflag:$0x9], $0x800, $0x38;
	[tilespmem:$0x1C28] =	vst v63  }
0x54: {  	s7 =	simm.s32 @!p0 $0x2  }
0x55: {  	_ =	swait.ge @!p0 [sflag:s7], $0x80  }
0x56: {  	[sflag:s7] =	ssyncset.done @!p0 $0x0  }
0x57: {  	[sflag:s7] =	ssyncadd.s32 @!p0 $0xFFFFFF80;
	s7 =	simm.s32 @!p0 $0x8  }
0x58: {  	_ =	swait.ge @!p0 [sflag:s7], $0x800  }
0x59: {  	s15 =	sadd.s32 s13, s10;
	[sflag:s7] =	ssyncset.done @!p0 $0x0  }
0x5a: {  	[sflag:s7] =	ssyncadd.s32 @!p0 $0xFFFFF800;
	s7 =	sshrl.u32 s15, $0x3  }
0x5b: {  	[tilespmem:s19], [sflag:$0x5] =	stream.indirect.gather [hbm4b:s3+s17], $0x10, s17, s17, $0xb8;
	[tilespmem:$0x1C28] =	vst v63  }
0x5c: {  	s26 =	sadd.s32 s4, s13;
	s7 =	sadd.s32 s5, s7  }
0x5d: {  	[tilespmem:s20], [sflag:$0x3] =	stream.linear.gather [hbm4b:s7+s2], $0x80, $0x38;
	[tilespmem:$0x1C28] =	vst v63  }
0x5e: {  	s7 =	sshll.u32 s26, $0x1;
	_ =	swait.ge [sflag:s21], $0x800  }
0x5f: {  	p0 =	sne.s32 s14, $0x0;
	s7 =	sand.u32 $0x1FFFFFF0, s7;
	[sflag:s21] =	ssyncset.done $0x0  }
.Ltmp4:
0x60: {  	s7 =	sadd.s32 s6, s7;
	[sflag:s21] =	ssyncadd.s32 $0xFFFFF800;
	(pc) =	sbr.rel @!p0 .LBB2_3-.Ltmp4, $4  }
0x61: {  	[hbm4b:s7+s2] =	stream.linear.scatter [tilespmem:s18], [sflag:$0x7], $0x800, $0x38;
	[tilespmem:$0x1C28] =	vst v63  }
0x62: {  	_ =	swait.ge [sflag:s22], $0x80  }
0x63: {  	[sflag:s22] =	ssyncset.done $0x0  }
0x64: {  	[sflag:s22] =	ssyncadd.s32 $0xFFFFFF80  }
0x65: {  	p0 =	seq.s32 s14, $0x40  }
.Ltmp5:
0x66: {  	_ = 	snop;
	(pc) =	sbr.rel @p0 .LBB2_7-.Ltmp5, $4  }
0x67: {  	_ =	swait.ge [sflag:s1], $0x800  }
0x68: {  	[sflag:s1] =	ssyncset.done $0x0  }
0x69: {  	s7 =	simm.s32 $0x41;
	[sflag:s1] =	ssyncadd.s32 $0xFFFFF800  }
0x6a: {  	[tilespmem:s23], [sflag:$0x6] =	stream.indirect.gather [hbm4b:s3+s17], $0x10, s20, s17, $0xb8;
	[tilespmem:$0x1C28] =	vst v63  }
.Ltmp6:
0x6b: {  	(pc) =	sbr.rel .LBB2_6-.Ltmp6, $2  }
0x6c: {  	_ =	sdelay $0x2  }
0x6d: {  	s7 =	sadd.s32 $0x1, s14  }
.LBB2_9:
0x6e: {  	_ =	sfence.sel $0x180000  }
0x6f: {  	[bflag:$0x0] =	sbarrier.arrive $0xFFFF  }
0x70: {  	_ =	strace $0x90000050  }
0x71: {  	s0 =	stileid.u32;
	[bflag:$0x2] =	sbarrier.arrive $0xFFFF  }
0x72: {  	p0 =	sne.s32 s0, $0x0;
	s0 =	rddreg [dreg:$0x1]  }
0x73: {  	s0 =	sadd.s32 @!p0 $0x100000, s0  }
0x74: {  	[sflag:s0] =	ssyncadd.tile.s32 @!p0 $0x1;
	_ =	shalt  }
.Lfunc_end2:
_tile_overlayer_lowered:
.L_overlay_start_2:
0x75: {  	(tag) =	ssettag $0x2  }
0x76: {  	s0 =	rddreg [dreg:$0x0];
	s2 =	stileid.u32  }
0x77: {  	s1 =	rddreg [dreg:$0x1];
	p0 =	sne.s32 s2, $0x0  }
0x78: {  	s3 =	rddreg [dreg:$0x2];
	[bflag:$0x3] =	sbarrier.arrive $0xFFFF;
	s2 =	simm.s32 @!p0 $0x1C0A  }
0x79: {  	[timem:s3], [sflag:s2] =	dma.local @!p0 [hbm:s0], s1  }
0x7a: {  	s0 =	simm.s32 @!p0 $0xA  }
0x7b: {  	_ =	swait.ge @!p0 [sflag:s0], s1  }
0x7c: {  	s1 =	ssub.s32 @!p0 $0x0, s1;
	[sflag:s0] =	ssyncset.done @!p0 $0x0  }
0x7d: {  	[sflag:s0] =	ssyncadd.s32 @!p0 s1  }
0x7e: {  	[bflag:$0x3] =	sbarrier.arrive $0xFFFF  }
0x7f: {  	_ =	shalt  }

</sc_bundles>
